<compile_context>
chip_gen: v7x
topology: tpu7x:2x2x1
jax: 0.10.2.dev20260603
libtpu: 0.0.44.dev20260713+nightly
codegen_flags: <defaults>
</compile_context>

<pallas_src>
import functools

import jax
import jax.numpy as jnp
from jax import lax
from jax.experimental import pallas as pl
from jax.experimental.pallas import tpu as pltpu
from jax.experimental.pallas import tpu_sc as plsc

M = 65536
N = 65536
NNZ = 4194304

NC = 2
NS = 16
NW = NC * NS
CHUNK = NNZ // NW
BLK = 2048
NBLK = CHUNK // BLK
WWORDS = 28672
W1 = 3584
FL = 2048
ROWS_PER_SUB = M // NS


def _spmv_body(rows_hbm, cols_hbm, vals_hbm, x_hbm, out_hbm,
               x_v, cols_v0, cols_v1, cols_v2, cols_v3,
               vals_v0, vals_v1, vals_v2, vals_v3,
               rows_v0, rows_v1, rows_v2, rows_v3,
               prod_v0, prod_v1, win_v, iota_v, iota5_v, acc_sh,
               x_sem, in_sems, rows_sems, scat_sems, misc_sems):
    cols_vs = (cols_v0, cols_v1, cols_v2, cols_v3)
    vals_vs = (vals_v0, vals_v1, vals_v2, vals_v3)
    rows_vs = (rows_v0, rows_v1, rows_v2, rows_v3)
    prod_vs = (prod_v0, prod_v1)
    c = lax.axis_index("c")
    s = lax.axis_index("s")
    wid = s * NC + c
    wbase = wid * CHUNK

    pltpu.async_copy(x_hbm, x_v, x_sem)

    def start_inputs(blk, b, r):
        off = pl.multiple_of(wbase + blk * BLK, BLK)
        pltpu.async_copy(cols_hbm.at[pl.ds(off, BLK)], cols_vs[b],
                         in_sems.at[b, 0])
        pltpu.async_copy(vals_hbm.at[pl.ds(off, BLK)], vals_vs[b],
                         in_sems.at[b, 1])
        pltpu.async_copy(rows_hbm.at[pl.ds(off, BLK)], rows_vs[r],
                         rows_sems.at[r])

    def wait_inputs(b, r):
        pltpu.make_async_copy(cols_hbm.at[pl.ds(0, BLK)], cols_vs[b],
                              in_sems.at[b, 0]).wait()
        pltpu.make_async_copy(vals_hbm.at[pl.ds(0, BLK)], vals_vs[b],
                              in_sems.at[b, 1]).wait()
        pltpu.make_async_copy(rows_hbm.at[pl.ds(0, BLK)], rows_vs[r],
                              rows_sems.at[r]).wait()

    start_inputs(0, 0, 0)
    pltpu.async_copy(rows_hbm.at[pl.ds(wbase, 16)],
                     iota_v.at[pl.ds(0, 16)], misc_sems.at[0])
    pltpu.async_copy(rows_hbm.at[pl.ds(wbase + CHUNK - 16, 16)],
                     iota_v.at[pl.ds(16, 16)], misc_sems.at[1])

    def _zero(i, carry):
        win_v[pl.ds(i * 16, 16)] = jnp.zeros((16,), jnp.float32)
        return carry
    lax.fori_loop(0, ROWS_PER_SUB // 16, _zero, 0)
    pltpu.sync_copy(win_v.at[pl.ds(0, ROWS_PER_SUB)],
                    acc_sh.at[pl.ds(s * ROWS_PER_SUB, ROWS_PER_SUB)])

    pltpu.make_async_copy(x_hbm, x_v, x_sem).wait()
    pltpu.make_async_copy(rows_hbm.at[pl.ds(0, 16)],
                          iota_v.at[pl.ds(0, 16)], misc_sems.at[0]).wait()
    pltpu.make_async_copy(rows_hbm.at[pl.ds(0, 16)],
                          iota_v.at[pl.ds(16, 16)], misc_sems.at[1]).wait()
    lo = jnp.min(iota_v[pl.ds(0, 16)])
    hi = jnp.max(iota_v[pl.ds(16, 16)])
    span = hi - lo + 1
    plsc.subcore_barrier()

    iota16 = lax.iota(jnp.int32, 16)

    def fast_path(S, FLT, iota_ref):
        nfl = (span + FLT - 1) // FLT
        laneS = iota16 % S

        def _zw(i, carry):
            win_v[pl.ds(i * 16, 16)] = jnp.zeros((16,), jnp.float32)
            return carry
        lax.fori_loop(0, nfl * (FLT * S // 16), _zw, 0)

        start_inputs(1, 1, 1)
        start_inputs(2, 2, 2)

        def _quad(q, carry):
            for b in range(4):
                blk = q * 4 + b

                @pl.when(blk + 3 < NBLK)
                def _():
                    start_inputs(blk + 3, (b + 3) % 4, (b + 3) % 4)

                wait_inputs(b, b)

                @plsc.parallel_loop(0, 1, 1, unroll=1)
                def _inner(i):
                    cols16 = cols_vs[b][pl.ds(i * 16, 16)]
                    vals16 = vals_vs[b][pl.ds(i * 16, 16)]
                    rows16 = rows_vs[b][pl.ds(i * 16, 16)]
                    widx = (rows16 - lo) * S + laneS
                    plsc.addupdate_scatter(win_v, [widx], vals16 * cols16.astype(jnp.float32))
            return carry

        lax.fori_loop(0, NBLK // 4, _quad, 0)

        iotaS = iota16 * S

        def _flush(t, carry):
            fbase = lo + t * FLT

            def _bi(k, kcarry):
                idx16 = jnp.minimum(fbase + k * 16 + iota16, M - 1)
                iota_ref[pl.ds(k * 16, 16)] = idx16
                if S > 1:
                    gidx = (t * FLT + k * 16) * S + iotaS
                    tot = plsc.load_gather(win_v, [gidx])
                    for j in range(1, S):
                        tot = tot + plsc.load_gather(win_v, [gidx + j])
                    prod_v0[pl.ds(k * 16, 16)] = tot
                return kcarry
            lax.fori_loop(0, FLT // 16, _bi, 0)
            if S > 1:
                pltpu.sync_copy(prod_v0.at[pl.ds(0, FLT)],
                                acc_sh.at[iota_ref], add=True)
            else:
                pltpu.sync_copy(win_v.at[pl.ds(t * FLT, FLT)],
                                acc_sh.at[iota_ref], add=True)
            return carry

        lax.fori_loop(0, nfl, _flush, 0)

    @pl.when(span <= W1)
    def _fast8():
        fast_path(8, 512, iota5_v)

    @pl.when(jnp.logical_and(span > W1, span <= WWORDS))
    def _fast1():
        fast_path(1, FL, iota_v)

    @pl.when(span > WWORDS)
    def _slow():
        def compute(b, p):
            @plsc.parallel_loop(0, BLK // 16, 1, unroll=4)
            def _inner(i):
                cols16 = cols_vs[b][pl.ds(i * 16, 16)]
                vals16 = vals_vs[b][pl.ds(i * 16, 16)]
                xg = plsc.load_gather(x_v, [cols16])
                prod_vs[p][pl.ds(i * 16, 16)] = vals16 * xg

        def fire_scatters(b, r):
            pltpu.async_copy(prod_vs[b], acc_sh.at[rows_vs[r]],
                             scat_sems.at[b], add=True)

        def drain_scatters(b, r):
            pltpu.make_async_copy(prod_vs[b], acc_sh.at[rows_vs[r]],
                                  scat_sems.at[b]).wait()

        def _quad(q, carry):
            for u in range(4):
                blk = q * 4 + u
                p = u % 2

                @pl.when(blk + 1 < NBLK)
                def _():
                    start_inputs(blk + 1, (u + 1) % 4, (u + 1) % 4)

                wait_inputs(u, u)

                @pl.when(blk >= 2)
                def _():
                    drain_scatters(p, (u + 2) % 4)

                compute(u, p)
                fire_scatters(p, u)
            return carry

        lax.fori_loop(0, NBLK // 4, _quad, 0)
        drain_scatters(0, 2)
        drain_scatters(1, 3)

    plsc.subcore_barrier()
    pltpu.sync_copy(acc_sh.at[pl.ds(s * ROWS_PER_SUB, ROWS_PER_SUB)],
                    out_hbm.at[c, pl.ds(s * ROWS_PER_SUB, ROWS_PER_SUB)])


_spmv = functools.partial(
    pl.kernel,
    out_type=jax.ShapeDtypeStruct((NC, M), jnp.float32),
    mesh=plsc.VectorSubcoreMesh(core_axis_name="c", subcore_axis_name="s"),
    compiler_params=pltpu.CompilerParams(needs_layout_passes=False),
    scratch_types=[
        pltpu.VMEM((N,), jnp.float32),
        pltpu.VMEM((BLK,), jnp.int32),
        pltpu.VMEM((BLK,), jnp.int32),
        pltpu.VMEM((BLK,), jnp.int32),
        pltpu.VMEM((BLK,), jnp.int32),
        pltpu.VMEM((BLK,), jnp.float32),
        pltpu.VMEM((BLK,), jnp.float32),
        pltpu.VMEM((BLK,), jnp.float32),
        pltpu.VMEM((BLK,), jnp.float32),
        pltpu.VMEM((BLK,), jnp.int32),
        pltpu.VMEM((BLK,), jnp.int32),
        pltpu.VMEM((BLK,), jnp.int32),
        pltpu.VMEM((BLK,), jnp.int32),
        pltpu.VMEM((BLK,), jnp.float32),
        pltpu.VMEM((BLK,), jnp.float32),
        pltpu.VMEM((WWORDS,), jnp.float32),
        pltpu.VMEM((FL,), jnp.int32),
        pltpu.VMEM((512,), jnp.int32),
        pltpu.VMEM_SHARED((M,), jnp.float32),
        pltpu.SemaphoreType.DMA,
        pltpu.SemaphoreType.DMA((4, 2)),
        pltpu.SemaphoreType.DMA((4,)),
        pltpu.SemaphoreType.DMA((2,)),
        pltpu.SemaphoreType.DMA((2,)),
    ],
)(_spmv_body)


def _finish_body(acc_ref, b_ref, iy_ref, out_ref):
    y = acc_ref[0] + acc_ref[1] - b_ref[...]
    py = y + iy_ref[...] * jnp.maximum(-y, 0.0)
    part_2 = jnp.max(jnp.abs(py))
    part_3 = 1.0 + jnp.max(jnp.abs(b_ref[...]))
    out_ref[0, 0] = part_2 / part_3


_finish = pl.pallas_call(
    _finish_body,
    out_shape=jax.ShapeDtypeStruct((1, 1), jnp.float32),
    out_specs=pl.BlockSpec(memory_space=pltpu.SMEM),
)


def kernel(A_rows, A_cols, A_values, b, c, x, Iy):
    rows1d = A_rows.astype(jnp.int32)
    cols = A_cols.astype(jnp.int32)
    xf = x[:, 0]
    acc = _spmv(rows1d, cols, A_values, xf)
    out = _finish(acc.reshape(NC, 512, 128),
                  b.reshape(512, 128),
                  Iy.reshape(512, 128))
    return out[0, 0]

# --- scband reference (transcript-rebuilt; emitter-appended) ---
"""Pipeline reference for scband-r-primal-old-62002147885374 (READ-ONLY COPY).

The authoritative reference and input builder live on the scoring server;
editing this copy changes nothing except your own understanding.
"""

import jax, jax.numpy as jnp
import numpy as np

M = 65536
N = 65536
NNZ = 4194304


def setup_inputs(seed: int = 0) -> dict:
    key = jax.random.key(seed)
    ks = jax.random.split(key, 7)
    A_rows = jnp.sort(jax.random.randint(ks[0], (NNZ,), 0, M))
    A_cols = jax.random.randint(ks[1], (NNZ,), 0, N)
    A_values = jax.random.normal(ks[2], (NNZ,), dtype=jnp.float32)
    b = jax.random.normal(ks[3], (M,), dtype=jnp.float32)
    c = jax.random.normal(ks[4], (N,), dtype=jnp.float32)
    x = jax.random.normal(ks[5], (N, 1), dtype=jnp.float32)
    Iy = jax.random.uniform(ks[6], (M, 1), dtype=jnp.float32)
    return {"A_rows": A_rows, "A_cols": A_cols, "A_values": A_values,
            "b": b, "c": c, "x": x, "Iy": Iy}


def reference(A_rows, A_cols, A_values, b, c, x, Iy):
    # Ax = torch.sparse.mm(A, x)  with A in COO form, x: [N, 1]
    gathered = A_values * x[A_cols, 0]                     # gather over x rows
    Ax = jax.ops.segment_sum(gathered, A_rows, num_segments=M)  # scatter-add per row
    Ax = Ax[:, None]                                       # [M, 1]
    # proj_y: y + Iy * relu(-y), Iy already [M, 1] so no unsqueeze
    y = Ax - b[:, None]
    py = y + Iy * jax.nn.relu(-y)
    # part_2 = || py ||_inf ; part_3 = 1 + || b ||_inf
    part_2 = jnp.max(jnp.abs(py))
    part_3 = 1.0 + jnp.max(jnp.abs(b))
    return part_2 / part_3

if __name__ == "__main__":
    import jax
    _d = setup_inputs()
    print(jax.jit(kernel)(*tuple(_d.values())))

</pallas_src>

<mosaic_0001>
#map = affine_map<(d0, d1) -> (0)>
#map1 = affine_map<(d0, d1) -> (0, 0)>
module attributes {stable_mosaic.version = 14 : i64} {
  func.func @_spmv_body(%arg0: i32, %arg1: i32, %arg2: memref<4194304xi32, #tpu.memory_space<hbm>>, %arg3: memref<4194304xi32, #tpu.memory_space<hbm>>, %arg4: memref<4194304xf32, #tpu.memory_space<hbm>>, %arg5: memref<65536xf32, #tpu.memory_space<hbm>>, %arg6: memref<2x65536xf32, #tpu.memory_space<hbm>>, %arg7: memref<65536xf32, #tpu.memory_space<vmem>>, %arg8: memref<2048xi32, #tpu.memory_space<vmem>>, %arg9: memref<2048xi32, #tpu.memory_space<vmem>>, %arg10: memref<2048xi32, #tpu.memory_space<vmem>>, %arg11: memref<2048xi32, #tpu.memory_space<vmem>>, %arg12: memref<2048xf32, #tpu.memory_space<vmem>>, %arg13: memref<2048xf32, #tpu.memory_space<vmem>>, %arg14: memref<2048xf32, #tpu.memory_space<vmem>>, %arg15: memref<2048xf32, #tpu.memory_space<vmem>>, %arg16: memref<2048xi32, #tpu.memory_space<vmem>>, %arg17: memref<2048xi32, #tpu.memory_space<vmem>>, %arg18: memref<2048xi32, #tpu.memory_space<vmem>>, %arg19: memref<2048xi32, #tpu.memory_space<vmem>>, %arg20: memref<2048xf32, #tpu.memory_space<vmem>>, %arg21: memref<2048xf32, #tpu.memory_space<vmem>>, %arg22: memref<28672xf32, #tpu.memory_space<vmem>>, %arg23: memref<2048xi32, #tpu.memory_space<vmem>>, %arg24: memref<512xi32, #tpu.memory_space<vmem>>, %arg25: memref<65536xf32, #tpu.memory_space<vmem_shared>>, %arg26: memref<!tpu.dma_semaphore, #tpu.memory_space<semaphore_mem>>, %arg27: memref<4x2x!tpu.dma_semaphore, #tpu.memory_space<semaphore_mem>>, %arg28: memref<4x!tpu.dma_semaphore, #tpu.memory_space<semaphore_mem>>, %arg29: memref<2x!tpu.dma_semaphore, #tpu.memory_space<semaphore_mem>>, %arg30: memref<2x!tpu.dma_semaphore, #tpu.memory_space<semaphore_mem>>) attributes {dimension_semantics = [#tpu.dimension_semantics<core_parallel>, #tpu.dimension_semantics<subcore_parallel>], iteration_bounds = array<i64: 2, 16>, scalar_prefetch = 0 : i64, scratch_operands = 24 : i64, tpu.core_type = #tpu.core_type<sc_vector_subcore>, window_params = [{transform_indices = #map}, {transform_indices = #map}, {transform_indices = #map}, {transform_indices = #map}, {transform_indices = #map1}]} {
    %mul3A = arith.constant 2 : i32
    %mul3A_0 = arith.muli %arg1, %mul3A : i32
    %add3A = arith.addi %mul3A_0, %arg0 : i32
    %mul3A_1 = arith.constant 131072 : i32
    %mul3A_2 = arith.muli %add3A, %mul3A_1 : i32
    tpu.enqueue_dma source(%arg5 : memref<65536xf32, #tpu.memory_space<hbm>>) target(%arg7 : memref<65536xf32, #tpu.memory_space<vmem>>) target_semaphore(%arg26 : memref<!tpu.dma_semaphore, #tpu.memory_space<semaphore_mem>>)
    %add3A_3 = arith.constant 0 : i32
    %add3A_4 = arith.addi %mul3A_2, %add3A_3 : i32
    %multiple_of3A = tpu.assume_multiple %add3A_4, 2048 : i32
    %dma_start3A = arith.constant 0 : i32
    %dma_start3A_5 = arith.constant 0 : i32
    %dma_start3A_6 = tpu.memref_slice %arg3[%multiple_of3A] : memref<4194304xi32, #tpu.memory_space<hbm>> -> memref<2048xi32, #tpu.memory_space<hbm>>
    %dma_start3A_7 = tpu.memref_slice %arg27[%dma_start3A, %dma_start3A_5] : memref<4x2x!tpu.dma_semaphore, #tpu.memory_space<semaphore_mem>> -> memref<1x1x!tpu.dma_semaphore, #tpu.memory_space<semaphore_mem>>
    %dma_start3A_8 = tpu.memref_squeeze %dma_start3A_7 : memref<1x1x!tpu.dma_semaphore, #tpu.memory_space<semaphore_mem>> -> memref<!tpu.dma_semaphore, #tpu.memory_space<semaphore_mem>>
    %dma_start3A_9 = tpu.memref_slice %arg3[%multiple_of3A] : memref<4194304xi32, #tpu.memory_space<hbm>> -> memref<2048xi32, #tpu.memory_space<hbm>>
    tpu.enqueue_dma source(%dma_start3A_9 : memref<2048xi32, #tpu.memory_space<hbm>>) target(%arg8 : memref<2048xi32, #tpu.memory_space<vmem>>) target_semaphore(%dma_start3A_8 : memref<!tpu.dma_semaphore, #tpu.memory_space<semaphore_mem>>)
    %dma_start3A_10 = arith.constant 0 : i32
    %dma_start3A_11 = arith.constant 1 : i32
    %dma_start3A_12 = tpu.memref_slice %arg4[%multiple_of3A] : memref<4194304xf32, #tpu.memory_space<hbm>> -> memref<2048xf32, #tpu.memory_space<hbm>>
    %dma_start3A_13 = tpu.memref_slice %arg27[%dma_start3A_10, %dma_start3A_11] : memref<4x2x!tpu.dma_semaphore, #tpu.memory_space<semaphore_mem>> -> memref<1x1x!tpu.dma_semaphore, #tpu.memory_space<semaphore_mem>>
    %dma_start3A_14 = tpu.memref_squeeze %dma_start3A_13 : memref<1x1x!tpu.dma_semaphore, #tpu.memory_space<semaphore_mem>> -> memref<!tpu.dma_semaphore, #tpu.memory_space<semaphore_mem>>
    %dma_start3A_15 = tpu.memref_slice %arg4[%multiple_of3A] : memref<4194304xf32, #tpu.memory_space<hbm>> -> memref<2048xf32, #tpu.memory_space<hbm>>
    tpu.enqueue_dma source(%dma_start3A_15 : memref<2048xf32, #tpu.memory_space<hbm>>) target(%arg12 : memref<2048xf32, #tpu.memory_space<vmem>>) target_semaphore(%dma_start3A_14 : memref<!tpu.dma_semaphore, #tpu.memory_space<semaphore_mem>>)
    %dma_start3A_16 = arith.constant 0 : i32
    %dma_start3A_17 = tpu.memref_slice %arg2[%multiple_of3A] : memref<4194304xi32, #tpu.memory_space<hbm>> -> memref<2048xi32, #tpu.memory_space<hbm>>
    %dma_start3A_18 = tpu.memref_slice %arg28[%dma_start3A_16] : memref<4x!tpu.dma_semaphore, #tpu.memory_space<semaphore_mem>> -> memref<1x!tpu.dma_semaphore, #tpu.memory_space<semaphore_mem>>
    %dma_start3A_19 = tpu.memref_squeeze %dma_start3A_18 : memref<1x!tpu.dma_semaphore, #tpu.memory_space<semaphore_mem>> -> memref<!tpu.dma_semaphore, #tpu.memory_space<semaphore_mem>>
    %dma_start3A_20 = tpu.memref_slice %arg2[%multiple_of3A] : memref<4194304xi32, #tpu.memory_space<hbm>> -> memref<2048xi32, #tpu.memory_space<hbm>>
    tpu.enqueue_dma source(%dma_start3A_20 : memref<2048xi32, #tpu.memory_space<hbm>>) target(%arg16 : memref<2048xi32, #tpu.memory_space<vmem>>) target_semaphore(%dma_start3A_19 : memref<!tpu.dma_semaphore, #tpu.memory_space<semaphore_mem>>)
    %dma_start3A_21 = arith.constant 0 : i32
    %dma_start3A_22 = arith.constant 0 : i32
    %dma_start3A_23 = tpu.memref_slice %arg23[%dma_start3A_22] : memref<2048xi32, #tpu.memory_space<vmem>> -> memref<16xi32, #tpu.memory_space<vmem>>
    %dma_start3A_24 = tpu.memref_slice %arg2[%mul3A_2] : memref<4194304xi32, #tpu.memory_space<hbm>> -> memref<16xi32, #tpu.memory_space<hbm>>
    %dma_start3A_25 = tpu.memref_slice %arg30[%dma_start3A_21] : memref<2x!tpu.dma_semaphore, #tpu.memory_space<semaphore_mem>> -> memref<1x!tpu.dma_semaphore, #tpu.memory_space<semaphore_mem>>
    %dma_start3A_26 = tpu.memref_squeeze %dma_start3A_25 : memref<1x!tpu.dma_semaphore, #tpu.memory_space<semaphore_mem>> -> memref<!tpu.dma_semaphore, #tpu.memory_space<semaphore_mem>>
    %dma_start3A_27 = arith.constant 0 : i32
    %dma_start3A_28 = tpu.memref_slice %arg23[%dma_start3A_27] : memref<2048xi32, #tpu.memory_space<vmem>> -> memref<16xi32, #tpu.memory_space<vmem>>
    %dma_start3A_29 = tpu.memref_slice %arg2[%mul3A_2] : memref<4194304xi32, #tpu.memory_space<hbm>> -> memref<16xi32, #tpu.memory_space<hbm>>
    tpu.enqueue_dma source(%dma_start3A_29 : memref<16xi32, #tpu.memory_space<hbm>>) target(%dma_start3A_28 : memref<16xi32, #tpu.memory_space<vmem>>) target_semaphore(%dma_start3A_26 : memref<!tpu.dma_semaphore, #tpu.memory_space<semaphore_mem>>)
    %add3A_30 = arith.constant 131072 : i32
    %add3A_31 = arith.addi %mul3A_2, %add3A_30 : i32
    %sub3A = arith.constant 16 : i32
    %sub3A_32 = arith.subi %add3A_31, %sub3A : i32
    %dma_start3A_33 = arith.constant 1 : i32
    %dma_start3A_34 = arith.constant 16 : i32
    %dma_start3A_35 = tpu.memref_slice %arg23[%dma_start3A_34] : memref<2048xi32, #tpu.memory_space<vmem>> -> memref<16xi32, #tpu.memory_space<vmem>>
    %dma_start3A_36 = tpu.memref_slice %arg2[%sub3A_32] : memref<4194304xi32, #tpu.memory_space<hbm>> -> memref<16xi32, #tpu.memory_space<hbm>>
    %dma_start3A_37 = tpu.memref_slice %arg30[%dma_start3A_33] : memref<2x!tpu.dma_semaphore, #tpu.memory_space<semaphore_mem>> -> memref<1x!tpu.dma_semaphore, #tpu.memory_space<semaphore_mem>>
    %dma_start3A_38 = tpu.memref_squeeze %dma_start3A_37 : memref<1x!tpu.dma_semaphore, #tpu.memory_space<semaphore_mem>> -> memref<!tpu.dma_semaphore, #tpu.memory_space<semaphore_mem>>
    %dma_start3A_39 = arith.constant 16 : i32
    %dma_start3A_40 = tpu.memref_slice %arg23[%dma_start3A_39] : memref<2048xi32, #tpu.memory_space<vmem>> -> memref<16xi32, #tpu.memory_space<vmem>>
    %dma_start3A_41 = tpu.memref_slice %arg2[%sub3A_32] : memref<4194304xi32, #tpu.memory_space<hbm>> -> memref<16xi32, #tpu.memory_space<hbm>>
    tpu.enqueue_dma source(%dma_start3A_41 : memref<16xi32, #tpu.memory_space<hbm>>) target(%dma_start3A_40 : memref<16xi32, #tpu.memory_space<vmem>>) target_semaphore(%dma_start3A_38 : memref<!tpu.dma_semaphore, #tpu.memory_space<semaphore_mem>>)
    %scan3A = arith.constant 0 : i32
    %scan3A_42 = arith.constant 0 : i32
    %scan3A_43 = arith.constant 256 : i32
    %scan3A_44 = arith.addi %scan3A_42, %scan3A_43 : i32
    %scan3A_45 = arith.constant 1 : i32
    scf.for %scan3A_108 = %scan3A_42 to %scan3A_44 step %scan3A_45  : i32 {
      %broadcast_in_dim3A = arith.constant 0.000000e+00 : f32
      %broadcast_in_dim3A_109 = vector.broadcast %broadcast_in_dim3A : f32 to vector<16xf32>
      %mul3A_110 = arith.constant 16 : i32
      %mul3A_111 = arith.muli %scan3A_108, %mul3A_110 : i32
      %swap3A = arith.index_cast %mul3A_111 : i32 to index
      %swap3A_112 = tpu.vector_load %arg22[%swap3A] {strides = array<i32>} : memref<28672xf32, #tpu.memory_space<vmem>>, vector<16xf32>,
      tpu.vector_store %arg22[%swap3A], %broadcast_in_dim3A_109 {strides = array<i32>} : memref<28672xf32, #tpu.memory_space<vmem>>, vector<16xf32>,
    }
    %scan3A_46 = arith.constant 256 : i32
    %mul3A_47 = arith.constant 4096 : i32
    %mul3A_48 = arith.muli %arg1, %mul3A_47 : i32
    "tpu.region"() ({
      %run_scoped3A = tpu.sem_alloc : memref<!tpu.dma_semaphore, #tpu.memory_space<semaphore_mem>>
      %dma_start3A_108 = arith.constant 0 : i32
      %dma_start3A_109 = tpu.memref_slice %arg22[%dma_start3A_108] : memref<28672xf32, #tpu.memory_space<vmem>> -> memref<4096xf32, #tpu.memory_space<vmem>>
      %dma_start3A_110 = tpu.memref_slice %arg25[%mul3A_48] : memref<65536xf32, #tpu.memory_space<vmem_shared>> -> memref<4096xf32, #tpu.memory_space<vmem_shared>>
      %dma_start3A_111 = tpu.memref_slice %arg25[%mul3A_48] : memref<65536xf32, #tpu.memory_space<vmem_shared>> -> memref<4096xf32, #tpu.memory_space<vmem_shared>>
      %dma_start3A_112 = arith.constant 0 : i32
      %dma_start3A_113 = tpu.memref_slice %arg22[%dma_start3A_112] : memref<28672xf32, #tpu.memory_space<vmem>> -> memref<4096xf32, #tpu.memory_space<vmem>>
      tpu.enqueue_dma source(%dma_start3A_113 : memref<4096xf32, #tpu.memory_space<vmem>>) target(%dma_start3A_111 : memref<4096xf32, #tpu.memory_space<vmem_shared>>) target_semaphore(%run_scoped3A : memref<!tpu.dma_semaphore, #tpu.memory_space<semaphore_mem>>)
      %dma_wait3A_114 = arith.constant 0 : i32
      %dma_wait3A_115 = tpu.memref_slice %arg22[%dma_wait3A_114] : memref<28672xf32, #tpu.memory_space<vmem>> -> memref<4096xf32, #tpu.memory_space<vmem>>
      %dma_wait3A_116 = tpu.memref_slice %arg25[%mul3A_48] : memref<65536xf32, #tpu.memory_space<vmem_shared>> -> memref<4096xf32, #tpu.memory_space<vmem_shared>>
      %dma_wait3A_117 = tpu.memref_slice %arg25[%mul3A_48] : memref<65536xf32, #tpu.memory_space<vmem_shared>> -> memref<4096xf32, #tpu.memory_space<vmem_shared>>
      %dma_wait3A_118 = arith.constant 0 : i32
      %dma_wait3A_119 = tpu.memref_slice %arg22[%dma_wait3A_118] : memref<28672xf32, #tpu.memory_space<vmem>> -> memref<4096xf32, #tpu.memory_space<vmem>>
      tpu.wait_dma2 semaphore(%run_scoped3A : memref<!tpu.dma_semaphore, #tpu.memory_space<semaphore_mem>>) src(%dma_wait3A_119 : memref<4096xf32, #tpu.memory_space<vmem>>) dst(%dma_wait3A_117 : memref<4096xf32, #tpu.memory_space<vmem_shared>>)
      tpu.yield
    }) : () -> ()
    tpu.wait_dma2 semaphore(%arg26 : memref<!tpu.dma_semaphore, #tpu.memory_space<semaphore_mem>>) src(%arg5 : memref<65536xf32, #tpu.memory_space<hbm>>) dst(%arg7 : memref<65536xf32, #tpu.memory_space<vmem>>)
    %dma_wait3A = arith.constant 0 : i32
    %dma_wait3A_49 = arith.constant 0 : i32
    %dma_wait3A_50 = tpu.memref_slice %arg23[%dma_wait3A_49] : memref<2048xi32, #tpu.memory_space<vmem>> -> memref<16xi32, #tpu.memory_space<vmem>>
    %dma_wait3A_51 = arith.constant 0 : i32
    %dma_wait3A_52 = tpu.memref_slice %arg2[%dma_wait3A_51] : memref<4194304xi32, #tpu.memory_space<hbm>> -> memref<16xi32, #tpu.memory_space<hbm>>
    %dma_wait3A_53 = tpu.memref_slice %arg30[%dma_wait3A] : memref<2x!tpu.dma_semaphore, #tpu.memory_space<semaphore_mem>> -> memref<1x!tpu.dma_semaphore, #tpu.memory_space<semaphore_mem>>
    %dma_wait3A_54 = tpu.memref_squeeze %dma_wait3A_53 : memref<1x!tpu.dma_semaphore, #tpu.memory_space<semaphore_mem>> -> memref<!tpu.dma_semaphore, #tpu.memory_space<semaphore_mem>>
    %dma_wait3A_55 = arith.constant 0 : i32
    %dma_wait3A_56 = tpu.memref_slice %arg23[%dma_wait3A_55] : memref<2048xi32, #tpu.memory_space<vmem>> -> memref<16xi32, #tpu.memory_space<vmem>>
    %dma_wait3A_57 = arith.constant 0 : i32
    %dma_wait3A_58 = tpu.memref_slice %arg2[%dma_wait3A_57] : memref<4194304xi32, #tpu.memory_space<hbm>> -> memref<16xi32, #tpu.memory_space<hbm>>
    tpu.wait_dma2 semaphore(%dma_wait3A_54 : memref<!tpu.dma_semaphore, #tpu.memory_space<semaphore_mem>>) src(%dma_wait3A_58 : memref<16xi32, #tpu.memory_space<hbm>>) dst(%dma_wait3A_56 : memref<16xi32, #tpu.memory_space<vmem>>)
    %dma_wait3A_59 = arith.constant 1 : i32
    %dma_wait3A_60 = arith.constant 16 : i32
    %dma_wait3A_61 = tpu.memref_slice %arg23[%dma_wait3A_60] : memref<2048xi32, #tpu.memory_space<vmem>> -> memref<16xi32, #tpu.memory_space<vmem>>
    %dma_wait3A_62 = arith.constant 0 : i32
    %dma_wait3A_63 = tpu.memref_slice %arg2[%dma_wait3A_62] : memref<4194304xi32, #tpu.memory_space<hbm>> -> memref<16xi32, #tpu.memory_space<hbm>>
    %dma_wait3A_64 = tpu.memref_slice %arg30[%dma_wait3A_59] : memref<2x!tpu.dma_semaphore, #tpu.memory_space<semaphore_mem>> -> memref<1x!tpu.dma_semaphore, #tpu.memory_space<semaphore_mem>>
    %dma_wait3A_65 = tpu.memref_squeeze %dma_wait3A_64 : memref<1x!tpu.dma_semaphore, #tpu.memory_space<semaphore_mem>> -> memref<!tpu.dma_semaphore, #tpu.memory_space<semaphore_mem>>
    %dma_wait3A_66 = arith.constant 16 : i32
    %dma_wait3A_67 = tpu.memref_slice %arg23[%dma_wait3A_66] : memref<2048xi32, #tpu.memory_space<vmem>> -> memref<16xi32, #tpu.memory_space<vmem>>
    %dma_wait3A_68 = arith.constant 0 : i32
    %dma_wait3A_69 = tpu.memref_slice %arg2[%dma_wait3A_68] : memref<4194304xi32, #tpu.memory_space<hbm>> -> memref<16xi32, #tpu.memory_space<hbm>>
    tpu.wait_dma2 semaphore(%dma_wait3A_65 : memref<!tpu.dma_semaphore, #tpu.memory_space<semaphore_mem>>) src(%dma_wait3A_69 : memref<16xi32, #tpu.memory_space<hbm>>) dst(%dma_wait3A_67 : memref<16xi32, #tpu.memory_space<vmem>>)
    %get3A = arith.constant 0 : index
    %get3A_70 = tpu.vector_load %arg23[%get3A] {strides = array<i32>} : memref<2048xi32, #tpu.memory_space<vmem>>, vector<16xi32>,
    %reduce_min3A = arith.constant true
    %reduce_min3A_71 = vector.broadcast %reduce_min3A : i1 to vector<16xi1>
    %reduce_min3A_72 = arith.constant -2147483648 : i32
    %reduce_min3A_73 = vector.broadcast %reduce_min3A_72 : i32 to vector<16xi32>
    %reduce_min3A_74 = arith.xori %get3A_70, %reduce_min3A_73 : vector<16xi32>
    %reduce_min3A_75 = tpu.scan <min>, %reduce_min3A_74 masked %reduce_min3A_71 : vector<16xi32>, vector<16xi1> -> vector<16xi32>
    %reduce_min3A_76 = arith.xori %reduce_min3A_75, %reduce_min3A_73 : vector<16xi32>
    %reduce_min3A_77 = vector.extract %reduce_min3A_76[15] : i32 from vector<16xi32>
    %get3A_78 = arith.constant 16 : index
    %get3A_79 = tpu.vector_load %arg23[%get3A_78] {strides = array<i32>} : memref<2048xi32, #tpu.memory_space<vmem>>, vector<16xi32>,
    %reduce_max3A = arith.constant true
    %reduce_max3A_80 = vector.broadcast %reduce_max3A : i1 to vector<16xi1>
    %reduce_max3A_81 = arith.constant -2147483648 : i32
    %reduce_max3A_82 = vector.broadcast %reduce_max3A_81 : i32 to vector<16xi32>
    %reduce_max3A_83 = arith.xori %get3A_79, %reduce_max3A_82 : vector<16xi32>
    %reduce_max3A_84 = tpu.scan <max>, %reduce_max3A_83 masked %reduce_max3A_80 : vector<16xi32>, vector<16xi1> -> vector<16xi32>
    %reduce_max3A_85 = arith.xori %reduce_max3A_84, %reduce_max3A_82 : vector<16xi32>
    %reduce_max3A_86 = vector.extract %reduce_max3A_85[15] : i32 from vector<16xi32>
    %sub3A_87 = arith.subi %reduce_max3A_86, %reduce_min3A_77 : i32
    %add3A_88 = arith.constant 1 : i32
    %add3A_89 = arith.addi %sub3A_87, %add3A_88 : i32
    %barrier3A = arith.constant 0 : index
    tpu.barrier barrier_id(%barrier3A)
    %iota3A = tpu.iota {dimensions = array<i32: 0>} : vector<16xi32>
    %le3A = arith.constant 3584 : i32
    %le3A_90 = arith.cmpi sle, %add3A_89, %le3A : i32
    %convert_element_type3A = arith.extui %le3A_90 : i1 to i32
    %cond3A = arith.constant 0 : i32
    %cond3A_91 = arith.cmpi ne, %convert_element_type3A, %cond3A : i32
    scf.if %cond3A_91 {
      %add3A_108 = arith.constant 512 : i32
      %add3A_109 = arith.addi %add3A_89, %add3A_108 : i32
      %sub3A_110 = arith.constant 1 : i32
      %sub3A_111 = arith.subi %add3A_109, %sub3A_110 : i32
      %jit3A = arith.constant 512 : i32
      %div3A = arith.divsi %sub3A_111, %jit3A : i32
      %sign3A = arith.constant 0 : i32
      %sign3A_112 = arith.cmpi sgt, %sub3A_111, %sign3A : i32
      %sign3A_113 = arith.extui %sign3A_112 : i1 to i32
      %sign3A_114 = arith.constant 0 : i32
      %sign3A_115 = arith.cmpi slt, %sub3A_111, %sign3A_114 : i32
      %sign3A_116 = arith.extui %sign3A_115 : i1 to i32
      %sign3A_117 = arith.subi %sign3A_113, %sign3A_116 : i32
      %sign3A_118 = arith.constant 0 : i32
      %sign3A_119 = arith.cmpi sgt, %jit3A, %sign3A_118 : i32
      %sign3A_120 = arith.extui %sign3A_119 : i1 to i32
      %sign3A_121 = arith.constant 0 : i32
      %sign3A_122 = arith.cmpi slt, %jit3A, %sign3A_121 : i32
      %sign3A_123 = arith.extui %sign3A_122 : i1 to i32
      %sign3A_124 = arith.subi %sign3A_120, %sign3A_123 : i32
      %ne3A = arith.cmpi ne, %sign3A_117, %sign3A_124 : i32
      %rem3A = arith.remsi %sub3A_111, %jit3A : i32
      %ne3A_125 = arith.constant 0 : i32
      %ne3A_126 = arith.cmpi ne, %rem3A, %ne3A_125 : i32
      %and3A_127 = arith.andi %ne3A, %ne3A_126 : i1
      %sub3A_128 = arith.constant 1 : i32
      %sub3A_129 = arith.subi %div3A, %sub3A_128 : i32
      %select_n3A = arith.select %and3A_127, %sub3A_129, %div3A : i32
      %jit3A_130 = arith.constant 8 : i32
      %eq3A = arith.constant 0 : i32
      %eq3A_131 = arith.cmpi eq, %jit3A_130, %eq3A : i32
      %jit3A_132 = arith.constant 1 : i32
      %select_n3A_133 = arith.select %eq3A_131, %jit3A_132, %jit3A_130 : i32
      %rem3A_134 = vector.broadcast %select_n3A_133 : i32 to vector<16xi32>
      %rem3A_135 = arith.remsi %iota3A, %rem3A_134 : vector<16xi32>
      %ne3A_136 = arith.constant 0 : i32
      %ne3A_137 = vector.broadcast %ne3A_136 : i32 to vector<16xi32>
      %ne3A_138 = arith.cmpi ne, %rem3A_135, %ne3A_137 : vector<16xi32>
      %lt3A = arith.constant 0 : i32
      %lt3A_139 = vector.broadcast %lt3A : i32 to vector<16xi32>
      %lt3A_140 = arith.cmpi slt, %rem3A_135, %lt3A_139 : vector<16xi32>
      %lt3A_141 = arith.constant 0 : i32
      %lt3A_142 = arith.cmpi slt, %select_n3A_133, %lt3A_141 : i32
      %ne3A_143 = vector.broadcast %lt3A_142 : i1 to vector<16xi1>
      %ne3A_144 = vector.broadcast %ne3A_143 : vector<16xi1> to vector<16xi1>
      %ne3A_145 = arith.xori %lt3A_140, %ne3A_144 : vector<16xi1>
      %and3A_146 = arith.andi %ne3A_145, %ne3A_138 : vector<16xi1>
      %add3A_147 = vector.broadcast %select_n3A_133 : i32 to vector<16xi32>
      %add3A_148 = arith.addi %rem3A_135, %add3A_147 : vector<16xi32>
      %select_n3A_149 = arith.select %and3A_146, %add3A_148, %rem3A_135 : vector<16xi1>, vector<16xi32>
      %mul3A_150 = arith.constant 256 : i32
      %mul3A_151 = arith.muli %select_n3A, %mul3A_150 : i32
      %while3A = arith.constant 0 : i32
      %while3A_152 = arith.constant 0 : i32
      %while3A_153 = arith.subi %mul3A_151, %while3A_152 : i32
      %while3A_154 = arith.addi %while3A_152, %while3A_153 : i32
      %while3A_155 = arith.constant 1 : i32
      %while3A_156 = arith.divsi %while3A_153, %while3A_155 : i32
      %while3A_157 = arith.muli %while3A_156, %while3A_155 : i32
      %while3A_158 = arith.addi %while3A_152, %while3A_157 : i32
      %while3A_159 = arith.constant 1 : i32
      scf.for %while3A_220 = %while3A_152 to %while3A_158 step %while3A_159  : i32 {
        %broadcast_in_dim3A = arith.constant 0.000000e+00 : f32
        %broadcast_in_dim3A_221 = vector.broadcast %broadcast_in_dim3A : f32 to vector<16xf32>
        %mul3A_222 = arith.constant 16 : i32
        %mul3A_223 = arith.muli %while3A_220, %mul3A_222 : i32
        %swap3A = arith.index_cast %mul3A_223 : i32 to index
        %swap3A_224 = tpu.vector_load %arg22[%swap3A] {strides = array<i32>} : memref<28672xf32, #tpu.memory_space<vmem>>, vector<16xf32>,
        tpu.vector_store %arg22[%swap3A], %broadcast_in_dim3A_221 {strides = array<i32>} : memref<28672xf32, #tpu.memory_space<vmem>>, vector<16xf32>,
      }
      %while3A_160 = arith.constant 1 : i32
      scf.for %while3A_220 = %while3A_158 to %while3A_154 step %while3A_160  : i32 {
        %broadcast_in_dim3A = arith.constant 0.000000e+00 : f32
        %broadcast_in_dim3A_221 = vector.broadcast %broadcast_in_dim3A : f32 to vector<16xf32>
        %mul3A_222 = arith.constant 16 : i32
        %mul3A_223 = arith.muli %while3A_220, %mul3A_222 : i32
        %swap3A = arith.index_cast %mul3A_223 : i32 to index
        %swap3A_224 = tpu.vector_load %arg22[%swap3A] {strides = array<i32>} : memref<28672xf32, #tpu.memory_space<vmem>>, vector<16xf32>,
        tpu.vector_store %arg22[%swap3A], %broadcast_in_dim3A_221 {strides = array<i32>} : memref<28672xf32, #tpu.memory_space<vmem>>, vector<16xf32>,
      }
      %add3A_161 = arith.constant 2048 : i32
      %add3A_162 = arith.addi %mul3A_2, %add3A_161 : i32
      %multiple_of3A_163 = tpu.assume_multiple %add3A_162, 2048 : i32
      %dma_start3A_164 = arith.constant 1 : i32
      %dma_start3A_165 = arith.constant 0 : i32
      %dma_start3A_166 = tpu.memref_slice %arg3[%multiple_of3A_163] : memref<4194304xi32, #tpu.memory_space<hbm>> -> memref<2048xi32, #tpu.memory_space<hbm>>
      %dma_start3A_167 = tpu.memref_slice %arg27[%dma_start3A_164, %dma_start3A_165] : memref<4x2x!tpu.dma_semaphore, #tpu.memory_space<semaphore_mem>> -> memref<1x1x!tpu.dma_semaphore, #tpu.memory_space<semaphore_mem>>
      %dma_start3A_168 = tpu.memref_squeeze %dma_start3A_167 : memref<1x1x!tpu.dma_semaphore, #tpu.memory_space<semaphore_mem>> -> memref<!tpu.dma_semaphore, #tpu.memory_space<semaphore_mem>>
      %dma_start3A_169 = tpu.memref_slice %arg3[%multiple_of3A_163] : memref<4194304xi32, #tpu.memory_space<hbm>> -> memref<2048xi32, #tpu.memory_space<hbm>>
      tpu.enqueue_dma source(%dma_start3A_169 : memref<2048xi32, #tpu.memory_space<hbm>>) target(%arg9 : memref<2048xi32, #tpu.memory_space<vmem>>) target_semaphore(%dma_start3A_168 : memref<!tpu.dma_semaphore, #tpu.memory_space<semaphore_mem>>)
      %dma_start3A_170 = arith.constant 1 : i32
      %dma_start3A_171 = arith.constant 1 : i32
      %dma_start3A_172 = tpu.memref_slice %arg4[%multiple_of3A_163] : memref<4194304xf32, #tpu.memory_space<hbm>> -> memref<2048xf32, #tpu.memory_space<hbm>>
      %dma_start3A_173 = tpu.memref_slice %arg27[%dma_start3A_170, %dma_start3A_171] : memref<4x2x!tpu.dma_semaphore, #tpu.memory_space<semaphore_mem>> -> memref<1x1x!tpu.dma_semaphore, #tpu.memory_space<semaphore_mem>>
      %dma_start3A_174 = tpu.memref_squeeze %dma_start3A_173 : memref<1x1x!tpu.dma_semaphore, #tpu.memory_space<semaphore_mem>> -> memref<!tpu.dma_semaphore, #tpu.memory_space<semaphore_mem>>
      %dma_start3A_175 = tpu.memref_slice %arg4[%multiple_of3A_163] : memref<4194304xf32, #tpu.memory_space<hbm>> -> memref<2048xf32, #tpu.memory_space<hbm>>
      tpu.enqueue_dma source(%dma_start3A_175 : memref<2048xf32, #tpu.memory_space<hbm>>) target(%arg13 : memref<2048xf32, #tpu.memory_space<vmem>>) target_semaphore(%dma_start3A_174 : memref<!tpu.dma_semaphore, #tpu.memory_space<semaphore_mem>>)
      %dma_start3A_176 = arith.constant 1 : i32
      %dma_start3A_177 = tpu.memref_slice %arg2[%multiple_of3A_163] : memref<4194304xi32, #tpu.memory_space<hbm>> -> memref<2048xi32, #tpu.memory_space<hbm>>
      %dma_start3A_178 = tpu.memref_slice %arg28[%dma_start3A_176] : memref<4x!tpu.dma_semaphore, #tpu.memory_space<semaphore_mem>> -> memref<1x!tpu.dma_semaphore, #tpu.memory_space<semaphore_mem>>
      %dma_start3A_179 = tpu.memref_squeeze %dma_start3A_178 : memref<1x!tpu.dma_semaphore, #tpu.memory_space<semaphore_mem>> -> memref<!tpu.dma_semaphore, #tpu.memory_space<semaphore_mem>>
      %dma_start3A_180 = tpu.memref_slice %arg2[%multiple_of3A_163] : memref<4194304xi32, #tpu.memory_space<hbm>> -> memref<2048xi32, #tpu.memory_space<hbm>>
      tpu.enqueue_dma source(%dma_start3A_180 : memref<2048xi32, #tpu.memory_space<hbm>>) target(%arg17 : memref<2048xi32, #tpu.memory_space<vmem>>) target_semaphore(%dma_start3A_179 : memref<!tpu.dma_semaphore, #tpu.memory_space<semaphore_mem>>)
      %add3A_181 = arith.constant 4096 : i32
      %add3A_182 = arith.addi %mul3A_2, %add3A_181 : i32
      %multiple_of3A_183 = tpu.assume_multiple %add3A_182, 2048 : i32
      %dma_start3A_184 = arith.constant 2 : i32
      %dma_start3A_185 = arith.constant 0 : i32
      %dma_start3A_186 = tpu.memref_slice %arg3[%multiple_of3A_183] : memref<4194304xi32, #tpu.memory_space<hbm>> -> memref<2048xi32, #tpu.memory_space<hbm>>
      %dma_start3A_187 = tpu.memref_slice %arg27[%dma_start3A_184, %dma_start3A_185] : memref<4x2x!tpu.dma_semaphore, #tpu.memory_space<semaphore_mem>> -> memref<1x1x!tpu.dma_semaphore, #tpu.memory_space<semaphore_mem>>
      %dma_start3A_188 = tpu.memref_squeeze %dma_start3A_187 : memref<1x1x!tpu.dma_semaphore, #tpu.memory_space<semaphore_mem>> -> memref<!tpu.dma_semaphore, #tpu.memory_space<semaphore_mem>>
      %dma_start3A_189 = tpu.memref_slice %arg3[%multiple_of3A_183] : memref<4194304xi32, #tpu.memory_space<hbm>> -> memref<2048xi32, #tpu.memory_space<hbm>>
      tpu.enqueue_dma source(%dma_start3A_189 : memref<2048xi32, #tpu.memory_space<hbm>>) target(%arg10 : memref<2048xi32, #tpu.memory_space<vmem>>) target_semaphore(%dma_start3A_188 : memref<!tpu.dma_semaphore, #tpu.memory_space<semaphore_mem>>)
      %dma_start3A_190 = arith.constant 2 : i32
      %dma_start3A_191 = arith.constant 1 : i32
      %dma_start3A_192 = tpu.memref_slice %arg4[%multiple_of3A_183] : memref<4194304xf32, #tpu.memory_space<hbm>> -> memref<2048xf32, #tpu.memory_space<hbm>>
      %dma_start3A_193 = tpu.memref_slice %arg27[%dma_start3A_190, %dma_start3A_191] : memref<4x2x!tpu.dma_semaphore, #tpu.memory_space<semaphore_mem>> -> memref<1x1x!tpu.dma_semaphore, #tpu.memory_space<semaphore_mem>>
      %dma_start3A_194 = tpu.memref_squeeze %dma_start3A_193 : memref<1x1x!tpu.dma_semaphore, #tpu.memory_space<semaphore_mem>> -> memref<!tpu.dma_semaphore, #tpu.memory_space<semaphore_mem>>
      %dma_start3A_195 = tpu.memref_slice %arg4[%multiple_of3A_183] : memref<4194304xf32, #tpu.memory_space<hbm>> -> memref<2048xf32, #tpu.memory_space<hbm>>
      tpu.enqueue_dma source(%dma_start3A_195 : memref<2048xf32, #tpu.memory_space<hbm>>) target(%arg14 : memref<2048xf32, #tpu.memory_space<vmem>>) target_semaphore(%dma_start3A_194 : memref<!tpu.dma_semaphore, #tpu.memory_space<semaphore_mem>>)
      %dma_start3A_196 = arith.constant 2 : i32
      %dma_start3A_197 = tpu.memref_slice %arg2[%multiple_of3A_183] : memref<4194304xi32, #tpu.memory_space<hbm>> -> memref<2048xi32, #tpu.memory_space<hbm>>
      %dma_start3A_198 = tpu.memref_slice %arg28[%dma_start3A_196] : memref<4x!tpu.dma_semaphore, #tpu.memory_space<semaphore_mem>> -> memref<1x!tpu.dma_semaphore, #tpu.memory_space<semaphore_mem>>
      %dma_start3A_199 = tpu.memref_squeeze %dma_start3A_198 : memref<1x!tpu.dma_semaphore, #tpu.memory_space<semaphore_mem>> -> memref<!tpu.dma_semaphore, #tpu.memory_space<semaphore_mem>>
      %dma_start3A_200 = tpu.memref_slice %arg2[%multiple_of3A_183] : memref<4194304xi32, #tpu.memory_space<hbm>> -> memref<2048xi32, #tpu.memory_space<hbm>>
      tpu.enqueue_dma source(%dma_start3A_200 : memref<2048xi32, #tpu.memory_space<hbm>>) target(%arg18 : memref<2048xi32, #tpu.memory_space<vmem>>) target_semaphore(%dma_start3A_199 : memref<!tpu.dma_semaphore, #tpu.memory_space<semaphore_mem>>)
      %scan3A_201 = arith.constant 0 : i32
      %scan3A_202 = arith.constant 0 : i32
      %scan3A_203 = arith.constant 16 : i32
      %scan3A_204 = arith.addi %scan3A_202, %scan3A_203 : i32
      %scan3A_205 = arith.constant 1 : i32
      scf.for %scan3A_220 = %scan3A_202 to %scan3A_204 step %scan3A_205  : i32 {
        %mul3A_221 = arith.constant 4 : i32
        %mul3A_222 = arith.muli %scan3A_220, %mul3A_221 : i32
        %add3A_223 = arith.constant 0 : i32
        %add3A_224 = arith.addi %mul3A_222, %add3A_223 : i32
        %add3A_225 = arith.constant 3 : i32
        %add3A_226 = arith.addi %add3A_224, %add3A_225 : i32
        %lt3A_227 = arith.constant 64 : i32
        %lt3A_228 = arith.cmpi slt, %add3A_226, %lt3A_227 : i32
        %convert_element_type3A_229 = arith.extui %lt3A_228 : i1 to i32
        %cond3A_230 = arith.constant 0 : i32
        %cond3A_231 = arith.cmpi ne, %convert_element_type3A_229, %cond3A_230 : i32
        scf.if %cond3A_231 {
          %add3A_368 = arith.constant 3 : i32
          %add3A_369 = arith.addi %add3A_224, %add3A_368 : i32
          %mul3A_370 = arith.constant 2048 : i32
          %mul3A_371 = arith.muli %add3A_369, %mul3A_370 : i32
          %add3A_372 = arith.addi %mul3A_2, %mul3A_371 : i32
          %multiple_of3A_373 = tpu.assume_multiple %add3A_372, 2048 : i32
          %dma_start3A_374 = arith.constant 3 : i32
          %dma_start3A_375 = arith.constant 0 : i32
          %dma_start3A_376 = tpu.memref_slice %arg3[%multiple_of3A_373] : memref<4194304xi32, #tpu.memory_space<hbm>> -> memref<2048xi32, #tpu.memory_space<hbm>>
          %dma_start3A_377 = tpu.memref_slice %arg27[%dma_start3A_374, %dma_start3A_375] : memref<4x2x!tpu.dma_semaphore, #tpu.memory_space<semaphore_mem>> -> memref<1x1x!tpu.dma_semaphore, #tpu.memory_space<semaphore_mem>>
          %dma_start3A_378 = tpu.memref_squeeze %dma_start3A_377 : memref<1x1x!tpu.dma_semaphore, #tpu.memory_space<semaphore_mem>> -> memref<!tpu.dma_semaphore, #tpu.memory_space<semaphore_mem>>
          %dma_start3A_379 = tpu.memref_slice %arg3[%multiple_of3A_373] : memref<4194304xi32, #tpu.memory_space<hbm>> -> memref<2048xi32, #tpu.memory_space<hbm>>
          tpu.enqueue_dma source(%dma_start3A_379 : memref<2048xi32, #tpu.memory_space<hbm>>) target(%arg11 : memref<2048xi32, #tpu.memory_space<vmem>>) target_semaphore(%dma_start3A_378 : memref<!tpu.dma_semaphore, #tpu.memory_space<semaphore_mem>>)
          %dma_start3A_380 = arith.constant 3 : i32
          %dma_start3A_381 = arith.constant 1 : i32
          %dma_start3A_382 = tpu.memref_slice %arg4[%multiple_of3A_373] : memref<4194304xf32, #tpu.memory_space<hbm>> -> memref<2048xf32, #tpu.memory_space<hbm>>
          %dma_start3A_383 = tpu.memref_slice %arg27[%dma_start3A_380, %dma_start3A_381] : memref<4x2x!tpu.dma_semaphore, #tpu.memory_space<semaphore_mem>> -> memref<1x1x!tpu.dma_semaphore, #tpu.memory_space<semaphore_mem>>
          %dma_start3A_384 = tpu.memref_squeeze %dma_start3A_383 : memref<1x1x!tpu.dma_semaphore, #tpu.memory_space<semaphore_mem>> -> memref<!tpu.dma_semaphore, #tpu.memory_space<semaphore_mem>>
          %dma_start3A_385 = tpu.memref_slice %arg4[%multiple_of3A_373] : memref<4194304xf32, #tpu.memory_space<hbm>> -> memref<2048xf32, #tpu.memory_space<hbm>>
          tpu.enqueue_dma source(%dma_start3A_385 : memref<2048xf32, #tpu.memory_space<hbm>>) target(%arg15 : memref<2048xf32, #tpu.memory_space<vmem>>) target_semaphore(%dma_start3A_384 : memref<!tpu.dma_semaphore, #tpu.memory_space<semaphore_mem>>)
          %dma_start3A_386 = arith.constant 3 : i32
          %dma_start3A_387 = tpu.memref_slice %arg2[%multiple_of3A_373] : memref<4194304xi32, #tpu.memory_space<hbm>> -> memref<2048xi32, #tpu.memory_space<hbm>>
          %dma_start3A_388 = tpu.memref_slice %arg28[%dma_start3A_386] : memref<4x!tpu.dma_semaphore, #tpu.memory_space<semaphore_mem>> -> memref<1x!tpu.dma_semaphore, #tpu.memory_space<semaphore_mem>>
          %dma_start3A_389 = tpu.memref_squeeze %dma_start3A_388 : memref<1x!tpu.dma_semaphore, #tpu.memory_space<semaphore_mem>> -> memref<!tpu.dma_semaphore, #tpu.memory_space<semaphore_mem>>
          %dma_start3A_390 = tpu.memref_slice %arg2[%multiple_of3A_373] : memref<4194304xi32, #tpu.memory_space<hbm>> -> memref<2048xi32, #tpu.memory_space<hbm>>
          tpu.enqueue_dma source(%dma_start3A_390 : memref<2048xi32, #tpu.memory_space<hbm>>) target(%arg19 : memref<2048xi32, #tpu.memory_space<vmem>>) target_semaphore(%dma_start3A_389 : memref<!tpu.dma_semaphore, #tpu.memory_space<semaphore_mem>>)
        } else {
        }
        %dma_wait3A_232 = arith.constant 0 : i32
        %dma_wait3A_233 = arith.constant 0 : i32
        %dma_wait3A_234 = arith.constant 0 : i32
        %dma_wait3A_235 = tpu.memref_slice %arg3[%dma_wait3A_234] : memref<4194304xi32, #tpu.memory_space<hbm>> -> memref<2048xi32, #tpu.memory_space<hbm>>
        %dma_wait3A_236 = tpu.memref_slice %arg27[%dma_wait3A_232, %dma_wait3A_233] : memref<4x2x!tpu.dma_semaphore, #tpu.memory_space<semaphore_mem>> -> memref<1x1x!tpu.dma_semaphore, #tpu.memory_space<semaphore_mem>>
        %dma_wait3A_237 = tpu.memref_squeeze %dma_wait3A_236 : memref<1x1x!tpu.dma_semaphore, #tpu.memory_space<semaphore_mem>> -> memref<!tpu.dma_semaphore, #tpu.memory_space<semaphore_mem>>
        %dma_wait3A_238 = arith.constant 0 : i32
        %dma_wait3A_239 = tpu.memref_slice %arg3[%dma_wait3A_238] : memref<4194304xi32, #tpu.memory_space<hbm>> -> memref<2048xi32, #tpu.memory_space<hbm>>
        tpu.wait_dma2 semaphore(%dma_wait3A_237 : memref<!tpu.dma_semaphore, #tpu.memory_space<semaphore_mem>>) src(%dma_wait3A_239 : memref<2048xi32, #tpu.memory_space<hbm>>) dst(%arg8 : memref<2048xi32, #tpu.memory_space<vmem>>)
        %dma_wait3A_240 = arith.constant 0 : i32
        %dma_wait3A_241 = arith.constant 1 : i32
        %dma_wait3A_242 = arith.constant 0 : i32
        %dma_wait3A_243 = tpu.memref_slice %arg4[%dma_wait3A_242] : memref<4194304xf32, #tpu.memory_space<hbm>> -> memref<2048xf32, #tpu.memory_space<hbm>>
        %dma_wait3A_244 = tpu.memref_slice %arg27[%dma_wait3A_240, %dma_wait3A_241] : memref<4x2x!tpu.dma_semaphore, #tpu.memory_space<semaphore_mem>> -> memref<1x1x!tpu.dma_semaphore, #tpu.memory_space<semaphore_mem>>
        %dma_wait3A_245 = tpu.memref_squeeze %dma_wait3A_244 : memref<1x1x!tpu.dma_semaphore, #tpu.memory_space<semaphore_mem>> -> memref<!tpu.dma_semaphore, #tpu.memory_space<semaphore_mem>>
        %dma_wait3A_246 = arith.constant 0 : i32
        %dma_wait3A_247 = tpu.memref_slice %arg4[%dma_wait3A_246] : memref<4194304xf32, #tpu.memory_space<hbm>> -> memref<2048xf32, #tpu.memory_space<hbm>>
        tpu.wait_dma2 semaphore(%dma_wait3A_245 : memref<!tpu.dma_semaphore, #tpu.memory_space<semaphore_mem>>) src(%dma_wait3A_247 : memref<2048xf32, #tpu.memory_space<hbm>>) dst(%arg12 : memref<2048xf32, #tpu.memory_space<vmem>>)
        %dma_wait3A_248 = arith.constant 0 : i32
        %dma_wait3A_249 = arith.constant 0 : i32
        %dma_wait3A_250 = tpu.memref_slice %arg2[%dma_wait3A_249] : memref<4194304xi32, #tpu.memory_space<hbm>> -> memref<2048xi32, #tpu.memory_space<hbm>>
        %dma_wait3A_251 = tpu.memref_slice %arg28[%dma_wait3A_248] : memref<4x!tpu.dma_semaphore, #tpu.memory_space<semaphore_mem>> -> memref<1x!tpu.dma_semaphore, #tpu.memory_space<semaphore_mem>>
        %dma_wait3A_252 = tpu.memref_squeeze %dma_wait3A_251 : memref<1x!tpu.dma_semaphore, #tpu.memory_space<semaphore_mem>> -> memref<!tpu.dma_semaphore, #tpu.memory_space<semaphore_mem>>
        %dma_wait3A_253 = arith.constant 0 : i32
        %dma_wait3A_254 = tpu.memref_slice %arg2[%dma_wait3A_253] : memref<4194304xi32, #tpu.memory_space<hbm>> -> memref<2048xi32, #tpu.memory_space<hbm>>
        tpu.wait_dma2 semaphore(%dma_wait3A_252 : memref<!tpu.dma_semaphore, #tpu.memory_space<semaphore_mem>>) src(%dma_wait3A_254 : memref<2048xi32, #tpu.memory_space<hbm>>) dst(%arg16 : memref<2048xi32, #tpu.memory_space<vmem>>)
        %parallel_loop3A = arith.constant 0 : i32
        %parallel_loop3A_255 = arith.constant 1 : i32
        %parallel_loop3A_256 = arith.constant 1 : i32
        scf.for %parallel_loop3A_368 = %parallel_loop3A to %parallel_loop3A_255 step %parallel_loop3A_256  : i32 {
          %parallel_loop3A_369 = arith.constant 16 : i32
          %parallel_loop3A_370 = arith.muli %parallel_loop3A_368, %parallel_loop3A_369 : i32
          %parallel_loop3A_371 = arith.index_cast %parallel_loop3A_370 : i32 to index
          %parallel_loop3A_372 = tpu.vector_load %arg8[%parallel_loop3A_371] {strides = array<i32>} : memref<2048xi32, #tpu.memory_space<vmem>>, vector<16xi32>,
          %parallel_loop3A_373 = arith.constant 16 : i32
          %parallel_loop3A_374 = arith.muli %parallel_loop3A_368, %parallel_loop3A_373 : i32
          %parallel_loop3A_375 = arith.index_cast %parallel_loop3A_374 : i32 to index
          %parallel_loop3A_376 = tpu.vector_load %arg12[%parallel_loop3A_375] {strides = array<i32>} : memref<2048xf32, #tpu.memory_space<vmem>>, vector<16xf32>,
          %parallel_loop3A_377 = arith.constant 16 : i32
          %parallel_loop3A_378 = arith.muli %parallel_loop3A_368, %parallel_loop3A_377 : i32
          %parallel_loop3A_379 = arith.index_cast %parallel_loop3A_378 : i32 to index
          %parallel_loop3A_380 = tpu.vector_load %arg16[%parallel_loop3A_379] {strides = array<i32>} : memref<2048xi32, #tpu.memory_space<vmem>>, vector<16xi32>,
          %parallel_loop3A_381 = vector.broadcast %reduce_min3A_77 : i32 to vector<16xi32>
          %parallel_loop3A_382 = arith.subi %parallel_loop3A_380, %parallel_loop3A_381 : vector<16xi32>
          %parallel_loop3A_383 = arith.constant 8 : i32
          %parallel_loop3A_384 = vector.broadcast %parallel_loop3A_383 : i32 to vector<16xi32>
          %parallel_loop3A_385 = arith.muli %parallel_loop3A_382, %parallel_loop3A_384 : vector<16xi32>
          %parallel_loop3A_386 = arith.addi %parallel_loop3A_385, %select_n3A_149 : vector<16xi32>
          %parallel_loop3A_387 = arith.sitofp %parallel_loop3A_372 : vector<16xi32> to vector<16xf32>
          %parallel_loop3A_388 = arith.mulf %parallel_loop3A_376, %parallel_loop3A_387 : vector<16xf32>
          tpu.vector_store_idx %arg22[%parallel_loop3A_386], %parallel_loop3A_388 {add = true} : memref<28672xf32, #tpu.memory_space<vmem>>[vector<16xi32>], vector<16xf32>,
        } {sc.loop_unroll_factor = 1 : i64, sc.parallel_access}
        %mul3A_257 = arith.constant 4 : i32
        %mul3A_258 = arith.muli %scan3A_220, %mul3A_257 : i32
        %add3A_259 = arith.constant 1 : i32
        %add3A_260 = arith.addi %mul3A_258, %add3A_259 : i32
        %add3A_261 = arith.constant 3 : i32
        %add3A_262 = arith.addi %add3A_260, %add3A_261 : i32
        %lt3A_263 = arith.constant 64 : i32
        %lt3A_264 = arith.cmpi slt, %add3A_262, %lt3A_263 : i32
        %convert_element_type3A_265 = arith.extui %lt3A_264 : i1 to i32
        %cond3A_266 = arith.constant 0 : i32
        %cond3A_267 = arith.cmpi ne, %convert_element_type3A_265, %cond3A_266 : i32
        scf.if %cond3A_267 {
          %add3A_368 = arith.constant 3 : i32
          %add3A_369 = arith.addi %add3A_260, %add3A_368 : i32
          %mul3A_370 = arith.constant 2048 : i32
          %mul3A_371 = arith.muli %add3A_369, %mul3A_370 : i32
          %add3A_372 = arith.addi %mul3A_2, %mul3A_371 : i32
          %multiple_of3A_373 = tpu.assume_multiple %add3A_372, 2048 : i32
          %dma_start3A_374 = arith.constant 0 : i32
          %dma_start3A_375 = arith.constant 0 : i32
          %dma_start3A_376 = tpu.memref_slice %arg3[%multiple_of3A_373] : memref<4194304xi32, #tpu.memory_space<hbm>> -> memref<2048xi32, #tpu.memory_space<hbm>>
          %dma_start3A_377 = tpu.memref_slice %arg27[%dma_start3A_374, %dma_start3A_375] : memref<4x2x!tpu.dma_semaphore, #tpu.memory_space<semaphore_mem>> -> memref<1x1x!tpu.dma_semaphore, #tpu.memory_space<semaphore_mem>>
          %dma_start3A_378 = tpu.memref_squeeze %dma_start3A_377 : memref<1x1x!tpu.dma_semaphore, #tpu.memory_space<semaphore_mem>> -> memref<!tpu.dma_semaphore, #tpu.memory_space<semaphore_mem>>
          %dma_start3A_379 = tpu.memref_slice %arg3[%multiple_of3A_373] : memref<4194304xi32, #tpu.memory_space<hbm>> -> memref<2048xi32, #tpu.memory_space<hbm>>
          tpu.enqueue_dma source(%dma_start3A_379 : memref<2048xi32, #tpu.memory_space<hbm>>) target(%arg8 : memref<2048xi32, #tpu.memory_space<vmem>>) target_semaphore(%dma_start3A_378 : memref<!tpu.dma_semaphore, #tpu.memory_space<semaphore_mem>>)
          %dma_start3A_380 = arith.constant 0 : i32
          %dma_start3A_381 = arith.constant 1 : i32
          %dma_start3A_382 = tpu.memref_slice %arg4[%multiple_of3A_373] : memref<4194304xf32, #tpu.memory_space<hbm>> -> memref<2048xf32, #tpu.memory_space<hbm>>
          %dma_start3A_383 = tpu.memref_slice %arg27[%dma_start3A_380, %dma_start3A_381] : memref<4x2x!tpu.dma_semaphore, #tpu.memory_space<semaphore_mem>> -> memref<1x1x!tpu.dma_semaphore, #tpu.memory_space<semaphore_mem>>
          %dma_start3A_384 = tpu.memref_squeeze %dma_start3A_383 : memref<1x1x!tpu.dma_semaphore, #tpu.memory_space<semaphore_mem>> -> memref<!tpu.dma_semaphore, #tpu.memory_space<semaphore_mem>>
          %dma_start3A_385 = tpu.memref_slice %arg4[%multiple_of3A_373] : memref<4194304xf32, #tpu.memory_space<hbm>> -> memref<2048xf32, #tpu.memory_space<hbm>>
          tpu.enqueue_dma source(%dma_start3A_385 : memref<2048xf32, #tpu.memory_space<hbm>>) target(%arg12 : memref<2048xf32, #tpu.memory_space<vmem>>) target_semaphore(%dma_start3A_384 : memref<!tpu.dma_semaphore, #tpu.memory_space<semaphore_mem>>)
          %dma_start3A_386 = arith.constant 0 : i32
          %dma_start3A_387 = tpu.memref_slice %arg2[%multiple_of3A_373] : memref<4194304xi32, #tpu.memory_space<hbm>> -> memref<2048xi32, #tpu.memory_space<hbm>>
          %dma_start3A_388 = tpu.memref_slice %arg28[%dma_start3A_386] : memref<4x!tpu.dma_semaphore, #tpu.memory_space<semaphore_mem>> -> memref<1x!tpu.dma_semaphore, #tpu.memory_space<semaphore_mem>>
          %dma_start3A_389 = tpu.memref_squeeze %dma_start3A_388 : memref<1x!tpu.dma_semaphore, #tpu.memory_space<semaphore_mem>> -> memref<!tpu.dma_semaphore, #tpu.memory_space<semaphore_mem>>
          %dma_start3A_390 = tpu.memref_slice %arg2[%multiple_of3A_373] : memref<4194304xi32, #tpu.memory_space<hbm>> -> memref<2048xi32, #tpu.memory_space<hbm>>
          tpu.enqueue_dma source(%dma_start3A_390 : memref<2048xi32, #tpu.memory_space<hbm>>) target(%arg16 : memref<2048xi32, #tpu.memory_space<vmem>>) target_semaphore(%dma_start3A_389 : memref<!tpu.dma_semaphore, #tpu.memory_space<semaphore_mem>>)
        } else {
        }
        %dma_wait3A_268 = arith.constant 1 : i32
        %dma_wait3A_269 = arith.constant 0 : i32
        %dma_wait3A_270 = arith.constant 0 : i32
        %dma_wait3A_271 = tpu.memref_slice %arg3[%dma_wait3A_270] : memref<4194304xi32, #tpu.memory_space<hbm>> -> memref<2048xi32, #tpu.memory_space<hbm>>
        %dma_wait3A_272 = tpu.memref_slice %arg27[%dma_wait3A_268, %dma_wait3A_269] : memref<4x2x!tpu.dma_semaphore, #tpu.memory_space<semaphore_mem>> -> memref<1x1x!tpu.dma_semaphore, #tpu.memory_space<semaphore_mem>>
        %dma_wait3A_273 = tpu.memref_squeeze %dma_wait3A_272 : memref<1x1x!tpu.dma_semaphore, #tpu.memory_space<semaphore_mem>> -> memref<!tpu.dma_semaphore, #tpu.memory_space<semaphore_mem>>
        %dma_wait3A_274 = arith.constant 0 : i32
        %dma_wait3A_275 = tpu.memref_slice %arg3[%dma_wait3A_274] : memref<4194304xi32, #tpu.memory_space<hbm>> -> memref<2048xi32, #tpu.memory_space<hbm>>
        tpu.wait_dma2 semaphore(%dma_wait3A_273 : memref<!tpu.dma_semaphore, #tpu.memory_space<semaphore_mem>>) src(%dma_wait3A_275 : memref<2048xi32, #tpu.memory_space<hbm>>) dst(%arg9 : memref<2048xi32, #tpu.memory_space<vmem>>)
        %dma_wait3A_276 = arith.constant 1 : i32
        %dma_wait3A_277 = arith.constant 1 : i32
        %dma_wait3A_278 = arith.constant 0 : i32
        %dma_wait3A_279 = tpu.memref_slice %arg4[%dma_wait3A_278] : memref<4194304xf32, #tpu.memory_space<hbm>> -> memref<2048xf32, #tpu.memory_space<hbm>>
        %dma_wait3A_280 = tpu.memref_slice %arg27[%dma_wait3A_276, %dma_wait3A_277] : memref<4x2x!tpu.dma_semaphore, #tpu.memory_space<semaphore_mem>> -> memref<1x1x!tpu.dma_semaphore, #tpu.memory_space<semaphore_mem>>
        %dma_wait3A_281 = tpu.memref_squeeze %dma_wait3A_280 : memref<1x1x!tpu.dma_semaphore, #tpu.memory_space<semaphore_mem>> -> memref<!tpu.dma_semaphore, #tpu.memory_space<semaphore_mem>>
        %dma_wait3A_282 = arith.constant 0 : i32
        %dma_wait3A_283 = tpu.memref_slice %arg4[%dma_wait3A_282] : memref<4194304xf32, #tpu.memory_space<hbm>> -> memref<2048xf32, #tpu.memory_space<hbm>>
        tpu.wait_dma2 semaphore(%dma_wait3A_281 : memref<!tpu.dma_semaphore, #tpu.memory_space<semaphore_mem>>) src(%dma_wait3A_283 : memref<2048xf32, #tpu.memory_space<hbm>>) dst(%arg13 : memref<2048xf32, #tpu.memory_space<vmem>>)
        %dma_wait3A_284 = arith.constant 1 : i32
        %dma_wait3A_285 = arith.constant 0 : i32
        %dma_wait3A_286 = tpu.memref_slice %arg2[%dma_wait3A_285] : memref<4194304xi32, #tpu.memory_space<hbm>> -> memref<2048xi32, #tpu.memory_space<hbm>>
        %dma_wait3A_287 = tpu.memref_slice %arg28[%dma_wait3A_284] : memref<4x!tpu.dma_semaphore, #tpu.memory_space<semaphore_mem>> -> memref<1x!tpu.dma_semaphore, #tpu.memory_space<semaphore_mem>>
        %dma_wait3A_288 = tpu.memref_squeeze %dma_wait3A_287 : memref<1x!tpu.dma_semaphore, #tpu.memory_space<semaphore_mem>> -> memref<!tpu.dma_semaphore, #tpu.memory_space<semaphore_mem>>
        %dma_wait3A_289 = arith.constant 0 : i32
        %dma_wait3A_290 = tpu.memref_slice %arg2[%dma_wait3A_289] : memref<4194304xi32, #tpu.memory_space<hbm>> -> memref<2048xi32, #tpu.memory_space<hbm>>
        tpu.wait_dma2 semaphore(%dma_wait3A_288 : memref<!tpu.dma_semaphore, #tpu.memory_space<semaphore_mem>>) src(%dma_wait3A_290 : memref<2048xi32, #tpu.memory_space<hbm>>) dst(%arg17 : memref<2048xi32, #tpu.memory_space<vmem>>)
        %parallel_loop3A_291 = arith.constant 0 : i32
        %parallel_loop3A_292 = arith.constant 1 : i32
        %parallel_loop3A_293 = arith.constant 1 : i32
        scf.for %parallel_loop3A_368 = %parallel_loop3A_291 to %parallel_loop3A_292 step %parallel_loop3A_293  : i32 {
          %parallel_loop3A_369 = arith.constant 16 : i32
          %parallel_loop3A_370 = arith.muli %parallel_loop3A_368, %parallel_loop3A_369 : i32
          %parallel_loop3A_371 = arith.index_cast %parallel_loop3A_370 : i32 to index
          %parallel_loop3A_372 = tpu.vector_load %arg9[%parallel_loop3A_371] {strides = array<i32>} : memref<2048xi32, #tpu.memory_space<vmem>>, vector<16xi32>,
          %parallel_loop3A_373 = arith.constant 16 : i32
          %parallel_loop3A_374 = arith.muli %parallel_loop3A_368, %parallel_loop3A_373 : i32
          %parallel_loop3A_375 = arith.index_cast %parallel_loop3A_374 : i32 to index
          %parallel_loop3A_376 = tpu.vector_load %arg13[%parallel_loop3A_375] {strides = array<i32>} : memref<2048xf32, #tpu.memory_space<vmem>>, vector<16xf32>,
          %parallel_loop3A_377 = arith.constant 16 : i32
          %parallel_loop3A_378 = arith.muli %parallel_loop3A_368, %parallel_loop3A_377 : i32
          %parallel_loop3A_379 = arith.index_cast %parallel_loop3A_378 : i32 to index
          %parallel_loop3A_380 = tpu.vector_load %arg17[%parallel_loop3A_379] {strides = array<i32>} : memref<2048xi32, #tpu.memory_space<vmem>>, vector<16xi32>,
          %parallel_loop3A_381 = vector.broadcast %reduce_min3A_77 : i32 to vector<16xi32>
          %parallel_loop3A_382 = arith.subi %parallel_loop3A_380, %parallel_loop3A_381 : vector<16xi32>
          %parallel_loop3A_383 = arith.constant 8 : i32
          %parallel_loop3A_384 = vector.broadcast %parallel_loop3A_383 : i32 to vector<16xi32>
          %parallel_loop3A_385 = arith.muli %parallel_loop3A_382, %parallel_loop3A_384 : vector<16xi32>
          %parallel_loop3A_386 = arith.addi %parallel_loop3A_385, %select_n3A_149 : vector<16xi32>
          %parallel_loop3A_387 = arith.sitofp %parallel_loop3A_372 : vector<16xi32> to vector<16xf32>
          %parallel_loop3A_388 = arith.mulf %parallel_loop3A_376, %parallel_loop3A_387 : vector<16xf32>
          tpu.vector_store_idx %arg22[%parallel_loop3A_386], %parallel_loop3A_388 {add = true} : memref<28672xf32, #tpu.memory_space<vmem>>[vector<16xi32>], vector<16xf32>,
        } {sc.loop_unroll_factor = 1 : i64, sc.parallel_access}
        %mul3A_294 = arith.constant 4 : i32
        %mul3A_295 = arith.muli %scan3A_220, %mul3A_294 : i32
        %add3A_296 = arith.constant 2 : i32
        %add3A_297 = arith.addi %mul3A_295, %add3A_296 : i32
        %add3A_298 = arith.constant 3 : i32
        %add3A_299 = arith.addi %add3A_297, %add3A_298 : i32
        %lt3A_300 = arith.constant 64 : i32
        %lt3A_301 = arith.cmpi slt, %add3A_299, %lt3A_300 : i32
        %convert_element_type3A_302 = arith.extui %lt3A_301 : i1 to i32
        %cond3A_303 = arith.constant 0 : i32
        %cond3A_304 = arith.cmpi ne, %convert_element_type3A_302, %cond3A_303 : i32
        scf.if %cond3A_304 {
          %add3A_368 = arith.constant 3 : i32
          %add3A_369 = arith.addi %add3A_297, %add3A_368 : i32
          %mul3A_370 = arith.constant 2048 : i32
          %mul3A_371 = arith.muli %add3A_369, %mul3A_370 : i32
          %add3A_372 = arith.addi %mul3A_2, %mul3A_371 : i32
          %multiple_of3A_373 = tpu.assume_multiple %add3A_372, 2048 : i32
          %dma_start3A_374 = arith.constant 1 : i32
          %dma_start3A_375 = arith.constant 0 : i32
          %dma_start3A_376 = tpu.memref_slice %arg3[%multiple_of3A_373] : memref<4194304xi32, #tpu.memory_space<hbm>> -> memref<2048xi32, #tpu.memory_space<hbm>>
          %dma_start3A_377 = tpu.memref_slice %arg27[%dma_start3A_374, %dma_start3A_375] : memref<4x2x!tpu.dma_semaphore, #tpu.memory_space<semaphore_mem>> -> memref<1x1x!tpu.dma_semaphore, #tpu.memory_space<semaphore_mem>>
          %dma_start3A_378 = tpu.memref_squeeze %dma_start3A_377 : memref<1x1x!tpu.dma_semaphore, #tpu.memory_space<semaphore_mem>> -> memref<!tpu.dma_semaphore, #tpu.memory_space<semaphore_mem>>
          %dma_start3A_379 = tpu.memref_slice %arg3[%multiple_of3A_373] : memref<4194304xi32, #tpu.memory_space<hbm>> -> memref<2048xi32, #tpu.memory_space<hbm>>
          tpu.enqueue_dma source(%dma_start3A_379 : memref<2048xi32, #tpu.memory_space<hbm>>) target(%arg9 : memref<2048xi32, #tpu.memory_space<vmem>>) target_semaphore(%dma_start3A_378 : memref<!tpu.dma_semaphore, #tpu.memory_space<semaphore_mem>>)
          %dma_start3A_380 = arith.constant 1 : i32
          %dma_start3A_381 = arith.constant 1 : i32
          %dma_start3A_382 = tpu.memref_slice %arg4[%multiple_of3A_373] : memref<4194304xf32, #tpu.memory_space<hbm>> -> memref<2048xf32, #tpu.memory_space<hbm>>
          %dma_start3A_383 = tpu.memref_slice %arg27[%dma_start3A_380, %dma_start3A_381] : memref<4x2x!tpu.dma_semaphore, #tpu.memory_space<semaphore_mem>> -> memref<1x1x!tpu.dma_semaphore, #tpu.memory_space<semaphore_mem>>
          %dma_start3A_384 = tpu.memref_squeeze %dma_start3A_383 : memref<1x1x!tpu.dma_semaphore, #tpu.memory_space<semaphore_mem>> -> memref<!tpu.dma_semaphore, #tpu.memory_space<semaphore_mem>>
          %dma_start3A_385 = tpu.memref_slice %arg4[%multiple_of3A_373] : memref<4194304xf32, #tpu.memory_space<hbm>> -> memref<2048xf32, #tpu.memory_space<hbm>>
          tpu.enqueue_dma source(%dma_start3A_385 : memref<2048xf32, #tpu.memory_space<hbm>>) target(%arg13 : memref<2048xf32, #tpu.memory_space<vmem>>) target_semaphore(%dma_start3A_384 : memref<!tpu.dma_semaphore, #tpu.memory_space<semaphore_mem>>)
          %dma_start3A_386 = arith.constant 1 : i32
          %dma_start3A_387 = tpu.memref_slice %arg2[%multiple_of3A_373] : memref<4194304xi32, #tpu.memory_space<hbm>> -> memref<2048xi32, #tpu.memory_space<hbm>>
          %dma_start3A_388 = tpu.memref_slice %arg28[%dma_start3A_386] : memref<4x!tpu.dma_semaphore, #tpu.memory_space<semaphore_mem>> -> memref<1x!tpu.dma_semaphore, #tpu.memory_space<semaphore_mem>>
          %dma_start3A_389 = tpu.memref_squeeze %dma_start3A_388 : memref<1x!tpu.dma_semaphore, #tpu.memory_space<semaphore_mem>> -> memref<!tpu.dma_semaphore, #tpu.memory_space<semaphore_mem>>
          %dma_start3A_390 = tpu.memref_slice %arg2[%multiple_of3A_373] : memref<4194304xi32, #tpu.memory_space<hbm>> -> memref<2048xi32, #tpu.memory_space<hbm>>
          tpu.enqueue_dma source(%dma_start3A_390 : memref<2048xi32, #tpu.memory_space<hbm>>) target(%arg17 : memref<2048xi32, #tpu.memory_space<vmem>>) target_semaphore(%dma_start3A_389 : memref<!tpu.dma_semaphore, #tpu.memory_space<semaphore_mem>>)
        } else {
        }
        %dma_wait3A_305 = arith.constant 2 : i32
        %dma_wait3A_306 = arith.constant 0 : i32
        %dma_wait3A_307 = arith.constant 0 : i32
        %dma_wait3A_308 = tpu.memref_slice %arg3[%dma_wait3A_307] : memref<4194304xi32, #tpu.memory_space<hbm>> -> memref<2048xi32, #tpu.memory_space<hbm>>
        %dma_wait3A_309 = tpu.memref_slice %arg27[%dma_wait3A_305, %dma_wait3A_306] : memref<4x2x!tpu.dma_semaphore, #tpu.memory_space<semaphore_mem>> -> memref<1x1x!tpu.dma_semaphore, #tpu.memory_space<semaphore_mem>>
        %dma_wait3A_310 = tpu.memref_squeeze %dma_wait3A_309 : memref<1x1x!tpu.dma_semaphore, #tpu.memory_space<semaphore_mem>> -> memref<!tpu.dma_semaphore, #tpu.memory_space<semaphore_mem>>
        %dma_wait3A_311 = arith.constant 0 : i32
        %dma_wait3A_312 = tpu.memref_slice %arg3[%dma_wait3A_311] : memref<4194304xi32, #tpu.memory_space<hbm>> -> memref<2048xi32, #tpu.memory_space<hbm>>
        tpu.wait_dma2 semaphore(%dma_wait3A_310 : memref<!tpu.dma_semaphore, #tpu.memory_space<semaphore_mem>>) src(%dma_wait3A_312 : memref<2048xi32, #tpu.memory_space<hbm>>) dst(%arg10 : memref<2048xi32, #tpu.memory_space<vmem>>)
        %dma_wait3A_313 = arith.constant 2 : i32
        %dma_wait3A_314 = arith.constant 1 : i32
        %dma_wait3A_315 = arith.constant 0 : i32
        %dma_wait3A_316 = tpu.memref_slice %arg4[%dma_wait3A_315] : memref<4194304xf32, #tpu.memory_space<hbm>> -> memref<2048xf32, #tpu.memory_space<hbm>>
        %dma_wait3A_317 = tpu.memref_slice %arg27[%dma_wait3A_313, %dma_wait3A_314] : memref<4x2x!tpu.dma_semaphore, #tpu.memory_space<semaphore_mem>> -> memref<1x1x!tpu.dma_semaphore, #tpu.memory_space<semaphore_mem>>
        %dma_wait3A_318 = tpu.memref_squeeze %dma_wait3A_317 : memref<1x1x!tpu.dma_semaphore, #tpu.memory_space<semaphore_mem>> -> memref<!tpu.dma_semaphore, #tpu.memory_space<semaphore_mem>>
        %dma_wait3A_319 = arith.constant 0 : i32
        %dma_wait3A_320 = tpu.memref_slice %arg4[%dma_wait3A_319] : memref<4194304xf32, #tpu.memory_space<hbm>> -> memref<2048xf32, #tpu.memory_space<hbm>>
        tpu.wait_dma2 semaphore(%dma_wait3A_318 : memref<!tpu.dma_semaphore, #tpu.memory_space<semaphore_mem>>) src(%dma_wait3A_320 : memref<2048xf32, #tpu.memory_space<hbm>>) dst(%arg14 : memref<2048xf32, #tpu.memory_space<vmem>>)
        %dma_wait3A_321 = arith.constant 2 : i32
        %dma_wait3A_322 = arith.constant 0 : i32
        %dma_wait3A_323 = tpu.memref_slice %arg2[%dma_wait3A_322] : memref<4194304xi32, #tpu.memory_space<hbm>> -> memref<2048xi32, #tpu.memory_space<hbm>>
        %dma_wait3A_324 = tpu.memref_slice %arg28[%dma_wait3A_321] : memref<4x!tpu.dma_semaphore, #tpu.memory_space<semaphore_mem>> -> memref<1x!tpu.dma_semaphore, #tpu.memory_space<semaphore_mem>>
        %dma_wait3A_325 = tpu.memref_squeeze %dma_wait3A_324 : memref<1x!tpu.dma_semaphore, #tpu.memory_space<semaphore_mem>> -> memref<!tpu.dma_semaphore, #tpu.memory_space<semaphore_mem>>
        %dma_wait3A_326 = arith.constant 0 : i32
        %dma_wait3A_327 = tpu.memref_slice %arg2[%dma_wait3A_326] : memref<4194304xi32, #tpu.memory_space<hbm>> -> memref<2048xi32, #tpu.memory_space<hbm>>
        tpu.wait_dma2 semaphore(%dma_wait3A_325 : memref<!tpu.dma_semaphore, #tpu.memory_space<semaphore_mem>>) src(%dma_wait3A_327 : memref<2048xi32, #tpu.memory_space<hbm>>) dst(%arg18 : memref<2048xi32, #tpu.memory_space<vmem>>)
        %parallel_loop3A_328 = arith.constant 0 : i32
        %parallel_loop3A_329 = arith.constant 1 : i32
        %parallel_loop3A_330 = arith.constant 1 : i32
        scf.for %parallel_loop3A_368 = %parallel_loop3A_328 to %parallel_loop3A_329 step %parallel_loop3A_330  : i32 {
          %parallel_loop3A_369 = arith.constant 16 : i32
          %parallel_loop3A_370 = arith.muli %parallel_loop3A_368, %parallel_loop3A_369 : i32
          %parallel_loop3A_371 = arith.index_cast %parallel_loop3A_370 : i32 to index
          %parallel_loop3A_372 = tpu.vector_load %arg10[%parallel_loop3A_371] {strides = array<i32>} : memref<2048xi32, #tpu.memory_space<vmem>>, vector<16xi32>,
          %parallel_loop3A_373 = arith.constant 16 : i32
          %parallel_loop3A_374 = arith.muli %parallel_loop3A_368, %parallel_loop3A_373 : i32
          %parallel_loop3A_375 = arith.index_cast %parallel_loop3A_374 : i32 to index
          %parallel_loop3A_376 = tpu.vector_load %arg14[%parallel_loop3A_375] {strides = array<i32>} : memref<2048xf32, #tpu.memory_space<vmem>>, vector<16xf32>,
          %parallel_loop3A_377 = arith.constant 16 : i32
          %parallel_loop3A_378 = arith.muli %parallel_loop3A_368, %parallel_loop3A_377 : i32
          %parallel_loop3A_379 = arith.index_cast %parallel_loop3A_378 : i32 to index
          %parallel_loop3A_380 = tpu.vector_load %arg18[%parallel_loop3A_379] {strides = array<i32>} : memref<2048xi32, #tpu.memory_space<vmem>>, vector<16xi32>,
          %parallel_loop3A_381 = vector.broadcast %reduce_min3A_77 : i32 to vector<16xi32>
          %parallel_loop3A_382 = arith.subi %parallel_loop3A_380, %parallel_loop3A_381 : vector<16xi32>
          %parallel_loop3A_383 = arith.constant 8 : i32
          %parallel_loop3A_384 = vector.broadcast %parallel_loop3A_383 : i32 to vector<16xi32>
          %parallel_loop3A_385 = arith.muli %parallel_loop3A_382, %parallel_loop3A_384 : vector<16xi32>
          %parallel_loop3A_386 = arith.addi %parallel_loop3A_385, %select_n3A_149 : vector<16xi32>
          %parallel_loop3A_387 = arith.sitofp %parallel_loop3A_372 : vector<16xi32> to vector<16xf32>
          %parallel_loop3A_388 = arith.mulf %parallel_loop3A_376, %parallel_loop3A_387 : vector<16xf32>
          tpu.vector_store_idx %arg22[%parallel_loop3A_386], %parallel_loop3A_388 {add = true} : memref<28672xf32, #tpu.memory_space<vmem>>[vector<16xi32>], vector<16xf32>,
        } {sc.loop_unroll_factor = 1 : i64, sc.parallel_access}
        %mul3A_331 = arith.constant 4 : i32
        %mul3A_332 = arith.muli %scan3A_220, %mul3A_331 : i32
        %add3A_333 = arith.constant 3 : i32
        %add3A_334 = arith.addi %mul3A_332, %add3A_333 : i32
        %add3A_335 = arith.constant 3 : i32
        %add3A_336 = arith.addi %add3A_334, %add3A_335 : i32
        %lt3A_337 = arith.constant 64 : i32
        %lt3A_338 = arith.cmpi slt, %add3A_336, %lt3A_337 : i32
        %convert_element_type3A_339 = arith.extui %lt3A_338 : i1 to i32
        %cond3A_340 = arith.constant 0 : i32
        %cond3A_341 = arith.cmpi ne, %convert_element_type3A_339, %cond3A_340 : i32
        scf.if %cond3A_341 {
          %add3A_368 = arith.constant 3 : i32
          %add3A_369 = arith.addi %add3A_334, %add3A_368 : i32
          %mul3A_370 = arith.constant 2048 : i32
          %mul3A_371 = arith.muli %add3A_369, %mul3A_370 : i32
          %add3A_372 = arith.addi %mul3A_2, %mul3A_371 : i32
          %multiple_of3A_373 = tpu.assume_multiple %add3A_372, 2048 : i32
          %dma_start3A_374 = arith.constant 2 : i32
          %dma_start3A_375 = arith.constant 0 : i32
          %dma_start3A_376 = tpu.memref_slice %arg3[%multiple_of3A_373] : memref<4194304xi32, #tpu.memory_space<hbm>> -> memref<2048xi32, #tpu.memory_space<hbm>>
          %dma_start3A_377 = tpu.memref_slice %arg27[%dma_start3A_374, %dma_start3A_375] : memref<4x2x!tpu.dma_semaphore, #tpu.memory_space<semaphore_mem>> -> memref<1x1x!tpu.dma_semaphore, #tpu.memory_space<semaphore_mem>>
          %dma_start3A_378 = tpu.memref_squeeze %dma_start3A_377 : memref<1x1x!tpu.dma_semaphore, #tpu.memory_space<semaphore_mem>> -> memref<!tpu.dma_semaphore, #tpu.memory_space<semaphore_mem>>
          %dma_start3A_379 = tpu.memref_slice %arg3[%multiple_of3A_373] : memref<4194304xi32, #tpu.memory_space<hbm>> -> memref<2048xi32, #tpu.memory_space<hbm>>
          tpu.enqueue_dma source(%dma_start3A_379 : memref<2048xi32, #tpu.memory_space<hbm>>) target(%arg10 : memref<2048xi32, #tpu.memory_space<vmem>>) target_semaphore(%dma_start3A_378 : memref<!tpu.dma_semaphore, #tpu.memory_space<semaphore_mem>>)
          %dma_start3A_380 = arith.constant 2 : i32
          %dma_start3A_381 = arith.constant 1 : i32
          %dma_start3A_382 = tpu.memref_slice %arg4[%multiple_of3A_373] : memref<4194304xf32, #tpu.memory_space<hbm>> -> memref<2048xf32, #tpu.memory_space<hbm>>
          %dma_start3A_383 = tpu.memref_slice %arg27[%dma_start3A_380, %dma_start3A_381] : memref<4x2x!tpu.dma_semaphore, #tpu.memory_space<semaphore_mem>> -> memref<1x1x!tpu.dma_semaphore, #tpu.memory_space<semaphore_mem>>
          %dma_start3A_384 = tpu.memref_squeeze %dma_start3A_383 : memref<1x1x!tpu.dma_semaphore, #tpu.memory_space<semaphore_mem>> -> memref<!tpu.dma_semaphore, #tpu.memory_space<semaphore_mem>>
          %dma_start3A_385 = tpu.memref_slice %arg4[%multiple_of3A_373] : memref<4194304xf32, #tpu.memory_space<hbm>> -> memref<2048xf32, #tpu.memory_space<hbm>>
          tpu.enqueue_dma source(%dma_start3A_385 : memref<2048xf32, #tpu.memory_space<hbm>>) target(%arg14 : memref<2048xf32, #tpu.memory_space<vmem>>) target_semaphore(%dma_start3A_384 : memref<!tpu.dma_semaphore, #tpu.memory_space<semaphore_mem>>)
          %dma_start3A_386 = arith.constant 2 : i32
          %dma_start3A_387 = tpu.memref_slice %arg2[%multiple_of3A_373] : memref<4194304xi32, #tpu.memory_space<hbm>> -> memref<2048xi32, #tpu.memory_space<hbm>>
          %dma_start3A_388 = tpu.memref_slice %arg28[%dma_start3A_386] : memref<4x!tpu.dma_semaphore, #tpu.memory_space<semaphore_mem>> -> memref<1x!tpu.dma_semaphore, #tpu.memory_space<semaphore_mem>>
          %dma_start3A_389 = tpu.memref_squeeze %dma_start3A_388 : memref<1x!tpu.dma_semaphore, #tpu.memory_space<semaphore_mem>> -> memref<!tpu.dma_semaphore, #tpu.memory_space<semaphore_mem>>
          %dma_start3A_390 = tpu.memref_slice %arg2[%multiple_of3A_373] : memref<4194304xi32, #tpu.memory_space<hbm>> -> memref<2048xi32, #tpu.memory_space<hbm>>
          tpu.enqueue_dma source(%dma_start3A_390 : memref<2048xi32, #tpu.memory_space<hbm>>) target(%arg18 : memref<2048xi32, #tpu.memory_space<vmem>>) target_semaphore(%dma_start3A_389 : memref<!tpu.dma_semaphore, #tpu.memory_space<semaphore_mem>>)
        } else {
        }
        %dma_wait3A_342 = arith.constant 3 : i32
        %dma_wait3A_343 = arith.constant 0 : i32
        %dma_wait3A_344 = arith.constant 0 : i32
        %dma_wait3A_345 = tpu.memref_slice %arg3[%dma_wait3A_344] : memref<4194304xi32, #tpu.memory_space<hbm>> -> memref<2048xi32, #tpu.memory_space<hbm>>
        %dma_wait3A_346 = tpu.memref_slice %arg27[%dma_wait3A_342, %dma_wait3A_343] : memref<4x2x!tpu.dma_semaphore, #tpu.memory_space<semaphore_mem>> -> memref<1x1x!tpu.dma_semaphore, #tpu.memory_space<semaphore_mem>>
        %dma_wait3A_347 = tpu.memref_squeeze %dma_wait3A_346 : memref<1x1x!tpu.dma_semaphore, #tpu.memory_space<semaphore_mem>> -> memref<!tpu.dma_semaphore, #tpu.memory_space<semaphore_mem>>
        %dma_wait3A_348 = arith.constant 0 : i32
        %dma_wait3A_349 = tpu.memref_slice %arg3[%dma_wait3A_348] : memref<4194304xi32, #tpu.memory_space<hbm>> -> memref<2048xi32, #tpu.memory_space<hbm>>
        tpu.wait_dma2 semaphore(%dma_wait3A_347 : memref<!tpu.dma_semaphore, #tpu.memory_space<semaphore_mem>>) src(%dma_wait3A_349 : memref<2048xi32, #tpu.memory_space<hbm>>) dst(%arg11 : memref<2048xi32, #tpu.memory_space<vmem>>)
        %dma_wait3A_350 = arith.constant 3 : i32
        %dma_wait3A_351 = arith.constant 1 : i32
        %dma_wait3A_352 = arith.constant 0 : i32
        %dma_wait3A_353 = tpu.memref_slice %arg4[%dma_wait3A_352] : memref<4194304xf32, #tpu.memory_space<hbm>> -> memref<2048xf32, #tpu.memory_space<hbm>>
        %dma_wait3A_354 = tpu.memref_slice %arg27[%dma_wait3A_350, %dma_wait3A_351] : memref<4x2x!tpu.dma_semaphore, #tpu.memory_space<semaphore_mem>> -> memref<1x1x!tpu.dma_semaphore, #tpu.memory_space<semaphore_mem>>
        %dma_wait3A_355 = tpu.memref_squeeze %dma_wait3A_354 : memref<1x1x!tpu.dma_semaphore, #tpu.memory_space<semaphore_mem>> -> memref<!tpu.dma_semaphore, #tpu.memory_space<semaphore_mem>>
        %dma_wait3A_356 = arith.constant 0 : i32
        %dma_wait3A_357 = tpu.memref_slice %arg4[%dma_wait3A_356] : memref<4194304xf32, #tpu.memory_space<hbm>> -> memref<2048xf32, #tpu.memory_space<hbm>>
        tpu.wait_dma2 semaphore(%dma_wait3A_355 : memref<!tpu.dma_semaphore, #tpu.memory_space<semaphore_mem>>) src(%dma_wait3A_357 : memref<2048xf32, #tpu.memory_space<hbm>>) dst(%arg15 : memref<2048xf32, #tpu.memory_space<vmem>>)
        %dma_wait3A_358 = arith.constant 3 : i32
        %dma_wait3A_359 = arith.constant 0 : i32
        %dma_wait3A_360 = tpu.memref_slice %arg2[%dma_wait3A_359] : memref<4194304xi32, #tpu.memory_space<hbm>> -> memref<2048xi32, #tpu.memory_space<hbm>>
        %dma_wait3A_361 = tpu.memref_slice %arg28[%dma_wait3A_358] : memref<4x!tpu.dma_semaphore, #tpu.memory_space<semaphore_mem>> -> memref<1x!tpu.dma_semaphore, #tpu.memory_space<semaphore_mem>>
        %dma_wait3A_362 = tpu.memref_squeeze %dma_wait3A_361 : memref<1x!tpu.dma_semaphore, #tpu.memory_space<semaphore_mem>> -> memref<!tpu.dma_semaphore, #tpu.memory_space<semaphore_mem>>
        %dma_wait3A_363 = arith.constant 0 : i32
        %dma_wait3A_364 = tpu.memref_slice %arg2[%dma_wait3A_363] : memref<4194304xi32, #tpu.memory_space<hbm>> -> memref<2048xi32, #tpu.memory_space<hbm>>
        tpu.wait_dma2 semaphore(%dma_wait3A_362 : memref<!tpu.dma_semaphore, #tpu.memory_space<semaphore_mem>>) src(%dma_wait3A_364 : memref<2048xi32, #tpu.memory_space<hbm>>) dst(%arg19 : memref<2048xi32, #tpu.memory_space<vmem>>)
        %parallel_loop3A_365 = arith.constant 0 : i32
        %parallel_loop3A_366 = arith.constant 1 : i32
        %parallel_loop3A_367 = arith.constant 1 : i32
        scf.for %parallel_loop3A_368 = %parallel_loop3A_365 to %parallel_loop3A_366 step %parallel_loop3A_367  : i32 {
          %parallel_loop3A_369 = arith.constant 16 : i32
          %parallel_loop3A_370 = arith.muli %parallel_loop3A_368, %parallel_loop3A_369 : i32
          %parallel_loop3A_371 = arith.index_cast %parallel_loop3A_370 : i32 to index
          %parallel_loop3A_372 = tpu.vector_load %arg11[%parallel_loop3A_371] {strides = array<i32>} : memref<2048xi32, #tpu.memory_space<vmem>>, vector<16xi32>,
          %parallel_loop3A_373 = arith.constant 16 : i32
          %parallel_loop3A_374 = arith.muli %parallel_loop3A_368, %parallel_loop3A_373 : i32
          %parallel_loop3A_375 = arith.index_cast %parallel_loop3A_374 : i32 to index
          %parallel_loop3A_376 = tpu.vector_load %arg15[%parallel_loop3A_375] {strides = array<i32>} : memref<2048xf32, #tpu.memory_space<vmem>>, vector<16xf32>,
          %parallel_loop3A_377 = arith.constant 16 : i32
          %parallel_loop3A_378 = arith.muli %parallel_loop3A_368, %parallel_loop3A_377 : i32
          %parallel_loop3A_379 = arith.index_cast %parallel_loop3A_378 : i32 to index
          %parallel_loop3A_380 = tpu.vector_load %arg19[%parallel_loop3A_379] {strides = array<i32>} : memref<2048xi32, #tpu.memory_space<vmem>>, vector<16xi32>,
          %parallel_loop3A_381 = vector.broadcast %reduce_min3A_77 : i32 to vector<16xi32>
          %parallel_loop3A_382 = arith.subi %parallel_loop3A_380, %parallel_loop3A_381 : vector<16xi32>
          %parallel_loop3A_383 = arith.constant 8 : i32
          %parallel_loop3A_384 = vector.broadcast %parallel_loop3A_383 : i32 to vector<16xi32>
          %parallel_loop3A_385 = arith.muli %parallel_loop3A_382, %parallel_loop3A_384 : vector<16xi32>
          %parallel_loop3A_386 = arith.addi %parallel_loop3A_385, %select_n3A_149 : vector<16xi32>
          %parallel_loop3A_387 = arith.sitofp %parallel_loop3A_372 : vector<16xi32> to vector<16xf32>
          %parallel_loop3A_388 = arith.mulf %parallel_loop3A_376, %parallel_loop3A_387 : vector<16xf32>
          tpu.vector_store_idx %arg22[%parallel_loop3A_386], %parallel_loop3A_388 {add = true} : memref<28672xf32, #tpu.memory_space<vmem>>[vector<16xi32>], vector<16xf32>,
        } {sc.loop_unroll_factor = 1 : i64, sc.parallel_access}
      }
      %scan3A_206 = arith.constant 16 : i32
      %mul3A_207 = arith.constant 8 : i32
      %mul3A_208 = vector.broadcast %mul3A_207 : i32 to vector<16xi32>
      %mul3A_209 = arith.muli %iota3A, %mul3A_208 : vector<16xi32>
      %while3A_210 = arith.constant 0 : i32
      %while3A_211 = arith.constant 0 : i32
      %while3A_212 = arith.subi %select_n3A, %while3A_211 : i32
      %while3A_213 = arith.addi %while3A_211, %while3A_212 : i32
      %while3A_214 = arith.constant 1 : i32
      %while3A_215 = arith.divsi %while3A_212, %while3A_214 : i32
      %while3A_216 = arith.muli %while3A_215, %while3A_214 : i32
      %while3A_217 = arith.addi %while3A_211, %while3A_216 : i32
      %while3A_218 = arith.constant 1 : i32
      scf.for %while3A_220 = %while3A_211 to %while3A_217 step %while3A_218  : i32 {
        %mul3A_221 = arith.constant 512 : i32
        %mul3A_222 = arith.muli %while3A_220, %mul3A_221 : i32
        %add3A_223 = arith.addi %reduce_min3A_77, %mul3A_222 : i32
        %scan3A_224 = arith.constant 0 : i32
        %scan3A_225 = arith.constant 0 : i32
        %scan3A_226 = arith.constant 32 : i32
        %scan3A_227 = arith.addi %scan3A_225, %scan3A_226 : i32
        %scan3A_228 = arith.constant 1 : i32
        scf.for %scan3A_230 = %scan3A_225 to %scan3A_227 step %scan3A_228  : i32 {
          %mul3A_231 = arith.constant 16 : i32
          %mul3A_232 = arith.muli %scan3A_230, %mul3A_231 : i32
          %add3A_233 = arith.addi %add3A_223, %mul3A_232 : i32
          %add3A_234 = vector.broadcast %add3A_233 : i32 to vector<16xi32>
          %add3A_235 = arith.addi %add3A_234, %iota3A : vector<16xi32>
          %min3A = arith.constant 65535 : i32
          %min3A_236 = vector.broadcast %min3A : i32 to vector<16xi32>
          %min3A_237 = arith.minsi %add3A_235, %min3A_236 : vector<16xi32>
          %mul3A_238 = arith.constant 16 : i32
          %mul3A_239 = arith.muli %scan3A_230, %mul3A_238 : i32
          %swap3A = arith.index_cast %mul3A_239 : i32 to index
          %swap3A_240 = tpu.vector_load %arg24[%swap3A] {strides = array<i32>} : memref<512xi32, #tpu.memory_space<vmem>>, vector<16xi32>,
          tpu.vector_store %arg24[%swap3A], %min3A_237 {strides = array<i32>} : memref<512xi32, #tpu.memory_space<vmem>>, vector<16xi32>,
          %mul3A_241 = arith.constant 512 : i32
          %mul3A_242 = arith.muli %while3A_220, %mul3A_241 : i32
          %mul3A_243 = arith.constant 16 : i32
          %mul3A_244 = arith.muli %scan3A_230, %mul3A_243 : i32
          %add3A_245 = arith.addi %mul3A_242, %mul3A_244 : i32
          %mul3A_246 = arith.constant 8 : i32
          %mul3A_247 = arith.muli %add3A_245, %mul3A_246 : i32
          %add3A_248 = vector.broadcast %mul3A_247 : i32 to vector<16xi32>
          %add3A_249 = arith.addi %add3A_248, %mul3A_209 : vector<16xi32>
          %gather3A = tpu.vector_load_idx %arg22[%add3A_249] : memref<28672xf32, #tpu.memory_space<vmem>>[vector<16xi32>], vector<16xf32>,
          %add3A_250 = arith.constant 1 : i32
          %add3A_251 = vector.broadcast %add3A_250 : i32 to vector<16xi32>
          %add3A_252 = arith.addi %add3A_249, %add3A_251 : vector<16xi32>
          %gather3A_253 = tpu.vector_load_idx %arg22[%add3A_252] : memref<28672xf32, #tpu.memory_space<vmem>>[vector<16xi32>], vector<16xf32>,
          %add3A_254 = arith.addf %gather3A, %gather3A_253 : vector<16xf32>
          %add3A_255 = arith.constant 2 : i32
          %add3A_256 = vector.broadcast %add3A_255 : i32 to vector<16xi32>
          %add3A_257 = arith.addi %add3A_249, %add3A_256 : vector<16xi32>
          %gather3A_258 = tpu.vector_load_idx %arg22[%add3A_257] : memref<28672xf32, #tpu.memory_space<vmem>>[vector<16xi32>], vector<16xf32>,
          %add3A_259 = arith.addf %add3A_254, %gather3A_258 : vector<16xf32>
          %add3A_260 = arith.constant 3 : i32
          %add3A_261 = vector.broadcast %add3A_260 : i32 to vector<16xi32>
          %add3A_262 = arith.addi %add3A_249, %add3A_261 : vector<16xi32>
          %gather3A_263 = tpu.vector_load_idx %arg22[%add3A_262] : memref<28672xf32, #tpu.memory_space<vmem>>[vector<16xi32>], vector<16xf32>,
          %add3A_264 = arith.addf %add3A_259, %gather3A_263 : vector<16xf32>
          %add3A_265 = arith.constant 4 : i32
          %add3A_266 = vector.broadcast %add3A_265 : i32 to vector<16xi32>
          %add3A_267 = arith.addi %add3A_249, %add3A_266 : vector<16xi32>
          %gather3A_268 = tpu.vector_load_idx %arg22[%add3A_267] : memref<28672xf32, #tpu.memory_space<vmem>>[vector<16xi32>], vector<16xf32>,
          %add3A_269 = arith.addf %add3A_264, %gather3A_268 : vector<16xf32>
          %add3A_270 = arith.constant 5 : i32
          %add3A_271 = vector.broadcast %add3A_270 : i32 to vector<16xi32>
          %add3A_272 = arith.addi %add3A_249, %add3A_271 : vector<16xi32>
          %gather3A_273 = tpu.vector_load_idx %arg22[%add3A_272] : memref<28672xf32, #tpu.memory_space<vmem>>[vector<16xi32>], vector<16xf32>,
          %add3A_274 = arith.addf %add3A_269, %gather3A_273 : vector<16xf32>
          %add3A_275 = arith.constant 6 : i32
          %add3A_276 = vector.broadcast %add3A_275 : i32 to vector<16xi32>
          %add3A_277 = arith.addi %add3A_249, %add3A_276 : vector<16xi32>
          %gather3A_278 = tpu.vector_load_idx %arg22[%add3A_277] : memref<28672xf32, #tpu.memory_space<vmem>>[vector<16xi32>], vector<16xf32>,
          %add3A_279 = arith.addf %add3A_274, %gather3A_278 : vector<16xf32>
          %add3A_280 = arith.constant 7 : i32
          %add3A_281 = vector.broadcast %add3A_280 : i32 to vector<16xi32>
          %add3A_282 = arith.addi %add3A_249, %add3A_281 : vector<16xi32>
          %gather3A_283 = tpu.vector_load_idx %arg22[%add3A_282] : memref<28672xf32, #tpu.memory_space<vmem>>[vector<16xi32>], vector<16xf32>,
          %add3A_284 = arith.addf %add3A_279, %gather3A_283 : vector<16xf32>
          %mul3A_285 = arith.constant 16 : i32
          %mul3A_286 = arith.muli %scan3A_230, %mul3A_285 : i32
          %swap3A_287 = arith.index_cast %mul3A_286 : i32 to index
          %swap3A_288 = tpu.vector_load %arg20[%swap3A_287] {strides = array<i32>} : memref<2048xf32, #tpu.memory_space<vmem>>, vector<16xf32>,
          tpu.vector_store %arg20[%swap3A_287], %add3A_284 {strides = array<i32>} : memref<2048xf32, #tpu.memory_space<vmem>>, vector<16xf32>,
        }
        %scan3A_229 = arith.constant 32 : i32
        "tpu.region"() ({
          %run_scoped3A = tpu.sem_alloc : memref<!tpu.dma_semaphore, #tpu.memory_space<semaphore_mem>>
          %dma_start3A_230 = arith.constant 0 : i32
          %dma_start3A_231 = tpu.memref_slice %arg20[%dma_start3A_230] : memref<2048xf32, #tpu.memory_space<vmem>> -> memref<512xf32, #tpu.memory_space<vmem>>
          %dma_start3A_232 = arith.constant 0 : i32
          %dma_start3A_233 = tpu.memref_slice %arg25[%dma_start3A_232] : memref<65536xf32, #tpu.memory_space<vmem_shared>> -> memref<65536xf32, #tpu.memory_space<vmem_shared>>
          tpu.enqueue_indirect_dma source(%dma_start3A_231 : memref<512xf32, #tpu.memory_space<vmem>>) target(%dma_start3A_233 : memref<65536xf32, #tpu.memory_space<vmem_shared>>) offsets(%arg24 : memref<512xi32, #tpu.memory_space<vmem>>) semaphore(%run_scoped3A : memref<!tpu.dma_semaphore, #tpu.memory_space<semaphore_mem>>) {add = true}
          %dma_wait3A_234 = arith.constant 0 : i32
          %dma_wait3A_235 = tpu.memref_slice %arg20[%dma_wait3A_234] : memref<2048xf32, #tpu.memory_space<vmem>> -> memref<512xf32, #tpu.memory_space<vmem>>
          %dma_wait3A_236 = arith.constant 0 : i32
          %dma_wait3A_237 = tpu.memref_slice %arg25[%dma_wait3A_236] : memref<65536xf32, #tpu.memory_space<vmem_shared>> -> memref<65536xf32, #tpu.memory_space<vmem_shared>>
          tpu.wait_indirect_dma semaphore(%run_scoped3A : memref<!tpu.dma_semaphore, #tpu.memory_space<semaphore_mem>>) src(%dma_wait3A_235 : memref<512xf32, #tpu.memory_space<vmem>>) dst(%dma_wait3A_237 : memref<65536xf32, #tpu.memory_space<vmem_shared>>)
          tpu.yield
        }) : () -> ()
      }
      %while3A_219 = arith.constant 1 : i32
      scf.for %while3A_220 = %while3A_217 to %while3A_213 step %while3A_219  : i32 {
        %mul3A_221 = arith.constant 512 : i32
        %mul3A_222 = arith.muli %while3A_220, %mul3A_221 : i32
        %add3A_223 = arith.addi %reduce_min3A_77, %mul3A_222 : i32
        %scan3A_224 = arith.constant 0 : i32
        %scan3A_225 = arith.constant 0 : i32
        %scan3A_226 = arith.constant 32 : i32
        %scan3A_227 = arith.addi %scan3A_225, %scan3A_226 : i32
        %scan3A_228 = arith.constant 1 : i32
        scf.for %scan3A_230 = %scan3A_225 to %scan3A_227 step %scan3A_228  : i32 {
          %mul3A_231 = arith.constant 16 : i32
          %mul3A_232 = arith.muli %scan3A_230, %mul3A_231 : i32
          %add3A_233 = arith.addi %add3A_223, %mul3A_232 : i32
          %add3A_234 = vector.broadcast %add3A_233 : i32 to vector<16xi32>
          %add3A_235 = arith.addi %add3A_234, %iota3A : vector<16xi32>
          %min3A = arith.constant 65535 : i32
          %min3A_236 = vector.broadcast %min3A : i32 to vector<16xi32>
          %min3A_237 = arith.minsi %add3A_235, %min3A_236 : vector<16xi32>
          %mul3A_238 = arith.constant 16 : i32
          %mul3A_239 = arith.muli %scan3A_230, %mul3A_238 : i32
          %swap3A = arith.index_cast %mul3A_239 : i32 to index
          %swap3A_240 = tpu.vector_load %arg24[%swap3A] {strides = array<i32>} : memref<512xi32, #tpu.memory_space<vmem>>, vector<16xi32>,
          tpu.vector_store %arg24[%swap3A], %min3A_237 {strides = array<i32>} : memref<512xi32, #tpu.memory_space<vmem>>, vector<16xi32>,
          %mul3A_241 = arith.constant 512 : i32
          %mul3A_242 = arith.muli %while3A_220, %mul3A_241 : i32
          %mul3A_243 = arith.constant 16 : i32
          %mul3A_244 = arith.muli %scan3A_230, %mul3A_243 : i32
          %add3A_245 = arith.addi %mul3A_242, %mul3A_244 : i32
          %mul3A_246 = arith.constant 8 : i32
          %mul3A_247 = arith.muli %add3A_245, %mul3A_246 : i32
          %add3A_248 = vector.broadcast %mul3A_247 : i32 to vector<16xi32>
          %add3A_249 = arith.addi %add3A_248, %mul3A_209 : vector<16xi32>
          %gather3A = tpu.vector_load_idx %arg22[%add3A_249] : memref<28672xf32, #tpu.memory_space<vmem>>[vector<16xi32>], vector<16xf32>,
          %add3A_250 = arith.constant 1 : i32
          %add3A_251 = vector.broadcast %add3A_250 : i32 to vector<16xi32>
          %add3A_252 = arith.addi %add3A_249, %add3A_251 : vector<16xi32>
          %gather3A_253 = tpu.vector_load_idx %arg22[%add3A_252] : memref<28672xf32, #tpu.memory_space<vmem>>[vector<16xi32>], vector<16xf32>,
          %add3A_254 = arith.addf %gather3A, %gather3A_253 : vector<16xf32>
          %add3A_255 = arith.constant 2 : i32
          %add3A_256 = vector.broadcast %add3A_255 : i32 to vector<16xi32>
          %add3A_257 = arith.addi %add3A_249, %add3A_256 : vector<16xi32>
          %gather3A_258 = tpu.vector_load_idx %arg22[%add3A_257] : memref<28672xf32, #tpu.memory_space<vmem>>[vector<16xi32>], vector<16xf32>,
          %add3A_259 = arith.addf %add3A_254, %gather3A_258 : vector<16xf32>
          %add3A_260 = arith.constant 3 : i32
          %add3A_261 = vector.broadcast %add3A_260 : i32 to vector<16xi32>
          %add3A_262 = arith.addi %add3A_249, %add3A_261 : vector<16xi32>
          %gather3A_263 = tpu.vector_load_idx %arg22[%add3A_262] : memref<28672xf32, #tpu.memory_space<vmem>>[vector<16xi32>], vector<16xf32>,
          %add3A_264 = arith.addf %add3A_259, %gather3A_263 : vector<16xf32>
          %add3A_265 = arith.constant 4 : i32
          %add3A_266 = vector.broadcast %add3A_265 : i32 to vector<16xi32>
          %add3A_267 = arith.addi %add3A_249, %add3A_266 : vector<16xi32>
          %gather3A_268 = tpu.vector_load_idx %arg22[%add3A_267] : memref<28672xf32, #tpu.memory_space<vmem>>[vector<16xi32>], vector<16xf32>,
          %add3A_269 = arith.addf %add3A_264, %gather3A_268 : vector<16xf32>
          %add3A_270 = arith.constant 5 : i32
          %add3A_271 = vector.broadcast %add3A_270 : i32 to vector<16xi32>
          %add3A_272 = arith.addi %add3A_249, %add3A_271 : vector<16xi32>
          %gather3A_273 = tpu.vector_load_idx %arg22[%add3A_272] : memref<28672xf32, #tpu.memory_space<vmem>>[vector<16xi32>], vector<16xf32>,
          %add3A_274 = arith.addf %add3A_269, %gather3A_273 : vector<16xf32>
          %add3A_275 = arith.constant 6 : i32
          %add3A_276 = vector.broadcast %add3A_275 : i32 to vector<16xi32>
          %add3A_277 = arith.addi %add3A_249, %add3A_276 : vector<16xi32>
          %gather3A_278 = tpu.vector_load_idx %arg22[%add3A_277] : memref<28672xf32, #tpu.memory_space<vmem>>[vector<16xi32>], vector<16xf32>,
          %add3A_279 = arith.addf %add3A_274, %gather3A_278 : vector<16xf32>
          %add3A_280 = arith.constant 7 : i32
          %add3A_281 = vector.broadcast %add3A_280 : i32 to vector<16xi32>
          %add3A_282 = arith.addi %add3A_249, %add3A_281 : vector<16xi32>
          %gather3A_283 = tpu.vector_load_idx %arg22[%add3A_282] : memref<28672xf32, #tpu.memory_space<vmem>>[vector<16xi32>], vector<16xf32>,
          %add3A_284 = arith.addf %add3A_279, %gather3A_283 : vector<16xf32>
          %mul3A_285 = arith.constant 16 : i32
          %mul3A_286 = arith.muli %scan3A_230, %mul3A_285 : i32
          %swap3A_287 = arith.index_cast %mul3A_286 : i32 to index
          %swap3A_288 = tpu.vector_load %arg20[%swap3A_287] {strides = array<i32>} : memref<2048xf32, #tpu.memory_space<vmem>>, vector<16xf32>,
          tpu.vector_store %arg20[%swap3A_287], %add3A_284 {strides = array<i32>} : memref<2048xf32, #tpu.memory_space<vmem>>, vector<16xf32>,
        }
        %scan3A_229 = arith.constant 32 : i32
        "tpu.region"() ({
          %run_scoped3A = tpu.sem_alloc : memref<!tpu.dma_semaphore, #tpu.memory_space<semaphore_mem>>
          %dma_start3A_230 = arith.constant 0 : i32
          %dma_start3A_231 = tpu.memref_slice %arg20[%dma_start3A_230] : memref<2048xf32, #tpu.memory_space<vmem>> -> memref<512xf32, #tpu.memory_space<vmem>>
          %dma_start3A_232 = arith.constant 0 : i32
          %dma_start3A_233 = tpu.memref_slice %arg25[%dma_start3A_232] : memref<65536xf32, #tpu.memory_space<vmem_shared>> -> memref<65536xf32, #tpu.memory_space<vmem_shared>>
          tpu.enqueue_indirect_dma source(%dma_start3A_231 : memref<512xf32, #tpu.memory_space<vmem>>) target(%dma_start3A_233 : memref<65536xf32, #tpu.memory_space<vmem_shared>>) offsets(%arg24 : memref<512xi32, #tpu.memory_space<vmem>>) semaphore(%run_scoped3A : memref<!tpu.dma_semaphore, #tpu.memory_space<semaphore_mem>>) {add = true}
          %dma_wait3A_234 = arith.constant 0 : i32
          %dma_wait3A_235 = tpu.memref_slice %arg20[%dma_wait3A_234] : memref<2048xf32, #tpu.memory_space<vmem>> -> memref<512xf32, #tpu.memory_space<vmem>>
          %dma_wait3A_236 = arith.constant 0 : i32
          %dma_wait3A_237 = tpu.memref_slice %arg25[%dma_wait3A_236] : memref<65536xf32, #tpu.memory_space<vmem_shared>> -> memref<65536xf32, #tpu.memory_space<vmem_shared>>
          tpu.wait_indirect_dma semaphore(%run_scoped3A : memref<!tpu.dma_semaphore, #tpu.memory_space<semaphore_mem>>) src(%dma_wait3A_235 : memref<512xf32, #tpu.memory_space<vmem>>) dst(%dma_wait3A_237 : memref<65536xf32, #tpu.memory_space<vmem_shared>>)
          tpu.yield
        }) : () -> ()
      }
    } else {
    }
    %gt3A = arith.constant 3584 : i32
    %gt3A_92 = arith.cmpi sgt, %add3A_89, %gt3A : i32
    %le3A_93 = arith.constant 28672 : i32
    %le3A_94 = arith.cmpi sle, %add3A_89, %le3A_93 : i32
    %and3A = arith.andi %gt3A_92, %le3A_94 : i1
    %convert_element_type3A_95 = arith.extui %and3A : i1 to i32
    %cond3A_96 = arith.constant 0 : i32
    %cond3A_97 = arith.cmpi ne, %convert_element_type3A_95, %cond3A_96 : i32
    scf.if %cond3A_97 {
      %add3A_108 = arith.constant 2048 : i32
      %add3A_109 = arith.addi %add3A_89, %add3A_108 : i32
      %sub3A_110 = arith.constant 1 : i32
      %sub3A_111 = arith.subi %add3A_109, %sub3A_110 : i32
      %jit3A = arith.constant 2048 : i32
      %div3A = arith.divsi %sub3A_111, %jit3A : i32
      %sign3A = arith.constant 0 : i32
      %sign3A_112 = arith.cmpi sgt, %sub3A_111, %sign3A : i32
      %sign3A_113 = arith.extui %sign3A_112 : i1 to i32
      %sign3A_114 = arith.constant 0 : i32
      %sign3A_115 = arith.cmpi slt, %sub3A_111, %sign3A_114 : i32
      %sign3A_116 = arith.extui %sign3A_115 : i1 to i32
      %sign3A_117 = arith.subi %sign3A_113, %sign3A_116 : i32
      %sign3A_118 = arith.constant 0 : i32
      %sign3A_119 = arith.cmpi sgt, %jit3A, %sign3A_118 : i32
      %sign3A_120 = arith.extui %sign3A_119 : i1 to i32
      %sign3A_121 = arith.constant 0 : i32
      %sign3A_122 = arith.cmpi slt, %jit3A, %sign3A_121 : i32
      %sign3A_123 = arith.extui %sign3A_122 : i1 to i32
      %sign3A_124 = arith.subi %sign3A_120, %sign3A_123 : i32
      %ne3A = arith.cmpi ne, %sign3A_117, %sign3A_124 : i32
      %rem3A = arith.remsi %sub3A_111, %jit3A : i32
      %ne3A_125 = arith.constant 0 : i32
      %ne3A_126 = arith.cmpi ne, %rem3A, %ne3A_125 : i32
      %and3A_127 = arith.andi %ne3A, %ne3A_126 : i1
      %sub3A_128 = arith.constant 1 : i32
      %sub3A_129 = arith.subi %div3A, %sub3A_128 : i32
      %select_n3A = arith.select %and3A_127, %sub3A_129, %div3A : i32
      %jit3A_130 = arith.constant 1 : i32
      %eq3A = arith.constant 0 : i32
      %eq3A_131 = arith.cmpi eq, %jit3A_130, %eq3A : i32
      %jit3A_132 = arith.constant 1 : i32
      %select_n3A_133 = arith.select %eq3A_131, %jit3A_132, %jit3A_130 : i32
      %rem3A_134 = vector.broadcast %select_n3A_133 : i32 to vector<16xi32>
      %rem3A_135 = arith.remsi %iota3A, %rem3A_134 : vector<16xi32>
      %ne3A_136 = arith.constant 0 : i32
      %ne3A_137 = vector.broadcast %ne3A_136 : i32 to vector<16xi32>
      %ne3A_138 = arith.cmpi ne, %rem3A_135, %ne3A_137 : vector<16xi32>
      %lt3A = arith.constant 0 : i32
      %lt3A_139 = vector.broadcast %lt3A : i32 to vector<16xi32>
      %lt3A_140 = arith.cmpi slt, %rem3A_135, %lt3A_139 : vector<16xi32>
      %lt3A_141 = arith.constant 0 : i32
      %lt3A_142 = arith.cmpi slt, %select_n3A_133, %lt3A_141 : i32
      %ne3A_143 = vector.broadcast %lt3A_142 : i1 to vector<16xi1>
      %ne3A_144 = vector.broadcast %ne3A_143 : vector<16xi1> to vector<16xi1>
      %ne3A_145 = arith.xori %lt3A_140, %ne3A_144 : vector<16xi1>
      %and3A_146 = arith.andi %ne3A_145, %ne3A_138 : vector<16xi1>
      %add3A_147 = vector.broadcast %select_n3A_133 : i32 to vector<16xi32>
      %add3A_148 = arith.addi %rem3A_135, %add3A_147 : vector<16xi32>
      %select_n3A_149 = arith.select %and3A_146, %add3A_148, %rem3A_135 : vector<16xi1>, vector<16xi32>
      %mul3A_150 = arith.constant 128 : i32
      %mul3A_151 = arith.muli %select_n3A, %mul3A_150 : i32
      %while3A = arith.constant 0 : i32
      %while3A_152 = arith.constant 0 : i32
      %while3A_153 = arith.subi %mul3A_151, %while3A_152 : i32
      %while3A_154 = arith.addi %while3A_152, %while3A_153 : i32
      %while3A_155 = arith.constant 1 : i32
      %while3A_156 = arith.divsi %while3A_153, %while3A_155 : i32
      %while3A_157 = arith.muli %while3A_156, %while3A_155 : i32
      %while3A_158 = arith.addi %while3A_152, %while3A_157 : i32
      %while3A_159 = arith.constant 1 : i32
      scf.for %while3A_220 = %while3A_152 to %while3A_158 step %while3A_159  : i32 {
        %broadcast_in_dim3A = arith.constant 0.000000e+00 : f32
        %broadcast_in_dim3A_221 = vector.broadcast %broadcast_in_dim3A : f32 to vector<16xf32>
        %mul3A_222 = arith.constant 16 : i32
        %mul3A_223 = arith.muli %while3A_220, %mul3A_222 : i32
        %swap3A = arith.index_cast %mul3A_223 : i32 to index
        %swap3A_224 = tpu.vector_load %arg22[%swap3A] {strides = array<i32>} : memref<28672xf32, #tpu.memory_space<vmem>>, vector<16xf32>,
        tpu.vector_store %arg22[%swap3A], %broadcast_in_dim3A_221 {strides = array<i32>} : memref<28672xf32, #tpu.memory_space<vmem>>, vector<16xf32>,
      }
      %while3A_160 = arith.constant 1 : i32
      scf.for %while3A_220 = %while3A_158 to %while3A_154 step %while3A_160  : i32 {
        %broadcast_in_dim3A = arith.constant 0.000000e+00 : f32
        %broadcast_in_dim3A_221 = vector.broadcast %broadcast_in_dim3A : f32 to vector<16xf32>
        %mul3A_222 = arith.constant 16 : i32
        %mul3A_223 = arith.muli %while3A_220, %mul3A_222 : i32
        %swap3A = arith.index_cast %mul3A_223 : i32 to index
        %swap3A_224 = tpu.vector_load %arg22[%swap3A] {strides = array<i32>} : memref<28672xf32, #tpu.memory_space<vmem>>, vector<16xf32>,
        tpu.vector_store %arg22[%swap3A], %broadcast_in_dim3A_221 {strides = array<i32>} : memref<28672xf32, #tpu.memory_space<vmem>>, vector<16xf32>,
      }
      %add3A_161 = arith.constant 2048 : i32
      %add3A_162 = arith.addi %mul3A_2, %add3A_161 : i32
      %multiple_of3A_163 = tpu.assume_multiple %add3A_162, 2048 : i32
      %dma_start3A_164 = arith.constant 1 : i32
      %dma_start3A_165 = arith.constant 0 : i32
      %dma_start3A_166 = tpu.memref_slice %arg3[%multiple_of3A_163] : memref<4194304xi32, #tpu.memory_space<hbm>> -> memref<2048xi32, #tpu.memory_space<hbm>>
      %dma_start3A_167 = tpu.memref_slice %arg27[%dma_start3A_164, %dma_start3A_165] : memref<4x2x!tpu.dma_semaphore, #tpu.memory_space<semaphore_mem>> -> memref<1x1x!tpu.dma_semaphore, #tpu.memory_space<semaphore_mem>>
      %dma_start3A_168 = tpu.memref_squeeze %dma_start3A_167 : memref<1x1x!tpu.dma_semaphore, #tpu.memory_space<semaphore_mem>> -> memref<!tpu.dma_semaphore, #tpu.memory_space<semaphore_mem>>
      %dma_start3A_169 = tpu.memref_slice %arg3[%multiple_of3A_163] : memref<4194304xi32, #tpu.memory_space<hbm>> -> memref<2048xi32, #tpu.memory_space<hbm>>
      tpu.enqueue_dma source(%dma_start3A_169 : memref<2048xi32, #tpu.memory_space<hbm>>) target(%arg9 : memref<2048xi32, #tpu.memory_space<vmem>>) target_semaphore(%dma_start3A_168 : memref<!tpu.dma_semaphore, #tpu.memory_space<semaphore_mem>>)
      %dma_start3A_170 = arith.constant 1 : i32
      %dma_start3A_171 = arith.constant 1 : i32
      %dma_start3A_172 = tpu.memref_slice %arg4[%multiple_of3A_163] : memref<4194304xf32, #tpu.memory_space<hbm>> -> memref<2048xf32, #tpu.memory_space<hbm>>
      %dma_start3A_173 = tpu.memref_slice %arg27[%dma_start3A_170, %dma_start3A_171] : memref<4x2x!tpu.dma_semaphore, #tpu.memory_space<semaphore_mem>> -> memref<1x1x!tpu.dma_semaphore, #tpu.memory_space<semaphore_mem>>
      %dma_start3A_174 = tpu.memref_squeeze %dma_start3A_173 : memref<1x1x!tpu.dma_semaphore, #tpu.memory_space<semaphore_mem>> -> memref<!tpu.dma_semaphore, #tpu.memory_space<semaphore_mem>>
      %dma_start3A_175 = tpu.memref_slice %arg4[%multiple_of3A_163] : memref<4194304xf32, #tpu.memory_space<hbm>> -> memref<2048xf32, #tpu.memory_space<hbm>>
      tpu.enqueue_dma source(%dma_start3A_175 : memref<2048xf32, #tpu.memory_space<hbm>>) target(%arg13 : memref<2048xf32, #tpu.memory_space<vmem>>) target_semaphore(%dma_start3A_174 : memref<!tpu.dma_semaphore, #tpu.memory_space<semaphore_mem>>)
      %dma_start3A_176 = arith.constant 1 : i32
      %dma_start3A_177 = tpu.memref_slice %arg2[%multiple_of3A_163] : memref<4194304xi32, #tpu.memory_space<hbm>> -> memref<2048xi32, #tpu.memory_space<hbm>>
      %dma_start3A_178 = tpu.memref_slice %arg28[%dma_start3A_176] : memref<4x!tpu.dma_semaphore, #tpu.memory_space<semaphore_mem>> -> memref<1x!tpu.dma_semaphore, #tpu.memory_space<semaphore_mem>>
      %dma_start3A_179 = tpu.memref_squeeze %dma_start3A_178 : memref<1x!tpu.dma_semaphore, #tpu.memory_space<semaphore_mem>> -> memref<!tpu.dma_semaphore, #tpu.memory_space<semaphore_mem>>
      %dma_start3A_180 = tpu.memref_slice %arg2[%multiple_of3A_163] : memref<4194304xi32, #tpu.memory_space<hbm>> -> memref<2048xi32, #tpu.memory_space<hbm>>
      tpu.enqueue_dma source(%dma_start3A_180 : memref<2048xi32, #tpu.memory_space<hbm>>) target(%arg17 : memref<2048xi32, #tpu.memory_space<vmem>>) target_semaphore(%dma_start3A_179 : memref<!tpu.dma_semaphore, #tpu.memory_space<semaphore_mem>>)
      %add3A_181 = arith.constant 4096 : i32
      %add3A_182 = arith.addi %mul3A_2, %add3A_181 : i32
      %multiple_of3A_183 = tpu.assume_multiple %add3A_182, 2048 : i32
      %dma_start3A_184 = arith.constant 2 : i32
      %dma_start3A_185 = arith.constant 0 : i32
      %dma_start3A_186 = tpu.memref_slice %arg3[%multiple_of3A_183] : memref<4194304xi32, #tpu.memory_space<hbm>> -> memref<2048xi32, #tpu.memory_space<hbm>>
      %dma_start3A_187 = tpu.memref_slice %arg27[%dma_start3A_184, %dma_start3A_185] : memref<4x2x!tpu.dma_semaphore, #tpu.memory_space<semaphore_mem>> -> memref<1x1x!tpu.dma_semaphore, #tpu.memory_space<semaphore_mem>>
      %dma_start3A_188 = tpu.memref_squeeze %dma_start3A_187 : memref<1x1x!tpu.dma_semaphore, #tpu.memory_space<semaphore_mem>> -> memref<!tpu.dma_semaphore, #tpu.memory_space<semaphore_mem>>
      %dma_start3A_189 = tpu.memref_slice %arg3[%multiple_of3A_183] : memref<4194304xi32, #tpu.memory_space<hbm>> -> memref<2048xi32, #tpu.memory_space<hbm>>
      tpu.enqueue_dma source(%dma_start3A_189 : memref<2048xi32, #tpu.memory_space<hbm>>) target(%arg10 : memref<2048xi32, #tpu.memory_space<vmem>>) target_semaphore(%dma_start3A_188 : memref<!tpu.dma_semaphore, #tpu.memory_space<semaphore_mem>>)
      %dma_start3A_190 = arith.constant 2 : i32
      %dma_start3A_191 = arith.constant 1 : i32
      %dma_start3A_192 = tpu.memref_slice %arg4[%multiple_of3A_183] : memref<4194304xf32, #tpu.memory_space<hbm>> -> memref<2048xf32, #tpu.memory_space<hbm>>
      %dma_start3A_193 = tpu.memref_slice %arg27[%dma_start3A_190, %dma_start3A_191] : memref<4x2x!tpu.dma_semaphore, #tpu.memory_space<semaphore_mem>> -> memref<1x1x!tpu.dma_semaphore, #tpu.memory_space<semaphore_mem>>
      %dma_start3A_194 = tpu.memref_squeeze %dma_start3A_193 : memref<1x1x!tpu.dma_semaphore, #tpu.memory_space<semaphore_mem>> -> memref<!tpu.dma_semaphore, #tpu.memory_space<semaphore_mem>>
      %dma_start3A_195 = tpu.memref_slice %arg4[%multiple_of3A_183] : memref<4194304xf32, #tpu.memory_space<hbm>> -> memref<2048xf32, #tpu.memory_space<hbm>>
      tpu.enqueue_dma source(%dma_start3A_195 : memref<2048xf32, #tpu.memory_space<hbm>>) target(%arg14 : memref<2048xf32, #tpu.memory_space<vmem>>) target_semaphore(%dma_start3A_194 : memref<!tpu.dma_semaphore, #tpu.memory_space<semaphore_mem>>)
      %dma_start3A_196 = arith.constant 2 : i32
      %dma_start3A_197 = tpu.memref_slice %arg2[%multiple_of3A_183] : memref<4194304xi32, #tpu.memory_space<hbm>> -> memref<2048xi32, #tpu.memory_space<hbm>>
      %dma_start3A_198 = tpu.memref_slice %arg28[%dma_start3A_196] : memref<4x!tpu.dma_semaphore, #tpu.memory_space<semaphore_mem>> -> memref<1x!tpu.dma_semaphore, #tpu.memory_space<semaphore_mem>>
      %dma_start3A_199 = tpu.memref_squeeze %dma_start3A_198 : memref<1x!tpu.dma_semaphore, #tpu.memory_space<semaphore_mem>> -> memref<!tpu.dma_semaphore, #tpu.memory_space<semaphore_mem>>
      %dma_start3A_200 = tpu.memref_slice %arg2[%multiple_of3A_183] : memref<4194304xi32, #tpu.memory_space<hbm>> -> memref<2048xi32, #tpu.memory_space<hbm>>
      tpu.enqueue_dma source(%dma_start3A_200 : memref<2048xi32, #tpu.memory_space<hbm>>) target(%arg18 : memref<2048xi32, #tpu.memory_space<vmem>>) target_semaphore(%dma_start3A_199 : memref<!tpu.dma_semaphore, #tpu.memory_space<semaphore_mem>>)
      %scan3A_201 = arith.constant 0 : i32
      %scan3A_202 = arith.constant 0 : i32
      %scan3A_203 = arith.constant 16 : i32
      %scan3A_204 = arith.addi %scan3A_202, %scan3A_203 : i32
      %scan3A_205 = arith.constant 1 : i32
      scf.for %scan3A_220 = %scan3A_202 to %scan3A_204 step %scan3A_205  : i32 {
        %mul3A_221 = arith.constant 4 : i32
        %mul3A_222 = arith.muli %scan3A_220, %mul3A_221 : i32
        %add3A_223 = arith.constant 0 : i32
        %add3A_224 = arith.addi %mul3A_222, %add3A_223 : i32
        %add3A_225 = arith.constant 3 : i32
        %add3A_226 = arith.addi %add3A_224, %add3A_225 : i32
        %lt3A_227 = arith.constant 64 : i32
        %lt3A_228 = arith.cmpi slt, %add3A_226, %lt3A_227 : i32
        %convert_element_type3A_229 = arith.extui %lt3A_228 : i1 to i32
        %cond3A_230 = arith.constant 0 : i32
        %cond3A_231 = arith.cmpi ne, %convert_element_type3A_229, %cond3A_230 : i32
        scf.if %cond3A_231 {
          %add3A_368 = arith.constant 3 : i32
          %add3A_369 = arith.addi %add3A_224, %add3A_368 : i32
          %mul3A_370 = arith.constant 2048 : i32
          %mul3A_371 = arith.muli %add3A_369, %mul3A_370 : i32
          %add3A_372 = arith.addi %mul3A_2, %mul3A_371 : i32
          %multiple_of3A_373 = tpu.assume_multiple %add3A_372, 2048 : i32
          %dma_start3A_374 = arith.constant 3 : i32
          %dma_start3A_375 = arith.constant 0 : i32
          %dma_start3A_376 = tpu.memref_slice %arg3[%multiple_of3A_373] : memref<4194304xi32, #tpu.memory_space<hbm>> -> memref<2048xi32, #tpu.memory_space<hbm>>
          %dma_start3A_377 = tpu.memref_slice %arg27[%dma_start3A_374, %dma_start3A_375] : memref<4x2x!tpu.dma_semaphore, #tpu.memory_space<semaphore_mem>> -> memref<1x1x!tpu.dma_semaphore, #tpu.memory_space<semaphore_mem>>
          %dma_start3A_378 = tpu.memref_squeeze %dma_start3A_377 : memref<1x1x!tpu.dma_semaphore, #tpu.memory_space<semaphore_mem>> -> memref<!tpu.dma_semaphore, #tpu.memory_space<semaphore_mem>>
          %dma_start3A_379 = tpu.memref_slice %arg3[%multiple_of3A_373] : memref<4194304xi32, #tpu.memory_space<hbm>> -> memref<2048xi32, #tpu.memory_space<hbm>>
          tpu.enqueue_dma source(%dma_start3A_379 : memref<2048xi32, #tpu.memory_space<hbm>>) target(%arg11 : memref<2048xi32, #tpu.memory_space<vmem>>) target_semaphore(%dma_start3A_378 : memref<!tpu.dma_semaphore, #tpu.memory_space<semaphore_mem>>)
          %dma_start3A_380 = arith.constant 3 : i32
          %dma_start3A_381 = arith.constant 1 : i32
          %dma_start3A_382 = tpu.memref_slice %arg4[%multiple_of3A_373] : memref<4194304xf32, #tpu.memory_space<hbm>> -> memref<2048xf32, #tpu.memory_space<hbm>>
          %dma_start3A_383 = tpu.memref_slice %arg27[%dma_start3A_380, %dma_start3A_381] : memref<4x2x!tpu.dma_semaphore, #tpu.memory_space<semaphore_mem>> -> memref<1x1x!tpu.dma_semaphore, #tpu.memory_space<semaphore_mem>>
          %dma_start3A_384 = tpu.memref_squeeze %dma_start3A_383 : memref<1x1x!tpu.dma_semaphore, #tpu.memory_space<semaphore_mem>> -> memref<!tpu.dma_semaphore, #tpu.memory_space<semaphore_mem>>
          %dma_start3A_385 = tpu.memref_slice %arg4[%multiple_of3A_373] : memref<4194304xf32, #tpu.memory_space<hbm>> -> memref<2048xf32, #tpu.memory_space<hbm>>
          tpu.enqueue_dma source(%dma_start3A_385 : memref<2048xf32, #tpu.memory_space<hbm>>) target(%arg15 : memref<2048xf32, #tpu.memory_space<vmem>>) target_semaphore(%dma_start3A_384 : memref<!tpu.dma_semaphore, #tpu.memory_space<semaphore_mem>>)
          %dma_start3A_386 = arith.constant 3 : i32
          %dma_start3A_387 = tpu.memref_slice %arg2[%multiple_of3A_373] : memref<4194304xi32, #tpu.memory_space<hbm>> -> memref<2048xi32, #tpu.memory_space<hbm>>
          %dma_start3A_388 = tpu.memref_slice %arg28[%dma_start3A_386] : memref<4x!tpu.dma_semaphore, #tpu.memory_space<semaphore_mem>> -> memref<1x!tpu.dma_semaphore, #tpu.memory_space<semaphore_mem>>
          %dma_start3A_389 = tpu.memref_squeeze %dma_start3A_388 : memref<1x!tpu.dma_semaphore, #tpu.memory_space<semaphore_mem>> -> memref<!tpu.dma_semaphore, #tpu.memory_space<semaphore_mem>>
          %dma_start3A_390 = tpu.memref_slice %arg2[%multiple_of3A_373] : memref<4194304xi32, #tpu.memory_space<hbm>> -> memref<2048xi32, #tpu.memory_space<hbm>>
          tpu.enqueue_dma source(%dma_start3A_390 : memref<2048xi32, #tpu.memory_space<hbm>>) target(%arg19 : memref<2048xi32, #tpu.memory_space<vmem>>) target_semaphore(%dma_start3A_389 : memref<!tpu.dma_semaphore, #tpu.memory_space<semaphore_mem>>)
        } else {
        }
        %dma_wait3A_232 = arith.constant 0 : i32
        %dma_wait3A_233 = arith.constant 0 : i32
        %dma_wait3A_234 = arith.constant 0 : i32
        %dma_wait3A_235 = tpu.memref_slice %arg3[%dma_wait3A_234] : memref<4194304xi32, #tpu.memory_space<hbm>> -> memref<2048xi32, #tpu.memory_space<hbm>>
        %dma_wait3A_236 = tpu.memref_slice %arg27[%dma_wait3A_232, %dma_wait3A_233] : memref<4x2x!tpu.dma_semaphore, #tpu.memory_space<semaphore_mem>> -> memref<1x1x!tpu.dma_semaphore, #tpu.memory_space<semaphore_mem>>
        %dma_wait3A_237 = tpu.memref_squeeze %dma_wait3A_236 : memref<1x1x!tpu.dma_semaphore, #tpu.memory_space<semaphore_mem>> -> memref<!tpu.dma_semaphore, #tpu.memory_space<semaphore_mem>>
        %dma_wait3A_238 = arith.constant 0 : i32
        %dma_wait3A_239 = tpu.memref_slice %arg3[%dma_wait3A_238] : memref<4194304xi32, #tpu.memory_space<hbm>> -> memref<2048xi32, #tpu.memory_space<hbm>>
        tpu.wait_dma2 semaphore(%dma_wait3A_237 : memref<!tpu.dma_semaphore, #tpu.memory_space<semaphore_mem>>) src(%dma_wait3A_239 : memref<2048xi32, #tpu.memory_space<hbm>>) dst(%arg8 : memref<2048xi32, #tpu.memory_space<vmem>>)
        %dma_wait3A_240 = arith.constant 0 : i32
        %dma_wait3A_241 = arith.constant 1 : i32
        %dma_wait3A_242 = arith.constant 0 : i32
        %dma_wait3A_243 = tpu.memref_slice %arg4[%dma_wait3A_242] : memref<4194304xf32, #tpu.memory_space<hbm>> -> memref<2048xf32, #tpu.memory_space<hbm>>
        %dma_wait3A_244 = tpu.memref_slice %arg27[%dma_wait3A_240, %dma_wait3A_241] : memref<4x2x!tpu.dma_semaphore, #tpu.memory_space<semaphore_mem>> -> memref<1x1x!tpu.dma_semaphore, #tpu.memory_space<semaphore_mem>>
        %dma_wait3A_245 = tpu.memref_squeeze %dma_wait3A_244 : memref<1x1x!tpu.dma_semaphore, #tpu.memory_space<semaphore_mem>> -> memref<!tpu.dma_semaphore, #tpu.memory_space<semaphore_mem>>
        %dma_wait3A_246 = arith.constant 0 : i32
        %dma_wait3A_247 = tpu.memref_slice %arg4[%dma_wait3A_246] : memref<4194304xf32, #tpu.memory_space<hbm>> -> memref<2048xf32, #tpu.memory_space<hbm>>
        tpu.wait_dma2 semaphore(%dma_wait3A_245 : memref<!tpu.dma_semaphore, #tpu.memory_space<semaphore_mem>>) src(%dma_wait3A_247 : memref<2048xf32, #tpu.memory_space<hbm>>) dst(%arg12 : memref<2048xf32, #tpu.memory_space<vmem>>)
        %dma_wait3A_248 = arith.constant 0 : i32
        %dma_wait3A_249 = arith.constant 0 : i32
        %dma_wait3A_250 = tpu.memref_slice %arg2[%dma_wait3A_249] : memref<4194304xi32, #tpu.memory_space<hbm>> -> memref<2048xi32, #tpu.memory_space<hbm>>
        %dma_wait3A_251 = tpu.memref_slice %arg28[%dma_wait3A_248] : memref<4x!tpu.dma_semaphore, #tpu.memory_space<semaphore_mem>> -> memref<1x!tpu.dma_semaphore, #tpu.memory_space<semaphore_mem>>
        %dma_wait3A_252 = tpu.memref_squeeze %dma_wait3A_251 : memref<1x!tpu.dma_semaphore, #tpu.memory_space<semaphore_mem>> -> memref<!tpu.dma_semaphore, #tpu.memory_space<semaphore_mem>>
        %dma_wait3A_253 = arith.constant 0 : i32
        %dma_wait3A_254 = tpu.memref_slice %arg2[%dma_wait3A_253] : memref<4194304xi32, #tpu.memory_space<hbm>> -> memref<2048xi32, #tpu.memory_space<hbm>>
        tpu.wait_dma2 semaphore(%dma_wait3A_252 : memref<!tpu.dma_semaphore, #tpu.memory_space<semaphore_mem>>) src(%dma_wait3A_254 : memref<2048xi32, #tpu.memory_space<hbm>>) dst(%arg16 : memref<2048xi32, #tpu.memory_space<vmem>>)
        %parallel_loop3A = arith.constant 0 : i32
        %parallel_loop3A_255 = arith.constant 1 : i32
        %parallel_loop3A_256 = arith.constant 1 : i32
        scf.for %parallel_loop3A_368 = %parallel_loop3A to %parallel_loop3A_255 step %parallel_loop3A_256  : i32 {
          %parallel_loop3A_369 = arith.constant 16 : i32
          %parallel_loop3A_370 = arith.muli %parallel_loop3A_368, %parallel_loop3A_369 : i32
          %parallel_loop3A_371 = arith.index_cast %parallel_loop3A_370 : i32 to index
          %parallel_loop3A_372 = tpu.vector_load %arg8[%parallel_loop3A_371] {strides = array<i32>} : memref<2048xi32, #tpu.memory_space<vmem>>, vector<16xi32>,
          %parallel_loop3A_373 = arith.constant 16 : i32
          %parallel_loop3A_374 = arith.muli %parallel_loop3A_368, %parallel_loop3A_373 : i32
          %parallel_loop3A_375 = arith.index_cast %parallel_loop3A_374 : i32 to index
          %parallel_loop3A_376 = tpu.vector_load %arg12[%parallel_loop3A_375] {strides = array<i32>} : memref<2048xf32, #tpu.memory_space<vmem>>, vector<16xf32>,
          %parallel_loop3A_377 = arith.constant 16 : i32
          %parallel_loop3A_378 = arith.muli %parallel_loop3A_368, %parallel_loop3A_377 : i32
          %parallel_loop3A_379 = arith.index_cast %parallel_loop3A_378 : i32 to index
          %parallel_loop3A_380 = tpu.vector_load %arg16[%parallel_loop3A_379] {strides = array<i32>} : memref<2048xi32, #tpu.memory_space<vmem>>, vector<16xi32>,
          %parallel_loop3A_381 = vector.broadcast %reduce_min3A_77 : i32 to vector<16xi32>
          %parallel_loop3A_382 = arith.subi %parallel_loop3A_380, %parallel_loop3A_381 : vector<16xi32>
          %parallel_loop3A_383 = arith.constant 1 : i32
          %parallel_loop3A_384 = vector.broadcast %parallel_loop3A_383 : i32 to vector<16xi32>
          %parallel_loop3A_385 = arith.muli %parallel_loop3A_382, %parallel_loop3A_384 : vector<16xi32>
          %parallel_loop3A_386 = arith.addi %parallel_loop3A_385, %select_n3A_149 : vector<16xi32>
          %parallel_loop3A_387 = arith.sitofp %parallel_loop3A_372 : vector<16xi32> to vector<16xf32>
          %parallel_loop3A_388 = arith.mulf %parallel_loop3A_376, %parallel_loop3A_387 : vector<16xf32>
          tpu.vector_store_idx %arg22[%parallel_loop3A_386], %parallel_loop3A_388 {add = true} : memref<28672xf32, #tpu.memory_space<vmem>>[vector<16xi32>], vector<16xf32>,
        } {sc.loop_unroll_factor = 1 : i64, sc.parallel_access}
        %mul3A_257 = arith.constant 4 : i32
        %mul3A_258 = arith.muli %scan3A_220, %mul3A_257 : i32
        %add3A_259 = arith.constant 1 : i32
        %add3A_260 = arith.addi %mul3A_258, %add3A_259 : i32
        %add3A_261 = arith.constant 3 : i32
        %add3A_262 = arith.addi %add3A_260, %add3A_261 : i32
        %lt3A_263 = arith.constant 64 : i32
        %lt3A_264 = arith.cmpi slt, %add3A_262, %lt3A_263 : i32
        %convert_element_type3A_265 = arith.extui %lt3A_264 : i1 to i32
        %cond3A_266 = arith.constant 0 : i32
        %cond3A_267 = arith.cmpi ne, %convert_element_type3A_265, %cond3A_266 : i32
        scf.if %cond3A_267 {
          %add3A_368 = arith.constant 3 : i32
          %add3A_369 = arith.addi %add3A_260, %add3A_368 : i32
          %mul3A_370 = arith.constant 2048 : i32
          %mul3A_371 = arith.muli %add3A_369, %mul3A_370 : i32
          %add3A_372 = arith.addi %mul3A_2, %mul3A_371 : i32
          %multiple_of3A_373 = tpu.assume_multiple %add3A_372, 2048 : i32
          %dma_start3A_374 = arith.constant 0 : i32
          %dma_start3A_375 = arith.constant 0 : i32
          %dma_start3A_376 = tpu.memref_slice %arg3[%multiple_of3A_373] : memref<4194304xi32, #tpu.memory_space<hbm>> -> memref<2048xi32, #tpu.memory_space<hbm>>
          %dma_start3A_377 = tpu.memref_slice %arg27[%dma_start3A_374, %dma_start3A_375] : memref<4x2x!tpu.dma_semaphore, #tpu.memory_space<semaphore_mem>> -> memref<1x1x!tpu.dma_semaphore, #tpu.memory_space<semaphore_mem>>
          %dma_start3A_378 = tpu.memref_squeeze %dma_start3A_377 : memref<1x1x!tpu.dma_semaphore, #tpu.memory_space<semaphore_mem>> -> memref<!tpu.dma_semaphore, #tpu.memory_space<semaphore_mem>>
          %dma_start3A_379 = tpu.memref_slice %arg3[%multiple_of3A_373] : memref<4194304xi32, #tpu.memory_space<hbm>> -> memref<2048xi32, #tpu.memory_space<hbm>>
          tpu.enqueue_dma source(%dma_start3A_379 : memref<2048xi32, #tpu.memory_space<hbm>>) target(%arg8 : memref<2048xi32, #tpu.memory_space<vmem>>) target_semaphore(%dma_start3A_378 : memref<!tpu.dma_semaphore, #tpu.memory_space<semaphore_mem>>)
          %dma_start3A_380 = arith.constant 0 : i32
          %dma_start3A_381 = arith.constant 1 : i32
          %dma_start3A_382 = tpu.memref_slice %arg4[%multiple_of3A_373] : memref<4194304xf32, #tpu.memory_space<hbm>> -> memref<2048xf32, #tpu.memory_space<hbm>>
          %dma_start3A_383 = tpu.memref_slice %arg27[%dma_start3A_380, %dma_start3A_381] : memref<4x2x!tpu.dma_semaphore, #tpu.memory_space<semaphore_mem>> -> memref<1x1x!tpu.dma_semaphore, #tpu.memory_space<semaphore_mem>>
          %dma_start3A_384 = tpu.memref_squeeze %dma_start3A_383 : memref<1x1x!tpu.dma_semaphore, #tpu.memory_space<semaphore_mem>> -> memref<!tpu.dma_semaphore, #tpu.memory_space<semaphore_mem>>
          %dma_start3A_385 = tpu.memref_slice %arg4[%multiple_of3A_373] : memref<4194304xf32, #tpu.memory_space<hbm>> -> memref<2048xf32, #tpu.memory_space<hbm>>
          tpu.enqueue_dma source(%dma_start3A_385 : memref<2048xf32, #tpu.memory_space<hbm>>) target(%arg12 : memref<2048xf32, #tpu.memory_space<vmem>>) target_semaphore(%dma_start3A_384 : memref<!tpu.dma_semaphore, #tpu.memory_space<semaphore_mem>>)
          %dma_start3A_386 = arith.constant 0 : i32
          %dma_start3A_387 = tpu.memref_slice %arg2[%multiple_of3A_373] : memref<4194304xi32, #tpu.memory_space<hbm>> -> memref<2048xi32, #tpu.memory_space<hbm>>
          %dma_start3A_388 = tpu.memref_slice %arg28[%dma_start3A_386] : memref<4x!tpu.dma_semaphore, #tpu.memory_space<semaphore_mem>> -> memref<1x!tpu.dma_semaphore, #tpu.memory_space<semaphore_mem>>
          %dma_start3A_389 = tpu.memref_squeeze %dma_start3A_388 : memref<1x!tpu.dma_semaphore, #tpu.memory_space<semaphore_mem>> -> memref<!tpu.dma_semaphore, #tpu.memory_space<semaphore_mem>>
          %dma_start3A_390 = tpu.memref_slice %arg2[%multiple_of3A_373] : memref<4194304xi32, #tpu.memory_space<hbm>> -> memref<2048xi32, #tpu.memory_space<hbm>>
          tpu.enqueue_dma source(%dma_start3A_390 : memref<2048xi32, #tpu.memory_space<hbm>>) target(%arg16 : memref<2048xi32, #tpu.memory_space<vmem>>) target_semaphore(%dma_start3A_389 : memref<!tpu.dma_semaphore, #tpu.memory_space<semaphore_mem>>)
        } else {
        }
        %dma_wait3A_268 = arith.constant 1 : i32
        %dma_wait3A_269 = arith.constant 0 : i32
        %dma_wait3A_270 = arith.constant 0 : i32
        %dma_wait3A_271 = tpu.memref_slice %arg3[%dma_wait3A_270] : memref<4194304xi32, #tpu.memory_space<hbm>> -> memref<2048xi32, #tpu.memory_space<hbm>>
        %dma_wait3A_272 = tpu.memref_slice %arg27[%dma_wait3A_268, %dma_wait3A_269] : memref<4x2x!tpu.dma_semaphore, #tpu.memory_space<semaphore_mem>> -> memref<1x1x!tpu.dma_semaphore, #tpu.memory_space<semaphore_mem>>
        %dma_wait3A_273 = tpu.memref_squeeze %dma_wait3A_272 : memref<1x1x!tpu.dma_semaphore, #tpu.memory_space<semaphore_mem>> -> memref<!tpu.dma_semaphore, #tpu.memory_space<semaphore_mem>>
        %dma_wait3A_274 = arith.constant 0 : i32
        %dma_wait3A_275 = tpu.memref_slice %arg3[%dma_wait3A_274] : memref<4194304xi32, #tpu.memory_space<hbm>> -> memref<2048xi32, #tpu.memory_space<hbm>>
        tpu.wait_dma2 semaphore(%dma_wait3A_273 : memref<!tpu.dma_semaphore, #tpu.memory_space<semaphore_mem>>) src(%dma_wait3A_275 : memref<2048xi32, #tpu.memory_space<hbm>>) dst(%arg9 : memref<2048xi32, #tpu.memory_space<vmem>>)
        %dma_wait3A_276 = arith.constant 1 : i32
        %dma_wait3A_277 = arith.constant 1 : i32
        %dma_wait3A_278 = arith.constant 0 : i32
        %dma_wait3A_279 = tpu.memref_slice %arg4[%dma_wait3A_278] : memref<4194304xf32, #tpu.memory_space<hbm>> -> memref<2048xf32, #tpu.memory_space<hbm>>
        %dma_wait3A_280 = tpu.memref_slice %arg27[%dma_wait3A_276, %dma_wait3A_277] : memref<4x2x!tpu.dma_semaphore, #tpu.memory_space<semaphore_mem>> -> memref<1x1x!tpu.dma_semaphore, #tpu.memory_space<semaphore_mem>>
        %dma_wait3A_281 = tpu.memref_squeeze %dma_wait3A_280 : memref<1x1x!tpu.dma_semaphore, #tpu.memory_space<semaphore_mem>> -> memref<!tpu.dma_semaphore, #tpu.memory_space<semaphore_mem>>
        %dma_wait3A_282 = arith.constant 0 : i32
        %dma_wait3A_283 = tpu.memref_slice %arg4[%dma_wait3A_282] : memref<4194304xf32, #tpu.memory_space<hbm>> -> memref<2048xf32, #tpu.memory_space<hbm>>
        tpu.wait_dma2 semaphore(%dma_wait3A_281 : memref<!tpu.dma_semaphore, #tpu.memory_space<semaphore_mem>>) src(%dma_wait3A_283 : memref<2048xf32, #tpu.memory_space<hbm>>) dst(%arg13 : memref<2048xf32, #tpu.memory_space<vmem>>)
        %dma_wait3A_284 = arith.constant 1 : i32
        %dma_wait3A_285 = arith.constant 0 : i32
        %dma_wait3A_286 = tpu.memref_slice %arg2[%dma_wait3A_285] : memref<4194304xi32, #tpu.memory_space<hbm>> -> memref<2048xi32, #tpu.memory_space<hbm>>
        %dma_wait3A_287 = tpu.memref_slice %arg28[%dma_wait3A_284] : memref<4x!tpu.dma_semaphore, #tpu.memory_space<semaphore_mem>> -> memref<1x!tpu.dma_semaphore, #tpu.memory_space<semaphore_mem>>
        %dma_wait3A_288 = tpu.memref_squeeze %dma_wait3A_287 : memref<1x!tpu.dma_semaphore, #tpu.memory_space<semaphore_mem>> -> memref<!tpu.dma_semaphore, #tpu.memory_space<semaphore_mem>>
        %dma_wait3A_289 = arith.constant 0 : i32
        %dma_wait3A_290 = tpu.memref_slice %arg2[%dma_wait3A_289] : memref<4194304xi32, #tpu.memory_space<hbm>> -> memref<2048xi32, #tpu.memory_space<hbm>>
        tpu.wait_dma2 semaphore(%dma_wait3A_288 : memref<!tpu.dma_semaphore, #tpu.memory_space<semaphore_mem>>) src(%dma_wait3A_290 : memref<2048xi32, #tpu.memory_space<hbm>>) dst(%arg17 : memref<2048xi32, #tpu.memory_space<vmem>>)
        %parallel_loop3A_291 = arith.constant 0 : i32
        %parallel_loop3A_292 = arith.constant 1 : i32
        %parallel_loop3A_293 = arith.constant 1 : i32
        scf.for %parallel_loop3A_368 = %parallel_loop3A_291 to %parallel_loop3A_292 step %parallel_loop3A_293  : i32 {
          %parallel_loop3A_369 = arith.constant 16 : i32
          %parallel_loop3A_370 = arith.muli %parallel_loop3A_368, %parallel_loop3A_369 : i32
          %parallel_loop3A_371 = arith.index_cast %parallel_loop3A_370 : i32 to index
          %parallel_loop3A_372 = tpu.vector_load %arg9[%parallel_loop3A_371] {strides = array<i32>} : memref<2048xi32, #tpu.memory_space<vmem>>, vector<16xi32>,
          %parallel_loop3A_373 = arith.constant 16 : i32
          %parallel_loop3A_374 = arith.muli %parallel_loop3A_368, %parallel_loop3A_373 : i32
          %parallel_loop3A_375 = arith.index_cast %parallel_loop3A_374 : i32 to index
          %parallel_loop3A_376 = tpu.vector_load %arg13[%parallel_loop3A_375] {strides = array<i32>} : memref<2048xf32, #tpu.memory_space<vmem>>, vector<16xf32>,
          %parallel_loop3A_377 = arith.constant 16 : i32
          %parallel_loop3A_378 = arith.muli %parallel_loop3A_368, %parallel_loop3A_377 : i32
          %parallel_loop3A_379 = arith.index_cast %parallel_loop3A_378 : i32 to index
          %parallel_loop3A_380 = tpu.vector_load %arg17[%parallel_loop3A_379] {strides = array<i32>} : memref<2048xi32, #tpu.memory_space<vmem>>, vector<16xi32>,
          %parallel_loop3A_381 = vector.broadcast %reduce_min3A_77 : i32 to vector<16xi32>
          %parallel_loop3A_382 = arith.subi %parallel_loop3A_380, %parallel_loop3A_381 : vector<16xi32>
          %parallel_loop3A_383 = arith.constant 1 : i32
          %parallel_loop3A_384 = vector.broadcast %parallel_loop3A_383 : i32 to vector<16xi32>
          %parallel_loop3A_385 = arith.muli %parallel_loop3A_382, %parallel_loop3A_384 : vector<16xi32>
          %parallel_loop3A_386 = arith.addi %parallel_loop3A_385, %select_n3A_149 : vector<16xi32>
          %parallel_loop3A_387 = arith.sitofp %parallel_loop3A_372 : vector<16xi32> to vector<16xf32>
          %parallel_loop3A_388 = arith.mulf %parallel_loop3A_376, %parallel_loop3A_387 : vector<16xf32>
          tpu.vector_store_idx %arg22[%parallel_loop3A_386], %parallel_loop3A_388 {add = true} : memref<28672xf32, #tpu.memory_space<vmem>>[vector<16xi32>], vector<16xf32>,
        } {sc.loop_unroll_factor = 1 : i64, sc.parallel_access}
        %mul3A_294 = arith.constant 4 : i32
        %mul3A_295 = arith.muli %scan3A_220, %mul3A_294 : i32
        %add3A_296 = arith.constant 2 : i32
        %add3A_297 = arith.addi %mul3A_295, %add3A_296 : i32
        %add3A_298 = arith.constant 3 : i32
        %add3A_299 = arith.addi %add3A_297, %add3A_298 : i32
        %lt3A_300 = arith.constant 64 : i32
        %lt3A_301 = arith.cmpi slt, %add3A_299, %lt3A_300 : i32
        %convert_element_type3A_302 = arith.extui %lt3A_301 : i1 to i32
        %cond3A_303 = arith.constant 0 : i32
        %cond3A_304 = arith.cmpi ne, %convert_element_type3A_302, %cond3A_303 : i32
        scf.if %cond3A_304 {
          %add3A_368 = arith.constant 3 : i32
          %add3A_369 = arith.addi %add3A_297, %add3A_368 : i32
          %mul3A_370 = arith.constant 2048 : i32
          %mul3A_371 = arith.muli %add3A_369, %mul3A_370 : i32
          %add3A_372 = arith.addi %mul3A_2, %mul3A_371 : i32
          %multiple_of3A_373 = tpu.assume_multiple %add3A_372, 2048 : i32
          %dma_start3A_374 = arith.constant 1 : i32
          %dma_start3A_375 = arith.constant 0 : i32
          %dma_start3A_376 = tpu.memref_slice %arg3[%multiple_of3A_373] : memref<4194304xi32, #tpu.memory_space<hbm>> -> memref<2048xi32, #tpu.memory_space<hbm>>
          %dma_start3A_377 = tpu.memref_slice %arg27[%dma_start3A_374, %dma_start3A_375] : memref<4x2x!tpu.dma_semaphore, #tpu.memory_space<semaphore_mem>> -> memref<1x1x!tpu.dma_semaphore, #tpu.memory_space<semaphore_mem>>
          %dma_start3A_378 = tpu.memref_squeeze %dma_start3A_377 : memref<1x1x!tpu.dma_semaphore, #tpu.memory_space<semaphore_mem>> -> memref<!tpu.dma_semaphore, #tpu.memory_space<semaphore_mem>>
          %dma_start3A_379 = tpu.memref_slice %arg3[%multiple_of3A_373] : memref<4194304xi32, #tpu.memory_space<hbm>> -> memref<2048xi32, #tpu.memory_space<hbm>>
          tpu.enqueue_dma source(%dma_start3A_379 : memref<2048xi32, #tpu.memory_space<hbm>>) target(%arg9 : memref<2048xi32, #tpu.memory_space<vmem>>) target_semaphore(%dma_start3A_378 : memref<!tpu.dma_semaphore, #tpu.memory_space<semaphore_mem>>)
          %dma_start3A_380 = arith.constant 1 : i32
          %dma_start3A_381 = arith.constant 1 : i32
          %dma_start3A_382 = tpu.memref_slice %arg4[%multiple_of3A_373] : memref<4194304xf32, #tpu.memory_space<hbm>> -> memref<2048xf32, #tpu.memory_space<hbm>>
          %dma_start3A_383 = tpu.memref_slice %arg27[%dma_start3A_380, %dma_start3A_381] : memref<4x2x!tpu.dma_semaphore, #tpu.memory_space<semaphore_mem>> -> memref<1x1x!tpu.dma_semaphore, #tpu.memory_space<semaphore_mem>>
          %dma_start3A_384 = tpu.memref_squeeze %dma_start3A_383 : memref<1x1x!tpu.dma_semaphore, #tpu.memory_space<semaphore_mem>> -> memref<!tpu.dma_semaphore, #tpu.memory_space<semaphore_mem>>
          %dma_start3A_385 = tpu.memref_slice %arg4[%multiple_of3A_373] : memref<4194304xf32, #tpu.memory_space<hbm>> -> memref<2048xf32, #tpu.memory_space<hbm>>
          tpu.enqueue_dma source(%dma_start3A_385 : memref<2048xf32, #tpu.memory_space<hbm>>) target(%arg13 : memref<2048xf32, #tpu.memory_space<vmem>>) target_semaphore(%dma_start3A_384 : memref<!tpu.dma_semaphore, #tpu.memory_space<semaphore_mem>>)
          %dma_start3A_386 = arith.constant 1 : i32
          %dma_start3A_387 = tpu.memref_slice %arg2[%multiple_of3A_373] : memref<4194304xi32, #tpu.memory_space<hbm>> -> memref<2048xi32, #tpu.memory_space<hbm>>
          %dma_start3A_388 = tpu.memref_slice %arg28[%dma_start3A_386] : memref<4x!tpu.dma_semaphore, #tpu.memory_space<semaphore_mem>> -> memref<1x!tpu.dma_semaphore, #tpu.memory_space<semaphore_mem>>
          %dma_start3A_389 = tpu.memref_squeeze %dma_start3A_388 : memref<1x!tpu.dma_semaphore, #tpu.memory_space<semaphore_mem>> -> memref<!tpu.dma_semaphore, #tpu.memory_space<semaphore_mem>>
          %dma_start3A_390 = tpu.memref_slice %arg2[%multiple_of3A_373] : memref<4194304xi32, #tpu.memory_space<hbm>> -> memref<2048xi32, #tpu.memory_space<hbm>>
          tpu.enqueue_dma source(%dma_start3A_390 : memref<2048xi32, #tpu.memory_space<hbm>>) target(%arg17 : memref<2048xi32, #tpu.memory_space<vmem>>) target_semaphore(%dma_start3A_389 : memref<!tpu.dma_semaphore, #tpu.memory_space<semaphore_mem>>)
        } else {
        }
        %dma_wait3A_305 = arith.constant 2 : i32
        %dma_wait3A_306 = arith.constant 0 : i32
        %dma_wait3A_307 = arith.constant 0 : i32
        %dma_wait3A_308 = tpu.memref_slice %arg3[%dma_wait3A_307] : memref<4194304xi32, #tpu.memory_space<hbm>> -> memref<2048xi32, #tpu.memory_space<hbm>>
        %dma_wait3A_309 = tpu.memref_slice %arg27[%dma_wait3A_305, %dma_wait3A_306] : memref<4x2x!tpu.dma_semaphore, #tpu.memory_space<semaphore_mem>> -> memref<1x1x!tpu.dma_semaphore, #tpu.memory_space<semaphore_mem>>
        %dma_wait3A_310 = tpu.memref_squeeze %dma_wait3A_309 : memref<1x1x!tpu.dma_semaphore, #tpu.memory_space<semaphore_mem>> -> memref<!tpu.dma_semaphore, #tpu.memory_space<semaphore_mem>>
        %dma_wait3A_311 = arith.constant 0 : i32
        %dma_wait3A_312 = tpu.memref_slice %arg3[%dma_wait3A_311] : memref<4194304xi32, #tpu.memory_space<hbm>> -> memref<2048xi32, #tpu.memory_space<hbm>>
        tpu.wait_dma2 semaphore(%dma_wait3A_310 : memref<!tpu.dma_semaphore, #tpu.memory_space<semaphore_mem>>) src(%dma_wait3A_312 : memref<2048xi32, #tpu.memory_space<hbm>>) dst(%arg10 : memref<2048xi32, #tpu.memory_space<vmem>>)
        %dma_wait3A_313 = arith.constant 2 : i32
        %dma_wait3A_314 = arith.constant 1 : i32
        %dma_wait3A_315 = arith.constant 0 : i32
        %dma_wait3A_316 = tpu.memref_slice %arg4[%dma_wait3A_315] : memref<4194304xf32, #tpu.memory_space<hbm>> -> memref<2048xf32, #tpu.memory_space<hbm>>
        %dma_wait3A_317 = tpu.memref_slice %arg27[%dma_wait3A_313, %dma_wait3A_314] : memref<4x2x!tpu.dma_semaphore, #tpu.memory_space<semaphore_mem>> -> memref<1x1x!tpu.dma_semaphore, #tpu.memory_space<semaphore_mem>>
        %dma_wait3A_318 = tpu.memref_squeeze %dma_wait3A_317 : memref<1x1x!tpu.dma_semaphore, #tpu.memory_space<semaphore_mem>> -> memref<!tpu.dma_semaphore, #tpu.memory_space<semaphore_mem>>
        %dma_wait3A_319 = arith.constant 0 : i32
        %dma_wait3A_320 = tpu.memref_slice %arg4[%dma_wait3A_319] : memref<4194304xf32, #tpu.memory_space<hbm>> -> memref<2048xf32, #tpu.memory_space<hbm>>
        tpu.wait_dma2 semaphore(%dma_wait3A_318 : memref<!tpu.dma_semaphore, #tpu.memory_space<semaphore_mem>>) src(%dma_wait3A_320 : memref<2048xf32, #tpu.memory_space<hbm>>) dst(%arg14 : memref<2048xf32, #tpu.memory_space<vmem>>)
        %dma_wait3A_321 = arith.constant 2 : i32
        %dma_wait3A_322 = arith.constant 0 : i32
        %dma_wait3A_323 = tpu.memref_slice %arg2[%dma_wait3A_322] : memref<4194304xi32, #tpu.memory_space<hbm>> -> memref<2048xi32, #tpu.memory_space<hbm>>
        %dma_wait3A_324 = tpu.memref_slice %arg28[%dma_wait3A_321] : memref<4x!tpu.dma_semaphore, #tpu.memory_space<semaphore_mem>> -> memref<1x!tpu.dma_semaphore, #tpu.memory_space<semaphore_mem>>
        %dma_wait3A_325 = tpu.memref_squeeze %dma_wait3A_324 : memref<1x!tpu.dma_semaphore, #tpu.memory_space<semaphore_mem>> -> memref<!tpu.dma_semaphore, #tpu.memory_space<semaphore_mem>>
        %dma_wait3A_326 = arith.constant 0 : i32
        %dma_wait3A_327 = tpu.memref_slice %arg2[%dma_wait3A_326] : memref<4194304xi32, #tpu.memory_space<hbm>> -> memref<2048xi32, #tpu.memory_space<hbm>>
        tpu.wait_dma2 semaphore(%dma_wait3A_325 : memref<!tpu.dma_semaphore, #tpu.memory_space<semaphore_mem>>) src(%dma_wait3A_327 : memref<2048xi32, #tpu.memory_space<hbm>>) dst(%arg18 : memref<2048xi32, #tpu.memory_space<vmem>>)
        %parallel_loop3A_328 = arith.constant 0 : i32
        %parallel_loop3A_329 = arith.constant 1 : i32
        %parallel_loop3A_330 = arith.constant 1 : i32
        scf.for %parallel_loop3A_368 = %parallel_loop3A_328 to %parallel_loop3A_329 step %parallel_loop3A_330  : i32 {
          %parallel_loop3A_369 = arith.constant 16 : i32
          %parallel_loop3A_370 = arith.muli %parallel_loop3A_368, %parallel_loop3A_369 : i32
          %parallel_loop3A_371 = arith.index_cast %parallel_loop3A_370 : i32 to index
          %parallel_loop3A_372 = tpu.vector_load %arg10[%parallel_loop3A_371] {strides = array<i32>} : memref<2048xi32, #tpu.memory_space<vmem>>, vector<16xi32>,
          %parallel_loop3A_373 = arith.constant 16 : i32
          %parallel_loop3A_374 = arith.muli %parallel_loop3A_368, %parallel_loop3A_373 : i32
          %parallel_loop3A_375 = arith.index_cast %parallel_loop3A_374 : i32 to index
          %parallel_loop3A_376 = tpu.vector_load %arg14[%parallel_loop3A_375] {strides = array<i32>} : memref<2048xf32, #tpu.memory_space<vmem>>, vector<16xf32>,
          %parallel_loop3A_377 = arith.constant 16 : i32
          %parallel_loop3A_378 = arith.muli %parallel_loop3A_368, %parallel_loop3A_377 : i32
          %parallel_loop3A_379 = arith.index_cast %parallel_loop3A_378 : i32 to index
          %parallel_loop3A_380 = tpu.vector_load %arg18[%parallel_loop3A_379] {strides = array<i32>} : memref<2048xi32, #tpu.memory_space<vmem>>, vector<16xi32>,
          %parallel_loop3A_381 = vector.broadcast %reduce_min3A_77 : i32 to vector<16xi32>
          %parallel_loop3A_382 = arith.subi %parallel_loop3A_380, %parallel_loop3A_381 : vector<16xi32>
          %parallel_loop3A_383 = arith.constant 1 : i32
          %parallel_loop3A_384 = vector.broadcast %parallel_loop3A_383 : i32 to vector<16xi32>
          %parallel_loop3A_385 = arith.muli %parallel_loop3A_382, %parallel_loop3A_384 : vector<16xi32>
          %parallel_loop3A_386 = arith.addi %parallel_loop3A_385, %select_n3A_149 : vector<16xi32>
          %parallel_loop3A_387 = arith.sitofp %parallel_loop3A_372 : vector<16xi32> to vector<16xf32>
          %parallel_loop3A_388 = arith.mulf %parallel_loop3A_376, %parallel_loop3A_387 : vector<16xf32>
          tpu.vector_store_idx %arg22[%parallel_loop3A_386], %parallel_loop3A_388 {add = true} : memref<28672xf32, #tpu.memory_space<vmem>>[vector<16xi32>], vector<16xf32>,
        } {sc.loop_unroll_factor = 1 : i64, sc.parallel_access}
        %mul3A_331 = arith.constant 4 : i32
        %mul3A_332 = arith.muli %scan3A_220, %mul3A_331 : i32
        %add3A_333 = arith.constant 3 : i32
        %add3A_334 = arith.addi %mul3A_332, %add3A_333 : i32
        %add3A_335 = arith.constant 3 : i32
        %add3A_336 = arith.addi %add3A_334, %add3A_335 : i32
        %lt3A_337 = arith.constant 64 : i32
        %lt3A_338 = arith.cmpi slt, %add3A_336, %lt3A_337 : i32
        %convert_element_type3A_339 = arith.extui %lt3A_338 : i1 to i32
        %cond3A_340 = arith.constant 0 : i32
        %cond3A_341 = arith.cmpi ne, %convert_element_type3A_339, %cond3A_340 : i32
        scf.if %cond3A_341 {
          %add3A_368 = arith.constant 3 : i32
          %add3A_369 = arith.addi %add3A_334, %add3A_368 : i32
          %mul3A_370 = arith.constant 2048 : i32
          %mul3A_371 = arith.muli %add3A_369, %mul3A_370 : i32
          %add3A_372 = arith.addi %mul3A_2, %mul3A_371 : i32
          %multiple_of3A_373 = tpu.assume_multiple %add3A_372, 2048 : i32
          %dma_start3A_374 = arith.constant 2 : i32
          %dma_start3A_375 = arith.constant 0 : i32
          %dma_start3A_376 = tpu.memref_slice %arg3[%multiple_of3A_373] : memref<4194304xi32, #tpu.memory_space<hbm>> -> memref<2048xi32, #tpu.memory_space<hbm>>
          %dma_start3A_377 = tpu.memref_slice %arg27[%dma_start3A_374, %dma_start3A_375] : memref<4x2x!tpu.dma_semaphore, #tpu.memory_space<semaphore_mem>> -> memref<1x1x!tpu.dma_semaphore, #tpu.memory_space<semaphore_mem>>
          %dma_start3A_378 = tpu.memref_squeeze %dma_start3A_377 : memref<1x1x!tpu.dma_semaphore, #tpu.memory_space<semaphore_mem>> -> memref<!tpu.dma_semaphore, #tpu.memory_space<semaphore_mem>>
          %dma_start3A_379 = tpu.memref_slice %arg3[%multiple_of3A_373] : memref<4194304xi32, #tpu.memory_space<hbm>> -> memref<2048xi32, #tpu.memory_space<hbm>>
          tpu.enqueue_dma source(%dma_start3A_379 : memref<2048xi32, #tpu.memory_space<hbm>>) target(%arg10 : memref<2048xi32, #tpu.memory_space<vmem>>) target_semaphore(%dma_start3A_378 : memref<!tpu.dma_semaphore, #tpu.memory_space<semaphore_mem>>)
          %dma_start3A_380 = arith.constant 2 : i32
          %dma_start3A_381 = arith.constant 1 : i32
          %dma_start3A_382 = tpu.memref_slice %arg4[%multiple_of3A_373] : memref<4194304xf32, #tpu.memory_space<hbm>> -> memref<2048xf32, #tpu.memory_space<hbm>>
          %dma_start3A_383 = tpu.memref_slice %arg27[%dma_start3A_380, %dma_start3A_381] : memref<4x2x!tpu.dma_semaphore, #tpu.memory_space<semaphore_mem>> -> memref<1x1x!tpu.dma_semaphore, #tpu.memory_space<semaphore_mem>>
          %dma_start3A_384 = tpu.memref_squeeze %dma_start3A_383 : memref<1x1x!tpu.dma_semaphore, #tpu.memory_space<semaphore_mem>> -> memref<!tpu.dma_semaphore, #tpu.memory_space<semaphore_mem>>
          %dma_start3A_385 = tpu.memref_slice %arg4[%multiple_of3A_373] : memref<4194304xf32, #tpu.memory_space<hbm>> -> memref<2048xf32, #tpu.memory_space<hbm>>
          tpu.enqueue_dma source(%dma_start3A_385 : memref<2048xf32, #tpu.memory_space<hbm>>) target(%arg14 : memref<2048xf32, #tpu.memory_space<vmem>>) target_semaphore(%dma_start3A_384 : memref<!tpu.dma_semaphore, #tpu.memory_space<semaphore_mem>>)
          %dma_start3A_386 = arith.constant 2 : i32
          %dma_start3A_387 = tpu.memref_slice %arg2[%multiple_of3A_373] : memref<4194304xi32, #tpu.memory_space<hbm>> -> memref<2048xi32, #tpu.memory_space<hbm>>
          %dma_start3A_388 = tpu.memref_slice %arg28[%dma_start3A_386] : memref<4x!tpu.dma_semaphore, #tpu.memory_space<semaphore_mem>> -> memref<1x!tpu.dma_semaphore, #tpu.memory_space<semaphore_mem>>
          %dma_start3A_389 = tpu.memref_squeeze %dma_start3A_388 : memref<1x!tpu.dma_semaphore, #tpu.memory_space<semaphore_mem>> -> memref<!tpu.dma_semaphore, #tpu.memory_space<semaphore_mem>>
          %dma_start3A_390 = tpu.memref_slice %arg2[%multiple_of3A_373] : memref<4194304xi32, #tpu.memory_space<hbm>> -> memref<2048xi32, #tpu.memory_space<hbm>>
          tpu.enqueue_dma source(%dma_start3A_390 : memref<2048xi32, #tpu.memory_space<hbm>>) target(%arg18 : memref<2048xi32, #tpu.memory_space<vmem>>) target_semaphore(%dma_start3A_389 : memref<!tpu.dma_semaphore, #tpu.memory_space<semaphore_mem>>)
        } else {
        }
        %dma_wait3A_342 = arith.constant 3 : i32
        %dma_wait3A_343 = arith.constant 0 : i32
        %dma_wait3A_344 = arith.constant 0 : i32
        %dma_wait3A_345 = tpu.memref_slice %arg3[%dma_wait3A_344] : memref<4194304xi32, #tpu.memory_space<hbm>> -> memref<2048xi32, #tpu.memory_space<hbm>>
        %dma_wait3A_346 = tpu.memref_slice %arg27[%dma_wait3A_342, %dma_wait3A_343] : memref<4x2x!tpu.dma_semaphore, #tpu.memory_space<semaphore_mem>> -> memref<1x1x!tpu.dma_semaphore, #tpu.memory_space<semaphore_mem>>
        %dma_wait3A_347 = tpu.memref_squeeze %dma_wait3A_346 : memref<1x1x!tpu.dma_semaphore, #tpu.memory_space<semaphore_mem>> -> memref<!tpu.dma_semaphore, #tpu.memory_space<semaphore_mem>>
        %dma_wait3A_348 = arith.constant 0 : i32
        %dma_wait3A_349 = tpu.memref_slice %arg3[%dma_wait3A_348] : memref<4194304xi32, #tpu.memory_space<hbm>> -> memref<2048xi32, #tpu.memory_space<hbm>>
        tpu.wait_dma2 semaphore(%dma_wait3A_347 : memref<!tpu.dma_semaphore, #tpu.memory_space<semaphore_mem>>) src(%dma_wait3A_349 : memref<2048xi32, #tpu.memory_space<hbm>>) dst(%arg11 : memref<2048xi32, #tpu.memory_space<vmem>>)
        %dma_wait3A_350 = arith.constant 3 : i32
        %dma_wait3A_351 = arith.constant 1 : i32
        %dma_wait3A_352 = arith.constant 0 : i32
        %dma_wait3A_353 = tpu.memref_slice %arg4[%dma_wait3A_352] : memref<4194304xf32, #tpu.memory_space<hbm>> -> memref<2048xf32, #tpu.memory_space<hbm>>
        %dma_wait3A_354 = tpu.memref_slice %arg27[%dma_wait3A_350, %dma_wait3A_351] : memref<4x2x!tpu.dma_semaphore, #tpu.memory_space<semaphore_mem>> -> memref<1x1x!tpu.dma_semaphore, #tpu.memory_space<semaphore_mem>>
        %dma_wait3A_355 = tpu.memref_squeeze %dma_wait3A_354 : memref<1x1x!tpu.dma_semaphore, #tpu.memory_space<semaphore_mem>> -> memref<!tpu.dma_semaphore, #tpu.memory_space<semaphore_mem>>
        %dma_wait3A_356 = arith.constant 0 : i32
        %dma_wait3A_357 = tpu.memref_slice %arg4[%dma_wait3A_356] : memref<4194304xf32, #tpu.memory_space<hbm>> -> memref<2048xf32, #tpu.memory_space<hbm>>
        tpu.wait_dma2 semaphore(%dma_wait3A_355 : memref<!tpu.dma_semaphore, #tpu.memory_space<semaphore_mem>>) src(%dma_wait3A_357 : memref<2048xf32, #tpu.memory_space<hbm>>) dst(%arg15 : memref<2048xf32, #tpu.memory_space<vmem>>)
        %dma_wait3A_358 = arith.constant 3 : i32
        %dma_wait3A_359 = arith.constant 0 : i32
        %dma_wait3A_360 = tpu.memref_slice %arg2[%dma_wait3A_359] : memref<4194304xi32, #tpu.memory_space<hbm>> -> memref<2048xi32, #tpu.memory_space<hbm>>
        %dma_wait3A_361 = tpu.memref_slice %arg28[%dma_wait3A_358] : memref<4x!tpu.dma_semaphore, #tpu.memory_space<semaphore_mem>> -> memref<1x!tpu.dma_semaphore, #tpu.memory_space<semaphore_mem>>
        %dma_wait3A_362 = tpu.memref_squeeze %dma_wait3A_361 : memref<1x!tpu.dma_semaphore, #tpu.memory_space<semaphore_mem>> -> memref<!tpu.dma_semaphore, #tpu.memory_space<semaphore_mem>>
        %dma_wait3A_363 = arith.constant 0 : i32
        %dma_wait3A_364 = tpu.memref_slice %arg2[%dma_wait3A_363] : memref<4194304xi32, #tpu.memory_space<hbm>> -> memref<2048xi32, #tpu.memory_space<hbm>>
        tpu.wait_dma2 semaphore(%dma_wait3A_362 : memref<!tpu.dma_semaphore, #tpu.memory_space<semaphore_mem>>) src(%dma_wait3A_364 : memref<2048xi32, #tpu.memory_space<hbm>>) dst(%arg19 : memref<2048xi32, #tpu.memory_space<vmem>>)
        %parallel_loop3A_365 = arith.constant 0 : i32
        %parallel_loop3A_366 = arith.constant 1 : i32
        %parallel_loop3A_367 = arith.constant 1 : i32
        scf.for %parallel_loop3A_368 = %parallel_loop3A_365 to %parallel_loop3A_366 step %parallel_loop3A_367  : i32 {
          %parallel_loop3A_369 = arith.constant 16 : i32
          %parallel_loop3A_370 = arith.muli %parallel_loop3A_368, %parallel_loop3A_369 : i32
          %parallel_loop3A_371 = arith.index_cast %parallel_loop3A_370 : i32 to index
          %parallel_loop3A_372 = tpu.vector_load %arg11[%parallel_loop3A_371] {strides = array<i32>} : memref<2048xi32, #tpu.memory_space<vmem>>, vector<16xi32>,
          %parallel_loop3A_373 = arith.constant 16 : i32
          %parallel_loop3A_374 = arith.muli %parallel_loop3A_368, %parallel_loop3A_373 : i32
          %parallel_loop3A_375 = arith.index_cast %parallel_loop3A_374 : i32 to index
          %parallel_loop3A_376 = tpu.vector_load %arg15[%parallel_loop3A_375] {strides = array<i32>} : memref<2048xf32, #tpu.memory_space<vmem>>, vector<16xf32>,
          %parallel_loop3A_377 = arith.constant 16 : i32
          %parallel_loop3A_378 = arith.muli %parallel_loop3A_368, %parallel_loop3A_377 : i32
          %parallel_loop3A_379 = arith.index_cast %parallel_loop3A_378 : i32 to index
          %parallel_loop3A_380 = tpu.vector_load %arg19[%parallel_loop3A_379] {strides = array<i32>} : memref<2048xi32, #tpu.memory_space<vmem>>, vector<16xi32>,
          %parallel_loop3A_381 = vector.broadcast %reduce_min3A_77 : i32 to vector<16xi32>
          %parallel_loop3A_382 = arith.subi %parallel_loop3A_380, %parallel_loop3A_381 : vector<16xi32>
          %parallel_loop3A_383 = arith.constant 1 : i32
          %parallel_loop3A_384 = vector.broadcast %parallel_loop3A_383 : i32 to vector<16xi32>
          %parallel_loop3A_385 = arith.muli %parallel_loop3A_382, %parallel_loop3A_384 : vector<16xi32>
          %parallel_loop3A_386 = arith.addi %parallel_loop3A_385, %select_n3A_149 : vector<16xi32>
          %parallel_loop3A_387 = arith.sitofp %parallel_loop3A_372 : vector<16xi32> to vector<16xf32>
          %parallel_loop3A_388 = arith.mulf %parallel_loop3A_376, %parallel_loop3A_387 : vector<16xf32>
          tpu.vector_store_idx %arg22[%parallel_loop3A_386], %parallel_loop3A_388 {add = true} : memref<28672xf32, #tpu.memory_space<vmem>>[vector<16xi32>], vector<16xf32>,
        } {sc.loop_unroll_factor = 1 : i64, sc.parallel_access}
      }
      %scan3A_206 = arith.constant 16 : i32
      %mul3A_207 = arith.constant 1 : i32
      %mul3A_208 = vector.broadcast %mul3A_207 : i32 to vector<16xi32>
      %mul3A_209 = arith.muli %iota3A, %mul3A_208 : vector<16xi32>
      %while3A_210 = arith.constant 0 : i32
      %while3A_211 = arith.constant 0 : i32
      %while3A_212 = arith.subi %select_n3A, %while3A_211 : i32
      %while3A_213 = arith.addi %while3A_211, %while3A_212 : i32
      %while3A_214 = arith.constant 1 : i32
      %while3A_215 = arith.divsi %while3A_212, %while3A_214 : i32
      %while3A_216 = arith.muli %while3A_215, %while3A_214 : i32
      %while3A_217 = arith.addi %while3A_211, %while3A_216 : i32
      %while3A_218 = arith.constant 1 : i32
      scf.for %while3A_220 = %while3A_211 to %while3A_217 step %while3A_218  : i32 {
        %mul3A_221 = arith.constant 2048 : i32
        %mul3A_222 = arith.muli %while3A_220, %mul3A_221 : i32
        %add3A_223 = arith.addi %reduce_min3A_77, %mul3A_222 : i32
        %scan3A_224 = arith.constant 0 : i32
        %scan3A_225 = arith.constant 0 : i32
        %scan3A_226 = arith.constant 128 : i32
        %scan3A_227 = arith.addi %scan3A_225, %scan3A_226 : i32
        %scan3A_228 = arith.constant 1 : i32
        scf.for %scan3A_232 = %scan3A_225 to %scan3A_227 step %scan3A_228  : i32 {
          %mul3A_233 = arith.constant 16 : i32
          %mul3A_234 = arith.muli %scan3A_232, %mul3A_233 : i32
          %add3A_235 = arith.addi %add3A_223, %mul3A_234 : i32
          %add3A_236 = vector.broadcast %add3A_235 : i32 to vector<16xi32>
          %add3A_237 = arith.addi %add3A_236, %iota3A : vector<16xi32>
          %min3A = arith.constant 65535 : i32
          %min3A_238 = vector.broadcast %min3A : i32 to vector<16xi32>
          %min3A_239 = arith.minsi %add3A_237, %min3A_238 : vector<16xi32>
          %mul3A_240 = arith.constant 16 : i32
          %mul3A_241 = arith.muli %scan3A_232, %mul3A_240 : i32
          %swap3A = arith.index_cast %mul3A_241 : i32 to index
          %swap3A_242 = tpu.vector_load %arg23[%swap3A] {strides = array<i32>} : memref<2048xi32, #tpu.memory_space<vmem>>, vector<16xi32>,
          tpu.vector_store %arg23[%swap3A], %min3A_239 {strides = array<i32>} : memref<2048xi32, #tpu.memory_space<vmem>>, vector<16xi32>,
        }
        %scan3A_229 = arith.constant 128 : i32
        %mul3A_230 = arith.constant 2048 : i32
        %mul3A_231 = arith.muli %while3A_220, %mul3A_230 : i32
        "tpu.region"() ({
          %run_scoped3A = tpu.sem_alloc : memref<!tpu.dma_semaphore, #tpu.memory_space<semaphore_mem>>
          %dma_start3A_232 = tpu.memref_slice %arg22[%mul3A_231] : memref<28672xf32, #tpu.memory_space<vmem>> -> memref<2048xf32, #tpu.memory_space<vmem>>
          %dma_start3A_233 = arith.constant 0 : i32
          %dma_start3A_234 = tpu.memref_slice %arg25[%dma_start3A_233] : memref<65536xf32, #tpu.memory_space<vmem_shared>> -> memref<65536xf32, #tpu.memory_space<vmem_shared>>
          tpu.enqueue_indirect_dma source(%dma_start3A_232 : memref<2048xf32, #tpu.memory_space<vmem>>) target(%dma_start3A_234 : memref<65536xf32, #tpu.memory_space<vmem_shared>>) offsets(%arg23 : memref<2048xi32, #tpu.memory_space<vmem>>) semaphore(%run_scoped3A : memref<!tpu.dma_semaphore, #tpu.memory_space<semaphore_mem>>) {add = true}
          %dma_wait3A_235 = tpu.memref_slice %arg22[%mul3A_231] : memref<28672xf32, #tpu.memory_space<vmem>> -> memref<2048xf32, #tpu.memory_space<vmem>>
          %dma_wait3A_236 = arith.constant 0 : i32
          %dma_wait3A_237 = tpu.memref_slice %arg25[%dma_wait3A_236] : memref<65536xf32, #tpu.memory_space<vmem_shared>> -> memref<65536xf32, #tpu.memory_space<vmem_shared>>
          tpu.wait_indirect_dma semaphore(%run_scoped3A : memref<!tpu.dma_semaphore, #tpu.memory_space<semaphore_mem>>) src(%dma_wait3A_235 : memref<2048xf32, #tpu.memory_space<vmem>>) dst(%dma_wait3A_237 : memref<65536xf32, #tpu.memory_space<vmem_shared>>)
          tpu.yield
        }) : () -> ()
      }
      %while3A_219 = arith.constant 1 : i32
      scf.for %while3A_220 = %while3A_217 to %while3A_213 step %while3A_219  : i32 {
        %mul3A_221 = arith.constant 2048 : i32
        %mul3A_222 = arith.muli %while3A_220, %mul3A_221 : i32
        %add3A_223 = arith.addi %reduce_min3A_77, %mul3A_222 : i32
        %scan3A_224 = arith.constant 0 : i32
        %scan3A_225 = arith.constant 0 : i32
        %scan3A_226 = arith.constant 128 : i32
        %scan3A_227 = arith.addi %scan3A_225, %scan3A_226 : i32
        %scan3A_228 = arith.constant 1 : i32
        scf.for %scan3A_232 = %scan3A_225 to %scan3A_227 step %scan3A_228  : i32 {
          %mul3A_233 = arith.constant 16 : i32
          %mul3A_234 = arith.muli %scan3A_232, %mul3A_233 : i32
          %add3A_235 = arith.addi %add3A_223, %mul3A_234 : i32
          %add3A_236 = vector.broadcast %add3A_235 : i32 to vector<16xi32>
          %add3A_237 = arith.addi %add3A_236, %iota3A : vector<16xi32>
          %min3A = arith.constant 65535 : i32
          %min3A_238 = vector.broadcast %min3A : i32 to vector<16xi32>
          %min3A_239 = arith.minsi %add3A_237, %min3A_238 : vector<16xi32>
          %mul3A_240 = arith.constant 16 : i32
          %mul3A_241 = arith.muli %scan3A_232, %mul3A_240 : i32
          %swap3A = arith.index_cast %mul3A_241 : i32 to index
          %swap3A_242 = tpu.vector_load %arg23[%swap3A] {strides = array<i32>} : memref<2048xi32, #tpu.memory_space<vmem>>, vector<16xi32>,
          tpu.vector_store %arg23[%swap3A], %min3A_239 {strides = array<i32>} : memref<2048xi32, #tpu.memory_space<vmem>>, vector<16xi32>,
        }
        %scan3A_229 = arith.constant 128 : i32
        %mul3A_230 = arith.constant 2048 : i32
        %mul3A_231 = arith.muli %while3A_220, %mul3A_230 : i32
        "tpu.region"() ({
          %run_scoped3A = tpu.sem_alloc : memref<!tpu.dma_semaphore, #tpu.memory_space<semaphore_mem>>
          %dma_start3A_232 = tpu.memref_slice %arg22[%mul3A_231] : memref<28672xf32, #tpu.memory_space<vmem>> -> memref<2048xf32, #tpu.memory_space<vmem>>
          %dma_start3A_233 = arith.constant 0 : i32
          %dma_start3A_234 = tpu.memref_slice %arg25[%dma_start3A_233] : memref<65536xf32, #tpu.memory_space<vmem_shared>> -> memref<65536xf32, #tpu.memory_space<vmem_shared>>
          tpu.enqueue_indirect_dma source(%dma_start3A_232 : memref<2048xf32, #tpu.memory_space<vmem>>) target(%dma_start3A_234 : memref<65536xf32, #tpu.memory_space<vmem_shared>>) offsets(%arg23 : memref<2048xi32, #tpu.memory_space<vmem>>) semaphore(%run_scoped3A : memref<!tpu.dma_semaphore, #tpu.memory_space<semaphore_mem>>) {add = true}
          %dma_wait3A_235 = tpu.memref_slice %arg22[%mul3A_231] : memref<28672xf32, #tpu.memory_space<vmem>> -> memref<2048xf32, #tpu.memory_space<vmem>>
          %dma_wait3A_236 = arith.constant 0 : i32
          %dma_wait3A_237 = tpu.memref_slice %arg25[%dma_wait3A_236] : memref<65536xf32, #tpu.memory_space<vmem_shared>> -> memref<65536xf32, #tpu.memory_space<vmem_shared>>
          tpu.wait_indirect_dma semaphore(%run_scoped3A : memref<!tpu.dma_semaphore, #tpu.memory_space<semaphore_mem>>) src(%dma_wait3A_235 : memref<2048xf32, #tpu.memory_space<vmem>>) dst(%dma_wait3A_237 : memref<65536xf32, #tpu.memory_space<vmem_shared>>)
          tpu.yield
        }) : () -> ()
      }
    } else {
    }
    %gt3A_98 = arith.constant 28672 : i32
    %gt3A_99 = arith.cmpi sgt, %add3A_89, %gt3A_98 : i32
    %convert_element_type3A_100 = arith.extui %gt3A_99 : i1 to i32
    %cond3A_101 = arith.constant 0 : i32
    %cond3A_102 = arith.cmpi ne, %convert_element_type3A_100, %cond3A_101 : i32
    scf.if %cond3A_102 {
      %scan3A_108 = arith.constant 0 : i32
      %scan3A_109 = arith.constant 0 : i32
      %scan3A_110 = arith.constant 16 : i32
      %scan3A_111 = arith.addi %scan3A_109, %scan3A_110 : i32
      %scan3A_112 = arith.constant 1 : i32
      scf.for %scan3A_124 = %scan3A_109 to %scan3A_111 step %scan3A_112  : i32 {
        %mul3A_125 = arith.constant 4 : i32
        %mul3A_126 = arith.muli %scan3A_124, %mul3A_125 : i32
        %add3A_127 = arith.constant 0 : i32
        %add3A_128 = arith.addi %mul3A_126, %add3A_127 : i32
        %add3A_129 = arith.constant 1 : i32
        %add3A_130 = arith.addi %add3A_128, %add3A_129 : i32
        %lt3A = arith.constant 64 : i32
        %lt3A_131 = arith.cmpi slt, %add3A_130, %lt3A : i32
        %convert_element_type3A_132 = arith.extui %lt3A_131 : i1 to i32
        %cond3A_133 = arith.constant 0 : i32
        %cond3A_134 = arith.cmpi ne, %convert_element_type3A_132, %cond3A_133 : i32
        scf.if %cond3A_134 {
          %add3A_310 = arith.constant 1 : i32
          %add3A_311 = arith.addi %add3A_128, %add3A_310 : i32
          %mul3A_312 = arith.constant 2048 : i32
          %mul3A_313 = arith.muli %add3A_311, %mul3A_312 : i32
          %add3A_314 = arith.addi %mul3A_2, %mul3A_313 : i32
          %multiple_of3A_315 = tpu.assume_multiple %add3A_314, 2048 : i32
          %dma_start3A_316 = arith.constant 1 : i32
          %dma_start3A_317 = arith.constant 0 : i32
          %dma_start3A_318 = tpu.memref_slice %arg3[%multiple_of3A_315] : memref<4194304xi32, #tpu.memory_space<hbm>> -> memref<2048xi32, #tpu.memory_space<hbm>>
          %dma_start3A_319 = tpu.memref_slice %arg27[%dma_start3A_316, %dma_start3A_317] : memref<4x2x!tpu.dma_semaphore, #tpu.memory_space<semaphore_mem>> -> memref<1x1x!tpu.dma_semaphore, #tpu.memory_space<semaphore_mem>>
          %dma_start3A_320 = tpu.memref_squeeze %dma_start3A_319 : memref<1x1x!tpu.dma_semaphore, #tpu.memory_space<semaphore_mem>> -> memref<!tpu.dma_semaphore, #tpu.memory_space<semaphore_mem>>
          %dma_start3A_321 = tpu.memref_slice %arg3[%multiple_of3A_315] : memref<4194304xi32, #tpu.memory_space<hbm>> -> memref<2048xi32, #tpu.memory_space<hbm>>
          tpu.enqueue_dma source(%dma_start3A_321 : memref<2048xi32, #tpu.memory_space<hbm>>) target(%arg9 : memref<2048xi32, #tpu.memory_space<vmem>>) target_semaphore(%dma_start3A_320 : memref<!tpu.dma_semaphore, #tpu.memory_space<semaphore_mem>>)
          %dma_start3A_322 = arith.constant 1 : i32
          %dma_start3A_323 = arith.constant 1 : i32
          %dma_start3A_324 = tpu.memref_slice %arg4[%multiple_of3A_315] : memref<4194304xf32, #tpu.memory_space<hbm>> -> memref<2048xf32, #tpu.memory_space<hbm>>
          %dma_start3A_325 = tpu.memref_slice %arg27[%dma_start3A_322, %dma_start3A_323] : memref<4x2x!tpu.dma_semaphore, #tpu.memory_space<semaphore_mem>> -> memref<1x1x!tpu.dma_semaphore, #tpu.memory_space<semaphore_mem>>
          %dma_start3A_326 = tpu.memref_squeeze %dma_start3A_325 : memref<1x1x!tpu.dma_semaphore, #tpu.memory_space<semaphore_mem>> -> memref<!tpu.dma_semaphore, #tpu.memory_space<semaphore_mem>>
          %dma_start3A_327 = tpu.memref_slice %arg4[%multiple_of3A_315] : memref<4194304xf32, #tpu.memory_space<hbm>> -> memref<2048xf32, #tpu.memory_space<hbm>>
          tpu.enqueue_dma source(%dma_start3A_327 : memref<2048xf32, #tpu.memory_space<hbm>>) target(%arg13 : memref<2048xf32, #tpu.memory_space<vmem>>) target_semaphore(%dma_start3A_326 : memref<!tpu.dma_semaphore, #tpu.memory_space<semaphore_mem>>)
          %dma_start3A_328 = arith.constant 1 : i32
          %dma_start3A_329 = tpu.memref_slice %arg2[%multiple_of3A_315] : memref<4194304xi32, #tpu.memory_space<hbm>> -> memref<2048xi32, #tpu.memory_space<hbm>>
          %dma_start3A_330 = tpu.memref_slice %arg28[%dma_start3A_328] : memref<4x!tpu.dma_semaphore, #tpu.memory_space<semaphore_mem>> -> memref<1x!tpu.dma_semaphore, #tpu.memory_space<semaphore_mem>>
          %dma_start3A_331 = tpu.memref_squeeze %dma_start3A_330 : memref<1x!tpu.dma_semaphore, #tpu.memory_space<semaphore_mem>> -> memref<!tpu.dma_semaphore, #tpu.memory_space<semaphore_mem>>
          %dma_start3A_332 = tpu.memref_slice %arg2[%multiple_of3A_315] : memref<4194304xi32, #tpu.memory_space<hbm>> -> memref<2048xi32, #tpu.memory_space<hbm>>
          tpu.enqueue_dma source(%dma_start3A_332 : memref<2048xi32, #tpu.memory_space<hbm>>) target(%arg17 : memref<2048xi32, #tpu.memory_space<vmem>>) target_semaphore(%dma_start3A_331 : memref<!tpu.dma_semaphore, #tpu.memory_space<semaphore_mem>>)
        } else {
        }
        %dma_wait3A_135 = arith.constant 0 : i32
        %dma_wait3A_136 = arith.constant 0 : i32
        %dma_wait3A_137 = arith.constant 0 : i32
        %dma_wait3A_138 = tpu.memref_slice %arg3[%dma_wait3A_137] : memref<4194304xi32, #tpu.memory_space<hbm>> -> memref<2048xi32, #tpu.memory_space<hbm>>
        %dma_wait3A_139 = tpu.memref_slice %arg27[%dma_wait3A_135, %dma_wait3A_136] : memref<4x2x!tpu.dma_semaphore, #tpu.memory_space<semaphore_mem>> -> memref<1x1x!tpu.dma_semaphore, #tpu.memory_space<semaphore_mem>>
        %dma_wait3A_140 = tpu.memref_squeeze %dma_wait3A_139 : memref<1x1x!tpu.dma_semaphore, #tpu.memory_space<semaphore_mem>> -> memref<!tpu.dma_semaphore, #tpu.memory_space<semaphore_mem>>
        %dma_wait3A_141 = arith.constant 0 : i32
        %dma_wait3A_142 = tpu.memref_slice %arg3[%dma_wait3A_141] : memref<4194304xi32, #tpu.memory_space<hbm>> -> memref<2048xi32, #tpu.memory_space<hbm>>
        tpu.wait_dma2 semaphore(%dma_wait3A_140 : memref<!tpu.dma_semaphore, #tpu.memory_space<semaphore_mem>>) src(%dma_wait3A_142 : memref<2048xi32, #tpu.memory_space<hbm>>) dst(%arg8 : memref<2048xi32, #tpu.memory_space<vmem>>)
        %dma_wait3A_143 = arith.constant 0 : i32
        %dma_wait3A_144 = arith.constant 1 : i32
        %dma_wait3A_145 = arith.constant 0 : i32
        %dma_wait3A_146 = tpu.memref_slice %arg4[%dma_wait3A_145] : memref<4194304xf32, #tpu.memory_space<hbm>> -> memref<2048xf32, #tpu.memory_space<hbm>>
        %dma_wait3A_147 = tpu.memref_slice %arg27[%dma_wait3A_143, %dma_wait3A_144] : memref<4x2x!tpu.dma_semaphore, #tpu.memory_space<semaphore_mem>> -> memref<1x1x!tpu.dma_semaphore, #tpu.memory_space<semaphore_mem>>
        %dma_wait3A_148 = tpu.memref_squeeze %dma_wait3A_147 : memref<1x1x!tpu.dma_semaphore, #tpu.memory_space<semaphore_mem>> -> memref<!tpu.dma_semaphore, #tpu.memory_space<semaphore_mem>>
        %dma_wait3A_149 = arith.constant 0 : i32
        %dma_wait3A_150 = tpu.memref_slice %arg4[%dma_wait3A_149] : memref<4194304xf32, #tpu.memory_space<hbm>> -> memref<2048xf32, #tpu.memory_space<hbm>>
        tpu.wait_dma2 semaphore(%dma_wait3A_148 : memref<!tpu.dma_semaphore, #tpu.memory_space<semaphore_mem>>) src(%dma_wait3A_150 : memref<2048xf32, #tpu.memory_space<hbm>>) dst(%arg12 : memref<2048xf32, #tpu.memory_space<vmem>>)
        %dma_wait3A_151 = arith.constant 0 : i32
        %dma_wait3A_152 = arith.constant 0 : i32
        %dma_wait3A_153 = tpu.memref_slice %arg2[%dma_wait3A_152] : memref<4194304xi32, #tpu.memory_space<hbm>> -> memref<2048xi32, #tpu.memory_space<hbm>>
        %dma_wait3A_154 = tpu.memref_slice %arg28[%dma_wait3A_151] : memref<4x!tpu.dma_semaphore, #tpu.memory_space<semaphore_mem>> -> memref<1x!tpu.dma_semaphore, #tpu.memory_space<semaphore_mem>>
        %dma_wait3A_155 = tpu.memref_squeeze %dma_wait3A_154 : memref<1x!tpu.dma_semaphore, #tpu.memory_space<semaphore_mem>> -> memref<!tpu.dma_semaphore, #tpu.memory_space<semaphore_mem>>
        %dma_wait3A_156 = arith.constant 0 : i32
        %dma_wait3A_157 = tpu.memref_slice %arg2[%dma_wait3A_156] : memref<4194304xi32, #tpu.memory_space<hbm>> -> memref<2048xi32, #tpu.memory_space<hbm>>
        tpu.wait_dma2 semaphore(%dma_wait3A_155 : memref<!tpu.dma_semaphore, #tpu.memory_space<semaphore_mem>>) src(%dma_wait3A_157 : memref<2048xi32, #tpu.memory_space<hbm>>) dst(%arg16 : memref<2048xi32, #tpu.memory_space<vmem>>)
        %ge3A = arith.constant 2 : i32
        %ge3A_158 = arith.cmpi sge, %add3A_128, %ge3A : i32
        %convert_element_type3A_159 = arith.extui %ge3A_158 : i1 to i32
        %cond3A_160 = arith.constant 0 : i32
        %cond3A_161 = arith.cmpi ne, %convert_element_type3A_159, %cond3A_160 : i32
        scf.if %cond3A_161 {
          %dma_wait3A_310 = arith.constant 0 : i32
          %dma_wait3A_311 = arith.constant 0 : i32
          %dma_wait3A_312 = tpu.memref_slice %arg25[%dma_wait3A_311] : memref<65536xf32, #tpu.memory_space<vmem_shared>> -> memref<65536xf32, #tpu.memory_space<vmem_shared>>
          %dma_wait3A_313 = tpu.memref_slice %arg29[%dma_wait3A_310] : memref<2x!tpu.dma_semaphore, #tpu.memory_space<semaphore_mem>> -> memref<1x!tpu.dma_semaphore, #tpu.memory_space<semaphore_mem>>
          %dma_wait3A_314 = tpu.memref_squeeze %dma_wait3A_313 : memref<1x!tpu.dma_semaphore, #tpu.memory_space<semaphore_mem>> -> memref<!tpu.dma_semaphore, #tpu.memory_space<semaphore_mem>>
          tpu.wait_indirect_dma semaphore(%dma_wait3A_314 : memref<!tpu.dma_semaphore, #tpu.memory_space<semaphore_mem>>) src(%arg20 : memref<2048xf32, #tpu.memory_space<vmem>>) dst(%dma_wait3A_312 : memref<65536xf32, #tpu.memory_space<vmem_shared>>)
        } else {
        }
        %parallel_loop3A = arith.constant 0 : i32
        %parallel_loop3A_162 = arith.constant 128 : i32
        %parallel_loop3A_163 = arith.constant 1 : i32
        scf.for %parallel_loop3A_310 = %parallel_loop3A to %parallel_loop3A_162 step %parallel_loop3A_163  : i32 {
          %parallel_loop3A_311 = arith.constant 16 : i32
          %parallel_loop3A_312 = arith.muli %parallel_loop3A_310, %parallel_loop3A_311 : i32
          %parallel_loop3A_313 = arith.index_cast %parallel_loop3A_312 : i32 to index
          %parallel_loop3A_314 = tpu.vector_load %arg8[%parallel_loop3A_313] {strides = array<i32>} : memref<2048xi32, #tpu.memory_space<vmem>>, vector<16xi32>,
          %parallel_loop3A_315 = arith.constant 16 : i32
          %parallel_loop3A_316 = arith.muli %parallel_loop3A_310, %parallel_loop3A_315 : i32
          %parallel_loop3A_317 = arith.index_cast %parallel_loop3A_316 : i32 to index
          %parallel_loop3A_318 = tpu.vector_load %arg12[%parallel_loop3A_317] {strides = array<i32>} : memref<2048xf32, #tpu.memory_space<vmem>>, vector<16xf32>,
          %parallel_loop3A_319 = tpu.vector_load_idx %arg7[%parallel_loop3A_314] : memref<65536xf32, #tpu.memory_space<vmem>>[vector<16xi32>], vector<16xf32>,
          %parallel_loop3A_320 = arith.mulf %parallel_loop3A_318, %parallel_loop3A_319 : vector<16xf32>
          %parallel_loop3A_321 = arith.constant 16 : i32
          %parallel_loop3A_322 = arith.muli %parallel_loop3A_310, %parallel_loop3A_321 : i32
          %parallel_loop3A_323 = arith.index_cast %parallel_loop3A_322 : i32 to index
          %parallel_loop3A_324 = tpu.vector_load %arg20[%parallel_loop3A_323] {strides = array<i32>} : memref<2048xf32, #tpu.memory_space<vmem>>, vector<16xf32>,
          tpu.vector_store %arg20[%parallel_loop3A_323], %parallel_loop3A_320 {strides = array<i32>} : memref<2048xf32, #tpu.memory_space<vmem>>, vector<16xf32>,
        } {sc.loop_unroll_factor = 4 : i64, sc.parallel_access}
        %dma_start3A_164 = arith.constant 0 : i32
        %dma_start3A_165 = arith.constant 0 : i32
        %dma_start3A_166 = tpu.memref_slice %arg25[%dma_start3A_165] : memref<65536xf32, #tpu.memory_space<vmem_shared>> -> memref<65536xf32, #tpu.memory_space<vmem_shared>>
        %dma_start3A_167 = tpu.memref_slice %arg29[%dma_start3A_164] : memref<2x!tpu.dma_semaphore, #tpu.memory_space<semaphore_mem>> -> memref<1x!tpu.dma_semaphore, #tpu.memory_space<semaphore_mem>>
        %dma_start3A_168 = tpu.memref_squeeze %dma_start3A_167 : memref<1x!tpu.dma_semaphore, #tpu.memory_space<semaphore_mem>> -> memref<!tpu.dma_semaphore, #tpu.memory_space<semaphore_mem>>
        tpu.enqueue_indirect_dma source(%arg20 : memref<2048xf32, #tpu.memory_space<vmem>>) target(%dma_start3A_166 : memref<65536xf32, #tpu.memory_space<vmem_shared>>) offsets(%arg16 : memref<2048xi32, #tpu.memory_space<vmem>>) semaphore(%dma_start3A_168 : memref<!tpu.dma_semaphore, #tpu.memory_space<semaphore_mem>>) {add = true}
        %mul3A_169 = arith.constant 4 : i32
        %mul3A_170 = arith.muli %scan3A_124, %mul3A_169 : i32
        %add3A_171 = arith.constant 1 : i32
        %add3A_172 = arith.addi %mul3A_170, %add3A_171 : i32
        %add3A_173 = arith.constant 1 : i32
        %add3A_174 = arith.addi %add3A_172, %add3A_173 : i32
        %lt3A_175 = arith.constant 64 : i32
        %lt3A_176 = arith.cmpi slt, %add3A_174, %lt3A_175 : i32
        %convert_element_type3A_177 = arith.extui %lt3A_176 : i1 to i32
        %cond3A_178 = arith.constant 0 : i32
        %cond3A_179 = arith.cmpi ne, %convert_element_type3A_177, %cond3A_178 : i32
        scf.if %cond3A_179 {
          %add3A_310 = arith.constant 1 : i32
          %add3A_311 = arith.addi %add3A_172, %add3A_310 : i32
          %mul3A_312 = arith.constant 2048 : i32
          %mul3A_313 = arith.muli %add3A_311, %mul3A_312 : i32
          %add3A_314 = arith.addi %mul3A_2, %mul3A_313 : i32
          %multiple_of3A_315 = tpu.assume_multiple %add3A_314, 2048 : i32
          %dma_start3A_316 = arith.constant 2 : i32
          %dma_start3A_317 = arith.constant 0 : i32
          %dma_start3A_318 = tpu.memref_slice %arg3[%multiple_of3A_315] : memref<4194304xi32, #tpu.memory_space<hbm>> -> memref<2048xi32, #tpu.memory_space<hbm>>
          %dma_start3A_319 = tpu.memref_slice %arg27[%dma_start3A_316, %dma_start3A_317] : memref<4x2x!tpu.dma_semaphore, #tpu.memory_space<semaphore_mem>> -> memref<1x1x!tpu.dma_semaphore, #tpu.memory_space<semaphore_mem>>
          %dma_start3A_320 = tpu.memref_squeeze %dma_start3A_319 : memref<1x1x!tpu.dma_semaphore, #tpu.memory_space<semaphore_mem>> -> memref<!tpu.dma_semaphore, #tpu.memory_space<semaphore_mem>>
          %dma_start3A_321 = tpu.memref_slice %arg3[%multiple_of3A_315] : memref<4194304xi32, #tpu.memory_space<hbm>> -> memref<2048xi32, #tpu.memory_space<hbm>>
          tpu.enqueue_dma source(%dma_start3A_321 : memref<2048xi32, #tpu.memory_space<hbm>>) target(%arg10 : memref<2048xi32, #tpu.memory_space<vmem>>) target_semaphore(%dma_start3A_320 : memref<!tpu.dma_semaphore, #tpu.memory_space<semaphore_mem>>)
          %dma_start3A_322 = arith.constant 2 : i32
          %dma_start3A_323 = arith.constant 1 : i32
          %dma_start3A_324 = tpu.memref_slice %arg4[%multiple_of3A_315] : memref<4194304xf32, #tpu.memory_space<hbm>> -> memref<2048xf32, #tpu.memory_space<hbm>>
          %dma_start3A_325 = tpu.memref_slice %arg27[%dma_start3A_322, %dma_start3A_323] : memref<4x2x!tpu.dma_semaphore, #tpu.memory_space<semaphore_mem>> -> memref<1x1x!tpu.dma_semaphore, #tpu.memory_space<semaphore_mem>>
          %dma_start3A_326 = tpu.memref_squeeze %dma_start3A_325 : memref<1x1x!tpu.dma_semaphore, #tpu.memory_space<semaphore_mem>> -> memref<!tpu.dma_semaphore, #tpu.memory_space<semaphore_mem>>
          %dma_start3A_327 = tpu.memref_slice %arg4[%multiple_of3A_315] : memref<4194304xf32, #tpu.memory_space<hbm>> -> memref<2048xf32, #tpu.memory_space<hbm>>
          tpu.enqueue_dma source(%dma_start3A_327 : memref<2048xf32, #tpu.memory_space<hbm>>) target(%arg14 : memref<2048xf32, #tpu.memory_space<vmem>>) target_semaphore(%dma_start3A_326 : memref<!tpu.dma_semaphore, #tpu.memory_space<semaphore_mem>>)
          %dma_start3A_328 = arith.constant 2 : i32
          %dma_start3A_329 = tpu.memref_slice %arg2[%multiple_of3A_315] : memref<4194304xi32, #tpu.memory_space<hbm>> -> memref<2048xi32, #tpu.memory_space<hbm>>
          %dma_start3A_330 = tpu.memref_slice %arg28[%dma_start3A_328] : memref<4x!tpu.dma_semaphore, #tpu.memory_space<semaphore_mem>> -> memref<1x!tpu.dma_semaphore, #tpu.memory_space<semaphore_mem>>
          %dma_start3A_331 = tpu.memref_squeeze %dma_start3A_330 : memref<1x!tpu.dma_semaphore, #tpu.memory_space<semaphore_mem>> -> memref<!tpu.dma_semaphore, #tpu.memory_space<semaphore_mem>>
          %dma_start3A_332 = tpu.memref_slice %arg2[%multiple_of3A_315] : memref<4194304xi32, #tpu.memory_space<hbm>> -> memref<2048xi32, #tpu.memory_space<hbm>>
          tpu.enqueue_dma source(%dma_start3A_332 : memref<2048xi32, #tpu.memory_space<hbm>>) target(%arg18 : memref<2048xi32, #tpu.memory_space<vmem>>) target_semaphore(%dma_start3A_331 : memref<!tpu.dma_semaphore, #tpu.memory_space<semaphore_mem>>)
        } else {
        }
        %dma_wait3A_180 = arith.constant 1 : i32
        %dma_wait3A_181 = arith.constant 0 : i32
        %dma_wait3A_182 = arith.constant 0 : i32
        %dma_wait3A_183 = tpu.memref_slice %arg3[%dma_wait3A_182] : memref<4194304xi32, #tpu.memory_space<hbm>> -> memref<2048xi32, #tpu.memory_space<hbm>>
        %dma_wait3A_184 = tpu.memref_slice %arg27[%dma_wait3A_180, %dma_wait3A_181] : memref<4x2x!tpu.dma_semaphore, #tpu.memory_space<semaphore_mem>> -> memref<1x1x!tpu.dma_semaphore, #tpu.memory_space<semaphore_mem>>
        %dma_wait3A_185 = tpu.memref_squeeze %dma_wait3A_184 : memref<1x1x!tpu.dma_semaphore, #tpu.memory_space<semaphore_mem>> -> memref<!tpu.dma_semaphore, #tpu.memory_space<semaphore_mem>>
        %dma_wait3A_186 = arith.constant 0 : i32
        %dma_wait3A_187 = tpu.memref_slice %arg3[%dma_wait3A_186] : memref<4194304xi32, #tpu.memory_space<hbm>> -> memref<2048xi32, #tpu.memory_space<hbm>>
        tpu.wait_dma2 semaphore(%dma_wait3A_185 : memref<!tpu.dma_semaphore, #tpu.memory_space<semaphore_mem>>) src(%dma_wait3A_187 : memref<2048xi32, #tpu.memory_space<hbm>>) dst(%arg9 : memref<2048xi32, #tpu.memory_space<vmem>>)
        %dma_wait3A_188 = arith.constant 1 : i32
        %dma_wait3A_189 = arith.constant 1 : i32
        %dma_wait3A_190 = arith.constant 0 : i32
        %dma_wait3A_191 = tpu.memref_slice %arg4[%dma_wait3A_190] : memref<4194304xf32, #tpu.memory_space<hbm>> -> memref<2048xf32, #tpu.memory_space<hbm>>
        %dma_wait3A_192 = tpu.memref_slice %arg27[%dma_wait3A_188, %dma_wait3A_189] : memref<4x2x!tpu.dma_semaphore, #tpu.memory_space<semaphore_mem>> -> memref<1x1x!tpu.dma_semaphore, #tpu.memory_space<semaphore_mem>>
        %dma_wait3A_193 = tpu.memref_squeeze %dma_wait3A_192 : memref<1x1x!tpu.dma_semaphore, #tpu.memory_space<semaphore_mem>> -> memref<!tpu.dma_semaphore, #tpu.memory_space<semaphore_mem>>
        %dma_wait3A_194 = arith.constant 0 : i32
        %dma_wait3A_195 = tpu.memref_slice %arg4[%dma_wait3A_194] : memref<4194304xf32, #tpu.memory_space<hbm>> -> memref<2048xf32, #tpu.memory_space<hbm>>
        tpu.wait_dma2 semaphore(%dma_wait3A_193 : memref<!tpu.dma_semaphore, #tpu.memory_space<semaphore_mem>>) src(%dma_wait3A_195 : memref<2048xf32, #tpu.memory_space<hbm>>) dst(%arg13 : memref<2048xf32, #tpu.memory_space<vmem>>)
        %dma_wait3A_196 = arith.constant 1 : i32
        %dma_wait3A_197 = arith.constant 0 : i32
        %dma_wait3A_198 = tpu.memref_slice %arg2[%dma_wait3A_197] : memref<4194304xi32, #tpu.memory_space<hbm>> -> memref<2048xi32, #tpu.memory_space<hbm>>
        %dma_wait3A_199 = tpu.memref_slice %arg28[%dma_wait3A_196] : memref<4x!tpu.dma_semaphore, #tpu.memory_space<semaphore_mem>> -> memref<1x!tpu.dma_semaphore, #tpu.memory_space<semaphore_mem>>
        %dma_wait3A_200 = tpu.memref_squeeze %dma_wait3A_199 : memref<1x!tpu.dma_semaphore, #tpu.memory_space<semaphore_mem>> -> memref<!tpu.dma_semaphore, #tpu.memory_space<semaphore_mem>>
        %dma_wait3A_201 = arith.constant 0 : i32
        %dma_wait3A_202 = tpu.memref_slice %arg2[%dma_wait3A_201] : memref<4194304xi32, #tpu.memory_space<hbm>> -> memref<2048xi32, #tpu.memory_space<hbm>>
        tpu.wait_dma2 semaphore(%dma_wait3A_200 : memref<!tpu.dma_semaphore, #tpu.memory_space<semaphore_mem>>) src(%dma_wait3A_202 : memref<2048xi32, #tpu.memory_space<hbm>>) dst(%arg17 : memref<2048xi32, #tpu.memory_space<vmem>>)
        %ge3A_203 = arith.constant 2 : i32
        %ge3A_204 = arith.cmpi sge, %add3A_172, %ge3A_203 : i32
        %convert_element_type3A_205 = arith.extui %ge3A_204 : i1 to i32
        %cond3A_206 = arith.constant 0 : i32
        %cond3A_207 = arith.cmpi ne, %convert_element_type3A_205, %cond3A_206 : i32
        scf.if %cond3A_207 {
          %dma_wait3A_310 = arith.constant 1 : i32
          %dma_wait3A_311 = arith.constant 0 : i32
          %dma_wait3A_312 = tpu.memref_slice %arg25[%dma_wait3A_311] : memref<65536xf32, #tpu.memory_space<vmem_shared>> -> memref<65536xf32, #tpu.memory_space<vmem_shared>>
          %dma_wait3A_313 = tpu.memref_slice %arg29[%dma_wait3A_310] : memref<2x!tpu.dma_semaphore, #tpu.memory_space<semaphore_mem>> -> memref<1x!tpu.dma_semaphore, #tpu.memory_space<semaphore_mem>>
          %dma_wait3A_314 = tpu.memref_squeeze %dma_wait3A_313 : memref<1x!tpu.dma_semaphore, #tpu.memory_space<semaphore_mem>> -> memref<!tpu.dma_semaphore, #tpu.memory_space<semaphore_mem>>
          tpu.wait_indirect_dma semaphore(%dma_wait3A_314 : memref<!tpu.dma_semaphore, #tpu.memory_space<semaphore_mem>>) src(%arg21 : memref<2048xf32, #tpu.memory_space<vmem>>) dst(%dma_wait3A_312 : memref<65536xf32, #tpu.memory_space<vmem_shared>>)
        } else {
        }
        %parallel_loop3A_208 = arith.constant 0 : i32
        %parallel_loop3A_209 = arith.constant 128 : i32
        %parallel_loop3A_210 = arith.constant 1 : i32
        scf.for %parallel_loop3A_310 = %parallel_loop3A_208 to %parallel_loop3A_209 step %parallel_loop3A_210  : i32 {
          %parallel_loop3A_311 = arith.constant 16 : i32
          %parallel_loop3A_312 = arith.muli %parallel_loop3A_310, %parallel_loop3A_311 : i32
          %parallel_loop3A_313 = arith.index_cast %parallel_loop3A_312 : i32 to index
          %parallel_loop3A_314 = tpu.vector_load %arg9[%parallel_loop3A_313] {strides = array<i32>} : memref<2048xi32, #tpu.memory_space<vmem>>, vector<16xi32>,
          %parallel_loop3A_315 = arith.constant 16 : i32
          %parallel_loop3A_316 = arith.muli %parallel_loop3A_310, %parallel_loop3A_315 : i32
          %parallel_loop3A_317 = arith.index_cast %parallel_loop3A_316 : i32 to index
          %parallel_loop3A_318 = tpu.vector_load %arg13[%parallel_loop3A_317] {strides = array<i32>} : memref<2048xf32, #tpu.memory_space<vmem>>, vector<16xf32>,
          %parallel_loop3A_319 = tpu.vector_load_idx %arg7[%parallel_loop3A_314] : memref<65536xf32, #tpu.memory_space<vmem>>[vector<16xi32>], vector<16xf32>,
          %parallel_loop3A_320 = arith.mulf %parallel_loop3A_318, %parallel_loop3A_319 : vector<16xf32>
          %parallel_loop3A_321 = arith.constant 16 : i32
          %parallel_loop3A_322 = arith.muli %parallel_loop3A_310, %parallel_loop3A_321 : i32
          %parallel_loop3A_323 = arith.index_cast %parallel_loop3A_322 : i32 to index
          %parallel_loop3A_324 = tpu.vector_load %arg21[%parallel_loop3A_323] {strides = array<i32>} : memref<2048xf32, #tpu.memory_space<vmem>>, vector<16xf32>,
          tpu.vector_store %arg21[%parallel_loop3A_323], %parallel_loop3A_320 {strides = array<i32>} : memref<2048xf32, #tpu.memory_space<vmem>>, vector<16xf32>,
        } {sc.loop_unroll_factor = 4 : i64, sc.parallel_access}
        %dma_start3A_211 = arith.constant 1 : i32
        %dma_start3A_212 = arith.constant 0 : i32
        %dma_start3A_213 = tpu.memref_slice %arg25[%dma_start3A_212] : memref<65536xf32, #tpu.memory_space<vmem_shared>> -> memref<65536xf32, #tpu.memory_space<vmem_shared>>
        %dma_start3A_214 = tpu.memref_slice %arg29[%dma_start3A_211] : memref<2x!tpu.dma_semaphore, #tpu.memory_space<semaphore_mem>> -> memref<1x!tpu.dma_semaphore, #tpu.memory_space<semaphore_mem>>
        %dma_start3A_215 = tpu.memref_squeeze %dma_start3A_214 : memref<1x!tpu.dma_semaphore, #tpu.memory_space<semaphore_mem>> -> memref<!tpu.dma_semaphore, #tpu.memory_space<semaphore_mem>>
        tpu.enqueue_indirect_dma source(%arg21 : memref<2048xf32, #tpu.memory_space<vmem>>) target(%dma_start3A_213 : memref<65536xf32, #tpu.memory_space<vmem_shared>>) offsets(%arg17 : memref<2048xi32, #tpu.memory_space<vmem>>) semaphore(%dma_start3A_215 : memref<!tpu.dma_semaphore, #tpu.memory_space<semaphore_mem>>) {add = true}
        %mul3A_216 = arith.constant 4 : i32
        %mul3A_217 = arith.muli %scan3A_124, %mul3A_216 : i32
        %add3A_218 = arith.constant 2 : i32
        %add3A_219 = arith.addi %mul3A_217, %add3A_218 : i32
        %add3A_220 = arith.constant 1 : i32
        %add3A_221 = arith.addi %add3A_219, %add3A_220 : i32
        %lt3A_222 = arith.constant 64 : i32
        %lt3A_223 = arith.cmpi slt, %add3A_221, %lt3A_222 : i32
        %convert_element_type3A_224 = arith.extui %lt3A_223 : i1 to i32
        %cond3A_225 = arith.constant 0 : i32
        %cond3A_226 = arith.cmpi ne, %convert_element_type3A_224, %cond3A_225 : i32
        scf.if %cond3A_226 {
          %add3A_310 = arith.constant 1 : i32
          %add3A_311 = arith.addi %add3A_219, %add3A_310 : i32
          %mul3A_312 = arith.constant 2048 : i32
          %mul3A_313 = arith.muli %add3A_311, %mul3A_312 : i32
          %add3A_314 = arith.addi %mul3A_2, %mul3A_313 : i32
          %multiple_of3A_315 = tpu.assume_multiple %add3A_314, 2048 : i32
          %dma_start3A_316 = arith.constant 3 : i32
          %dma_start3A_317 = arith.constant 0 : i32
          %dma_start3A_318 = tpu.memref_slice %arg3[%multiple_of3A_315] : memref<4194304xi32, #tpu.memory_space<hbm>> -> memref<2048xi32, #tpu.memory_space<hbm>>
          %dma_start3A_319 = tpu.memref_slice %arg27[%dma_start3A_316, %dma_start3A_317] : memref<4x2x!tpu.dma_semaphore, #tpu.memory_space<semaphore_mem>> -> memref<1x1x!tpu.dma_semaphore, #tpu.memory_space<semaphore_mem>>
          %dma_start3A_320 = tpu.memref_squeeze %dma_start3A_319 : memref<1x1x!tpu.dma_semaphore, #tpu.memory_space<semaphore_mem>> -> memref<!tpu.dma_semaphore, #tpu.memory_space<semaphore_mem>>
          %dma_start3A_321 = tpu.memref_slice %arg3[%multiple_of3A_315] : memref<4194304xi32, #tpu.memory_space<hbm>> -> memref<2048xi32, #tpu.memory_space<hbm>>
          tpu.enqueue_dma source(%dma_start3A_321 : memref<2048xi32, #tpu.memory_space<hbm>>) target(%arg11 : memref<2048xi32, #tpu.memory_space<vmem>>) target_semaphore(%dma_start3A_320 : memref<!tpu.dma_semaphore, #tpu.memory_space<semaphore_mem>>)
          %dma_start3A_322 = arith.constant 3 : i32
          %dma_start3A_323 = arith.constant 1 : i32
          %dma_start3A_324 = tpu.memref_slice %arg4[%multiple_of3A_315] : memref<4194304xf32, #tpu.memory_space<hbm>> -> memref<2048xf32, #tpu.memory_space<hbm>>
          %dma_start3A_325 = tpu.memref_slice %arg27[%dma_start3A_322, %dma_start3A_323] : memref<4x2x!tpu.dma_semaphore, #tpu.memory_space<semaphore_mem>> -> memref<1x1x!tpu.dma_semaphore, #tpu.memory_space<semaphore_mem>>
          %dma_start3A_326 = tpu.memref_squeeze %dma_start3A_325 : memref<1x1x!tpu.dma_semaphore, #tpu.memory_space<semaphore_mem>> -> memref<!tpu.dma_semaphore, #tpu.memory_space<semaphore_mem>>
          %dma_start3A_327 = tpu.memref_slice %arg4[%multiple_of3A_315] : memref<4194304xf32, #tpu.memory_space<hbm>> -> memref<2048xf32, #tpu.memory_space<hbm>>
          tpu.enqueue_dma source(%dma_start3A_327 : memref<2048xf32, #tpu.memory_space<hbm>>) target(%arg15 : memref<2048xf32, #tpu.memory_space<vmem>>) target_semaphore(%dma_start3A_326 : memref<!tpu.dma_semaphore, #tpu.memory_space<semaphore_mem>>)
          %dma_start3A_328 = arith.constant 3 : i32
          %dma_start3A_329 = tpu.memref_slice %arg2[%multiple_of3A_315] : memref<4194304xi32, #tpu.memory_space<hbm>> -> memref<2048xi32, #tpu.memory_space<hbm>>
          %dma_start3A_330 = tpu.memref_slice %arg28[%dma_start3A_328] : memref<4x!tpu.dma_semaphore, #tpu.memory_space<semaphore_mem>> -> memref<1x!tpu.dma_semaphore, #tpu.memory_space<semaphore_mem>>
          %dma_start3A_331 = tpu.memref_squeeze %dma_start3A_330 : memref<1x!tpu.dma_semaphore, #tpu.memory_space<semaphore_mem>> -> memref<!tpu.dma_semaphore, #tpu.memory_space<semaphore_mem>>
          %dma_start3A_332 = tpu.memref_slice %arg2[%multiple_of3A_315] : memref<4194304xi32, #tpu.memory_space<hbm>> -> memref<2048xi32, #tpu.memory_space<hbm>>
          tpu.enqueue_dma source(%dma_start3A_332 : memref<2048xi32, #tpu.memory_space<hbm>>) target(%arg19 : memref<2048xi32, #tpu.memory_space<vmem>>) target_semaphore(%dma_start3A_331 : memref<!tpu.dma_semaphore, #tpu.memory_space<semaphore_mem>>)
        } else {
        }
        %dma_wait3A_227 = arith.constant 2 : i32
        %dma_wait3A_228 = arith.constant 0 : i32
        %dma_wait3A_229 = arith.constant 0 : i32
        %dma_wait3A_230 = tpu.memref_slice %arg3[%dma_wait3A_229] : memref<4194304xi32, #tpu.memory_space<hbm>> -> memref<2048xi32, #tpu.memory_space<hbm>>
        %dma_wait3A_231 = tpu.memref_slice %arg27[%dma_wait3A_227, %dma_wait3A_228] : memref<4x2x!tpu.dma_semaphore, #tpu.memory_space<semaphore_mem>> -> memref<1x1x!tpu.dma_semaphore, #tpu.memory_space<semaphore_mem>>
        %dma_wait3A_232 = tpu.memref_squeeze %dma_wait3A_231 : memref<1x1x!tpu.dma_semaphore, #tpu.memory_space<semaphore_mem>> -> memref<!tpu.dma_semaphore, #tpu.memory_space<semaphore_mem>>
        %dma_wait3A_233 = arith.constant 0 : i32
        %dma_wait3A_234 = tpu.memref_slice %arg3[%dma_wait3A_233] : memref<4194304xi32, #tpu.memory_space<hbm>> -> memref<2048xi32, #tpu.memory_space<hbm>>
        tpu.wait_dma2 semaphore(%dma_wait3A_232 : memref<!tpu.dma_semaphore, #tpu.memory_space<semaphore_mem>>) src(%dma_wait3A_234 : memref<2048xi32, #tpu.memory_space<hbm>>) dst(%arg10 : memref<2048xi32, #tpu.memory_space<vmem>>)
        %dma_wait3A_235 = arith.constant 2 : i32
        %dma_wait3A_236 = arith.constant 1 : i32
        %dma_wait3A_237 = arith.constant 0 : i32
        %dma_wait3A_238 = tpu.memref_slice %arg4[%dma_wait3A_237] : memref<4194304xf32, #tpu.memory_space<hbm>> -> memref<2048xf32, #tpu.memory_space<hbm>>
        %dma_wait3A_239 = tpu.memref_slice %arg27[%dma_wait3A_235, %dma_wait3A_236] : memref<4x2x!tpu.dma_semaphore, #tpu.memory_space<semaphore_mem>> -> memref<1x1x!tpu.dma_semaphore, #tpu.memory_space<semaphore_mem>>
        %dma_wait3A_240 = tpu.memref_squeeze %dma_wait3A_239 : memref<1x1x!tpu.dma_semaphore, #tpu.memory_space<semaphore_mem>> -> memref<!tpu.dma_semaphore, #tpu.memory_space<semaphore_mem>>
        %dma_wait3A_241 = arith.constant 0 : i32
        %dma_wait3A_242 = tpu.memref_slice %arg4[%dma_wait3A_241] : memref<4194304xf32, #tpu.memory_space<hbm>> -> memref<2048xf32, #tpu.memory_space<hbm>>
        tpu.wait_dma2 semaphore(%dma_wait3A_240 : memref<!tpu.dma_semaphore, #tpu.memory_space<semaphore_mem>>) src(%dma_wait3A_242 : memref<2048xf32, #tpu.memory_space<hbm>>) dst(%arg14 : memref<2048xf32, #tpu.memory_space<vmem>>)
        %dma_wait3A_243 = arith.constant 2 : i32
        %dma_wait3A_244 = arith.constant 0 : i32
        %dma_wait3A_245 = tpu.memref_slice %arg2[%dma_wait3A_244] : memref<4194304xi32, #tpu.memory_space<hbm>> -> memref<2048xi32, #tpu.memory_space<hbm>>
        %dma_wait3A_246 = tpu.memref_slice %arg28[%dma_wait3A_243] : memref<4x!tpu.dma_semaphore, #tpu.memory_space<semaphore_mem>> -> memref<1x!tpu.dma_semaphore, #tpu.memory_space<semaphore_mem>>
        %dma_wait3A_247 = tpu.memref_squeeze %dma_wait3A_246 : memref<1x!tpu.dma_semaphore, #tpu.memory_space<semaphore_mem>> -> memref<!tpu.dma_semaphore, #tpu.memory_space<semaphore_mem>>
        %dma_wait3A_248 = arith.constant 0 : i32
        %dma_wait3A_249 = tpu.memref_slice %arg2[%dma_wait3A_248] : memref<4194304xi32, #tpu.memory_space<hbm>> -> memref<2048xi32, #tpu.memory_space<hbm>>
        tpu.wait_dma2 semaphore(%dma_wait3A_247 : memref<!tpu.dma_semaphore, #tpu.memory_space<semaphore_mem>>) src(%dma_wait3A_249 : memref<2048xi32, #tpu.memory_space<hbm>>) dst(%arg18 : memref<2048xi32, #tpu.memory_space<vmem>>)
        %ge3A_250 = arith.constant 2 : i32
        %ge3A_251 = arith.cmpi sge, %add3A_219, %ge3A_250 : i32
        %convert_element_type3A_252 = arith.extui %ge3A_251 : i1 to i32
        %cond3A_253 = arith.constant 0 : i32
        %cond3A_254 = arith.cmpi ne, %convert_element_type3A_252, %cond3A_253 : i32
        scf.if %cond3A_254 {
          %dma_wait3A_310 = arith.constant 0 : i32
          %dma_wait3A_311 = arith.constant 0 : i32
          %dma_wait3A_312 = tpu.memref_slice %arg25[%dma_wait3A_311] : memref<65536xf32, #tpu.memory_space<vmem_shared>> -> memref<65536xf32, #tpu.memory_space<vmem_shared>>
          %dma_wait3A_313 = tpu.memref_slice %arg29[%dma_wait3A_310] : memref<2x!tpu.dma_semaphore, #tpu.memory_space<semaphore_mem>> -> memref<1x!tpu.dma_semaphore, #tpu.memory_space<semaphore_mem>>
          %dma_wait3A_314 = tpu.memref_squeeze %dma_wait3A_313 : memref<1x!tpu.dma_semaphore, #tpu.memory_space<semaphore_mem>> -> memref<!tpu.dma_semaphore, #tpu.memory_space<semaphore_mem>>
          tpu.wait_indirect_dma semaphore(%dma_wait3A_314 : memref<!tpu.dma_semaphore, #tpu.memory_space<semaphore_mem>>) src(%arg20 : memref<2048xf32, #tpu.memory_space<vmem>>) dst(%dma_wait3A_312 : memref<65536xf32, #tpu.memory_space<vmem_shared>>)
        } else {
        }
        %parallel_loop3A_255 = arith.constant 0 : i32
        %parallel_loop3A_256 = arith.constant 128 : i32
        %parallel_loop3A_257 = arith.constant 1 : i32
        scf.for %parallel_loop3A_310 = %parallel_loop3A_255 to %parallel_loop3A_256 step %parallel_loop3A_257  : i32 {
          %parallel_loop3A_311 = arith.constant 16 : i32
          %parallel_loop3A_312 = arith.muli %parallel_loop3A_310, %parallel_loop3A_311 : i32
          %parallel_loop3A_313 = arith.index_cast %parallel_loop3A_312 : i32 to index
          %parallel_loop3A_314 = tpu.vector_load %arg10[%parallel_loop3A_313] {strides = array<i32>} : memref<2048xi32, #tpu.memory_space<vmem>>, vector<16xi32>,
          %parallel_loop3A_315 = arith.constant 16 : i32
          %parallel_loop3A_316 = arith.muli %parallel_loop3A_310, %parallel_loop3A_315 : i32
          %parallel_loop3A_317 = arith.index_cast %parallel_loop3A_316 : i32 to index
          %parallel_loop3A_318 = tpu.vector_load %arg14[%parallel_loop3A_317] {strides = array<i32>} : memref<2048xf32, #tpu.memory_space<vmem>>, vector<16xf32>,
          %parallel_loop3A_319 = tpu.vector_load_idx %arg7[%parallel_loop3A_314] : memref<65536xf32, #tpu.memory_space<vmem>>[vector<16xi32>], vector<16xf32>,
          %parallel_loop3A_320 = arith.mulf %parallel_loop3A_318, %parallel_loop3A_319 : vector<16xf32>
          %parallel_loop3A_321 = arith.constant 16 : i32
          %parallel_loop3A_322 = arith.muli %parallel_loop3A_310, %parallel_loop3A_321 : i32
          %parallel_loop3A_323 = arith.index_cast %parallel_loop3A_322 : i32 to index
          %parallel_loop3A_324 = tpu.vector_load %arg20[%parallel_loop3A_323] {strides = array<i32>} : memref<2048xf32, #tpu.memory_space<vmem>>, vector<16xf32>,
          tpu.vector_store %arg20[%parallel_loop3A_323], %parallel_loop3A_320 {strides = array<i32>} : memref<2048xf32, #tpu.memory_space<vmem>>, vector<16xf32>,
        } {sc.loop_unroll_factor = 4 : i64, sc.parallel_access}
        %dma_start3A_258 = arith.constant 0 : i32
        %dma_start3A_259 = arith.constant 0 : i32
        %dma_start3A_260 = tpu.memref_slice %arg25[%dma_start3A_259] : memref<65536xf32, #tpu.memory_space<vmem_shared>> -> memref<65536xf32, #tpu.memory_space<vmem_shared>>
        %dma_start3A_261 = tpu.memref_slice %arg29[%dma_start3A_258] : memref<2x!tpu.dma_semaphore, #tpu.memory_space<semaphore_mem>> -> memref<1x!tpu.dma_semaphore, #tpu.memory_space<semaphore_mem>>
        %dma_start3A_262 = tpu.memref_squeeze %dma_start3A_261 : memref<1x!tpu.dma_semaphore, #tpu.memory_space<semaphore_mem>> -> memref<!tpu.dma_semaphore, #tpu.memory_space<semaphore_mem>>
        tpu.enqueue_indirect_dma source(%arg20 : memref<2048xf32, #tpu.memory_space<vmem>>) target(%dma_start3A_260 : memref<65536xf32, #tpu.memory_space<vmem_shared>>) offsets(%arg18 : memref<2048xi32, #tpu.memory_space<vmem>>) semaphore(%dma_start3A_262 : memref<!tpu.dma_semaphore, #tpu.memory_space<semaphore_mem>>) {add = true}
        %mul3A_263 = arith.constant 4 : i32
        %mul3A_264 = arith.muli %scan3A_124, %mul3A_263 : i32
        %add3A_265 = arith.constant 3 : i32
        %add3A_266 = arith.addi %mul3A_264, %add3A_265 : i32
        %add3A_267 = arith.constant 1 : i32
        %add3A_268 = arith.addi %add3A_266, %add3A_267 : i32
        %lt3A_269 = arith.constant 64 : i32
        %lt3A_270 = arith.cmpi slt, %add3A_268, %lt3A_269 : i32
        %convert_element_type3A_271 = arith.extui %lt3A_270 : i1 to i32
        %cond3A_272 = arith.constant 0 : i32
        %cond3A_273 = arith.cmpi ne, %convert_element_type3A_271, %cond3A_272 : i32
        scf.if %cond3A_273 {
          %add3A_310 = arith.constant 1 : i32
          %add3A_311 = arith.addi %add3A_266, %add3A_310 : i32
          %mul3A_312 = arith.constant 2048 : i32
          %mul3A_313 = arith.muli %add3A_311, %mul3A_312 : i32
          %add3A_314 = arith.addi %mul3A_2, %mul3A_313 : i32
          %multiple_of3A_315 = tpu.assume_multiple %add3A_314, 2048 : i32
          %dma_start3A_316 = arith.constant 0 : i32
          %dma_start3A_317 = arith.constant 0 : i32
          %dma_start3A_318 = tpu.memref_slice %arg3[%multiple_of3A_315] : memref<4194304xi32, #tpu.memory_space<hbm>> -> memref<2048xi32, #tpu.memory_space<hbm>>
          %dma_start3A_319 = tpu.memref_slice %arg27[%dma_start3A_316, %dma_start3A_317] : memref<4x2x!tpu.dma_semaphore, #tpu.memory_space<semaphore_mem>> -> memref<1x1x!tpu.dma_semaphore, #tpu.memory_space<semaphore_mem>>
          %dma_start3A_320 = tpu.memref_squeeze %dma_start3A_319 : memref<1x1x!tpu.dma_semaphore, #tpu.memory_space<semaphore_mem>> -> memref<!tpu.dma_semaphore, #tpu.memory_space<semaphore_mem>>
          %dma_start3A_321 = tpu.memref_slice %arg3[%multiple_of3A_315] : memref<4194304xi32, #tpu.memory_space<hbm>> -> memref<2048xi32, #tpu.memory_space<hbm>>
          tpu.enqueue_dma source(%dma_start3A_321 : memref<2048xi32, #tpu.memory_space<hbm>>) target(%arg8 : memref<2048xi32, #tpu.memory_space<vmem>>) target_semaphore(%dma_start3A_320 : memref<!tpu.dma_semaphore, #tpu.memory_space<semaphore_mem>>)
          %dma_start3A_322 = arith.constant 0 : i32
          %dma_start3A_323 = arith.constant 1 : i32
          %dma_start3A_324 = tpu.memref_slice %arg4[%multiple_of3A_315] : memref<4194304xf32, #tpu.memory_space<hbm>> -> memref<2048xf32, #tpu.memory_space<hbm>>
          %dma_start3A_325 = tpu.memref_slice %arg27[%dma_start3A_322, %dma_start3A_323] : memref<4x2x!tpu.dma_semaphore, #tpu.memory_space<semaphore_mem>> -> memref<1x1x!tpu.dma_semaphore, #tpu.memory_space<semaphore_mem>>
          %dma_start3A_326 = tpu.memref_squeeze %dma_start3A_325 : memref<1x1x!tpu.dma_semaphore, #tpu.memory_space<semaphore_mem>> -> memref<!tpu.dma_semaphore, #tpu.memory_space<semaphore_mem>>
          %dma_start3A_327 = tpu.memref_slice %arg4[%multiple_of3A_315] : memref<4194304xf32, #tpu.memory_space<hbm>> -> memref<2048xf32, #tpu.memory_space<hbm>>
          tpu.enqueue_dma source(%dma_start3A_327 : memref<2048xf32, #tpu.memory_space<hbm>>) target(%arg12 : memref<2048xf32, #tpu.memory_space<vmem>>) target_semaphore(%dma_start3A_326 : memref<!tpu.dma_semaphore, #tpu.memory_space<semaphore_mem>>)
          %dma_start3A_328 = arith.constant 0 : i32
          %dma_start3A_329 = tpu.memref_slice %arg2[%multiple_of3A_315] : memref<4194304xi32, #tpu.memory_space<hbm>> -> memref<2048xi32, #tpu.memory_space<hbm>>
          %dma_start3A_330 = tpu.memref_slice %arg28[%dma_start3A_328] : memref<4x!tpu.dma_semaphore, #tpu.memory_space<semaphore_mem>> -> memref<1x!tpu.dma_semaphore, #tpu.memory_space<semaphore_mem>>
          %dma_start3A_331 = tpu.memref_squeeze %dma_start3A_330 : memref<1x!tpu.dma_semaphore, #tpu.memory_space<semaphore_mem>> -> memref<!tpu.dma_semaphore, #tpu.memory_space<semaphore_mem>>
          %dma_start3A_332 = tpu.memref_slice %arg2[%multiple_of3A_315] : memref<4194304xi32, #tpu.memory_space<hbm>> -> memref<2048xi32, #tpu.memory_space<hbm>>
          tpu.enqueue_dma source(%dma_start3A_332 : memref<2048xi32, #tpu.memory_space<hbm>>) target(%arg16 : memref<2048xi32, #tpu.memory_space<vmem>>) target_semaphore(%dma_start3A_331 : memref<!tpu.dma_semaphore, #tpu.memory_space<semaphore_mem>>)
        } else {
        }
        %dma_wait3A_274 = arith.constant 3 : i32
        %dma_wait3A_275 = arith.constant 0 : i32
        %dma_wait3A_276 = arith.constant 0 : i32
        %dma_wait3A_277 = tpu.memref_slice %arg3[%dma_wait3A_276] : memref<4194304xi32, #tpu.memory_space<hbm>> -> memref<2048xi32, #tpu.memory_space<hbm>>
        %dma_wait3A_278 = tpu.memref_slice %arg27[%dma_wait3A_274, %dma_wait3A_275] : memref<4x2x!tpu.dma_semaphore, #tpu.memory_space<semaphore_mem>> -> memref<1x1x!tpu.dma_semaphore, #tpu.memory_space<semaphore_mem>>
        %dma_wait3A_279 = tpu.memref_squeeze %dma_wait3A_278 : memref<1x1x!tpu.dma_semaphore, #tpu.memory_space<semaphore_mem>> -> memref<!tpu.dma_semaphore, #tpu.memory_space<semaphore_mem>>
        %dma_wait3A_280 = arith.constant 0 : i32
        %dma_wait3A_281 = tpu.memref_slice %arg3[%dma_wait3A_280] : memref<4194304xi32, #tpu.memory_space<hbm>> -> memref<2048xi32, #tpu.memory_space<hbm>>
        tpu.wait_dma2 semaphore(%dma_wait3A_279 : memref<!tpu.dma_semaphore, #tpu.memory_space<semaphore_mem>>) src(%dma_wait3A_281 : memref<2048xi32, #tpu.memory_space<hbm>>) dst(%arg11 : memref<2048xi32, #tpu.memory_space<vmem>>)
        %dma_wait3A_282 = arith.constant 3 : i32
        %dma_wait3A_283 = arith.constant 1 : i32
        %dma_wait3A_284 = arith.constant 0 : i32
        %dma_wait3A_285 = tpu.memref_slice %arg4[%dma_wait3A_284] : memref<4194304xf32, #tpu.memory_space<hbm>> -> memref<2048xf32, #tpu.memory_space<hbm>>
        %dma_wait3A_286 = tpu.memref_slice %arg27[%dma_wait3A_282, %dma_wait3A_283] : memref<4x2x!tpu.dma_semaphore, #tpu.memory_space<semaphore_mem>> -> memref<1x1x!tpu.dma_semaphore, #tpu.memory_space<semaphore_mem>>
        %dma_wait3A_287 = tpu.memref_squeeze %dma_wait3A_286 : memref<1x1x!tpu.dma_semaphore, #tpu.memory_space<semaphore_mem>> -> memref<!tpu.dma_semaphore, #tpu.memory_space<semaphore_mem>>
        %dma_wait3A_288 = arith.constant 0 : i32
        %dma_wait3A_289 = tpu.memref_slice %arg4[%dma_wait3A_288] : memref<4194304xf32, #tpu.memory_space<hbm>> -> memref<2048xf32, #tpu.memory_space<hbm>>
        tpu.wait_dma2 semaphore(%dma_wait3A_287 : memref<!tpu.dma_semaphore, #tpu.memory_space<semaphore_mem>>) src(%dma_wait3A_289 : memref<2048xf32, #tpu.memory_space<hbm>>) dst(%arg15 : memref<2048xf32, #tpu.memory_space<vmem>>)
        %dma_wait3A_290 = arith.constant 3 : i32
        %dma_wait3A_291 = arith.constant 0 : i32
        %dma_wait3A_292 = tpu.memref_slice %arg2[%dma_wait3A_291] : memref<4194304xi32, #tpu.memory_space<hbm>> -> memref<2048xi32, #tpu.memory_space<hbm>>
        %dma_wait3A_293 = tpu.memref_slice %arg28[%dma_wait3A_290] : memref<4x!tpu.dma_semaphore, #tpu.memory_space<semaphore_mem>> -> memref<1x!tpu.dma_semaphore, #tpu.memory_space<semaphore_mem>>
        %dma_wait3A_294 = tpu.memref_squeeze %dma_wait3A_293 : memref<1x!tpu.dma_semaphore, #tpu.memory_space<semaphore_mem>> -> memref<!tpu.dma_semaphore, #tpu.memory_space<semaphore_mem>>
        %dma_wait3A_295 = arith.constant 0 : i32
        %dma_wait3A_296 = tpu.memref_slice %arg2[%dma_wait3A_295] : memref<4194304xi32, #tpu.memory_space<hbm>> -> memref<2048xi32, #tpu.memory_space<hbm>>
        tpu.wait_dma2 semaphore(%dma_wait3A_294 : memref<!tpu.dma_semaphore, #tpu.memory_space<semaphore_mem>>) src(%dma_wait3A_296 : memref<2048xi32, #tpu.memory_space<hbm>>) dst(%arg19 : memref<2048xi32, #tpu.memory_space<vmem>>)
        %ge3A_297 = arith.constant 2 : i32
        %ge3A_298 = arith.cmpi sge, %add3A_266, %ge3A_297 : i32
        %convert_element_type3A_299 = arith.extui %ge3A_298 : i1 to i32
        %cond3A_300 = arith.constant 0 : i32
        %cond3A_301 = arith.cmpi ne, %convert_element_type3A_299, %cond3A_300 : i32
        scf.if %cond3A_301 {
          %dma_wait3A_310 = arith.constant 1 : i32
          %dma_wait3A_311 = arith.constant 0 : i32
          %dma_wait3A_312 = tpu.memref_slice %arg25[%dma_wait3A_311] : memref<65536xf32, #tpu.memory_space<vmem_shared>> -> memref<65536xf32, #tpu.memory_space<vmem_shared>>
          %dma_wait3A_313 = tpu.memref_slice %arg29[%dma_wait3A_310] : memref<2x!tpu.dma_semaphore, #tpu.memory_space<semaphore_mem>> -> memref<1x!tpu.dma_semaphore, #tpu.memory_space<semaphore_mem>>
          %dma_wait3A_314 = tpu.memref_squeeze %dma_wait3A_313 : memref<1x!tpu.dma_semaphore, #tpu.memory_space<semaphore_mem>> -> memref<!tpu.dma_semaphore, #tpu.memory_space<semaphore_mem>>
          tpu.wait_indirect_dma semaphore(%dma_wait3A_314 : memref<!tpu.dma_semaphore, #tpu.memory_space<semaphore_mem>>) src(%arg21 : memref<2048xf32, #tpu.memory_space<vmem>>) dst(%dma_wait3A_312 : memref<65536xf32, #tpu.memory_space<vmem_shared>>)
        } else {
        }
        %parallel_loop3A_302 = arith.constant 0 : i32
        %parallel_loop3A_303 = arith.constant 128 : i32
        %parallel_loop3A_304 = arith.constant 1 : i32
        scf.for %parallel_loop3A_310 = %parallel_loop3A_302 to %parallel_loop3A_303 step %parallel_loop3A_304  : i32 {
          %parallel_loop3A_311 = arith.constant 16 : i32
          %parallel_loop3A_312 = arith.muli %parallel_loop3A_310, %parallel_loop3A_311 : i32
          %parallel_loop3A_313 = arith.index_cast %parallel_loop3A_312 : i32 to index
          %parallel_loop3A_314 = tpu.vector_load %arg11[%parallel_loop3A_313] {strides = array<i32>} : memref<2048xi32, #tpu.memory_space<vmem>>, vector<16xi32>,
          %parallel_loop3A_315 = arith.constant 16 : i32
          %parallel_loop3A_316 = arith.muli %parallel_loop3A_310, %parallel_loop3A_315 : i32
          %parallel_loop3A_317 = arith.index_cast %parallel_loop3A_316 : i32 to index
          %parallel_loop3A_318 = tpu.vector_load %arg15[%parallel_loop3A_317] {strides = array<i32>} : memref<2048xf32, #tpu.memory_space<vmem>>, vector<16xf32>,
          %parallel_loop3A_319 = tpu.vector_load_idx %arg7[%parallel_loop3A_314] : memref<65536xf32, #tpu.memory_space<vmem>>[vector<16xi32>], vector<16xf32>,
          %parallel_loop3A_320 = arith.mulf %parallel_loop3A_318, %parallel_loop3A_319 : vector<16xf32>
          %parallel_loop3A_321 = arith.constant 16 : i32
          %parallel_loop3A_322 = arith.muli %parallel_loop3A_310, %parallel_loop3A_321 : i32
          %parallel_loop3A_323 = arith.index_cast %parallel_loop3A_322 : i32 to index
          %parallel_loop3A_324 = tpu.vector_load %arg21[%parallel_loop3A_323] {strides = array<i32>} : memref<2048xf32, #tpu.memory_space<vmem>>, vector<16xf32>,
          tpu.vector_store %arg21[%parallel_loop3A_323], %parallel_loop3A_320 {strides = array<i32>} : memref<2048xf32, #tpu.memory_space<vmem>>, vector<16xf32>,
        } {sc.loop_unroll_factor = 4 : i64, sc.parallel_access}
        %dma_start3A_305 = arith.constant 1 : i32
        %dma_start3A_306 = arith.constant 0 : i32
        %dma_start3A_307 = tpu.memref_slice %arg25[%dma_start3A_306] : memref<65536xf32, #tpu.memory_space<vmem_shared>> -> memref<65536xf32, #tpu.memory_space<vmem_shared>>
        %dma_start3A_308 = tpu.memref_slice %arg29[%dma_start3A_305] : memref<2x!tpu.dma_semaphore, #tpu.memory_space<semaphore_mem>> -> memref<1x!tpu.dma_semaphore, #tpu.memory_space<semaphore_mem>>
        %dma_start3A_309 = tpu.memref_squeeze %dma_start3A_308 : memref<1x!tpu.dma_semaphore, #tpu.memory_space<semaphore_mem>> -> memref<!tpu.dma_semaphore, #tpu.memory_space<semaphore_mem>>
        tpu.enqueue_indirect_dma source(%arg21 : memref<2048xf32, #tpu.memory_space<vmem>>) target(%dma_start3A_307 : memref<65536xf32, #tpu.memory_space<vmem_shared>>) offsets(%arg19 : memref<2048xi32, #tpu.memory_space<vmem>>) semaphore(%dma_start3A_309 : memref<!tpu.dma_semaphore, #tpu.memory_space<semaphore_mem>>) {add = true}
      }
      %scan3A_113 = arith.constant 16 : i32
      %dma_wait3A_114 = arith.constant 0 : i32
      %dma_wait3A_115 = arith.constant 0 : i32
      %dma_wait3A_116 = tpu.memref_slice %arg25[%dma_wait3A_115] : memref<65536xf32, #tpu.memory_space<vmem_shared>> -> memref<65536xf32, #tpu.memory_space<vmem_shared>>
      %dma_wait3A_117 = tpu.memref_slice %arg29[%dma_wait3A_114] : memref<2x!tpu.dma_semaphore, #tpu.memory_space<semaphore_mem>> -> memref<1x!tpu.dma_semaphore, #tpu.memory_space<semaphore_mem>>
      %dma_wait3A_118 = tpu.memref_squeeze %dma_wait3A_117 : memref<1x!tpu.dma_semaphore, #tpu.memory_space<semaphore_mem>> -> memref<!tpu.dma_semaphore, #tpu.memory_space<semaphore_mem>>
      tpu.wait_indirect_dma semaphore(%dma_wait3A_118 : memref<!tpu.dma_semaphore, #tpu.memory_space<semaphore_mem>>) src(%arg20 : memref<2048xf32, #tpu.memory_space<vmem>>) dst(%dma_wait3A_116 : memref<65536xf32, #tpu.memory_space<vmem_shared>>)
      %dma_wait3A_119 = arith.constant 1 : i32
      %dma_wait3A_120 = arith.constant 0 : i32
      %dma_wait3A_121 = tpu.memref_slice %arg25[%dma_wait3A_120] : memref<65536xf32, #tpu.memory_space<vmem_shared>> -> memref<65536xf32, #tpu.memory_space<vmem_shared>>
      %dma_wait3A_122 = tpu.memref_slice %arg29[%dma_wait3A_119] : memref<2x!tpu.dma_semaphore, #tpu.memory_space<semaphore_mem>> -> memref<1x!tpu.dma_semaphore, #tpu.memory_space<semaphore_mem>>
      %dma_wait3A_123 = tpu.memref_squeeze %dma_wait3A_122 : memref<1x!tpu.dma_semaphore, #tpu.memory_space<semaphore_mem>> -> memref<!tpu.dma_semaphore, #tpu.memory_space<semaphore_mem>>
      tpu.wait_indirect_dma semaphore(%dma_wait3A_123 : memref<!tpu.dma_semaphore, #tpu.memory_space<semaphore_mem>>) src(%arg21 : memref<2048xf32, #tpu.memory_space<vmem>>) dst(%dma_wait3A_121 : memref<65536xf32, #tpu.memory_space<vmem_shared>>)
    } else {
    }
    %barrier3A_103 = arith.constant 0 : index
    tpu.barrier barrier_id(%barrier3A_103)
    %mul3A_104 = arith.constant 4096 : i32
    %mul3A_105 = arith.muli %arg1, %mul3A_104 : i32
    %mul3A_106 = arith.constant 4096 : i32
    %mul3A_107 = arith.muli %arg1, %mul3A_106 : i32
    "tpu.region"() ({
      %run_scoped3A = tpu.sem_alloc : memref<!tpu.dma_semaphore, #tpu.memory_space<semaphore_mem>>
      %dma_start3A_108 = tpu.memref_slice %arg6[%arg0, %mul3A_107] : memref<2x65536xf32, #tpu.memory_space<hbm>> -> memref<1x4096xf32, #tpu.memory_space<hbm>>
      %dma_start3A_109 = tpu.memref_squeeze %dma_start3A_108 : memref<1x4096xf32, #tpu.memory_space<hbm>> -> memref<4096xf32, #tpu.memory_space<hbm>>
      %dma_start3A_110 = tpu.memref_slice %arg25[%mul3A_105] : memref<65536xf32, #tpu.memory_space<vmem_shared>> -> memref<4096xf32, #tpu.memory_space<vmem_shared>>
      tpu.enqueue_dma source(%dma_start3A_110 : memref<4096xf32, #tpu.memory_space<vmem_shared>>) target(%dma_start3A_109 : memref<4096xf32, #tpu.memory_space<hbm>>) target_semaphore(%run_scoped3A : memref<!tpu.dma_semaphore, #tpu.memory_space<semaphore_mem>>)
      %dma_wait3A_111 = tpu.memref_slice %arg6[%arg0, %mul3A_107] : memref<2x65536xf32, #tpu.memory_space<hbm>> -> memref<1x4096xf32, #tpu.memory_space<hbm>>
      %dma_wait3A_112 = tpu.memref_squeeze %dma_wait3A_111 : memref<1x4096xf32, #tpu.memory_space<hbm>> -> memref<4096xf32, #tpu.memory_space<hbm>>
      %dma_wait3A_113 = tpu.memref_slice %arg25[%mul3A_105] : memref<65536xf32, #tpu.memory_space<vmem_shared>> -> memref<4096xf32, #tpu.memory_space<vmem_shared>>
      tpu.wait_dma2 semaphore(%run_scoped3A : memref<!tpu.dma_semaphore, #tpu.memory_space<semaphore_mem>>) src(%dma_wait3A_113 : memref<4096xf32, #tpu.memory_space<vmem_shared>>) dst(%dma_wait3A_112 : memref<4096xf32, #tpu.memory_space<hbm>>)
      tpu.yield
    }) : () -> ()
    return
  }
}

module attributes {stable_mosaic.version = 14 : i64} {
  func.func @_finish_body(%arg0: memref<2x512x128xf32, #tpu.memory_space<vmem>>, %arg1: memref<512x128xf32, #tpu.memory_space<vmem>>, %arg2: memref<512x128xf32, #tpu.memory_space<vmem>>, %arg3: memref<1x1xf32, #tpu.memory_space<smem>>) attributes {dimension_semantics = [], scalar_prefetch = 0 : i64, scratch_operands = 0 : i64, tpu.core_type = #tpu.core_type<tc>} {
    %get3A = arith.constant 0 : index
    %get3A_0 = arith.constant 0 : index
    %get3A_1 = arith.constant 0 : index
    %get3A_2 = vector.load %arg0[%get3A, %get3A_0, %get3A_1] : memref<2x512x128xf32, #tpu.memory_space<vmem>>, vector<1x512x128xf32>
    %get3A_3 = vector.shape_cast %get3A_2 : vector<1x512x128xf32> to vector<512x128xf32>
    %get3A_4 = arith.constant 1 : index
    %get3A_5 = arith.constant 0 : index
    %get3A_6 = arith.constant 0 : index
    %get3A_7 = vector.load %arg0[%get3A_4, %get3A_5, %get3A_6] : memref<2x512x128xf32, #tpu.memory_space<vmem>>, vector<1x512x128xf32>
    %get3A_8 = vector.shape_cast %get3A_7 : vector<1x512x128xf32> to vector<512x128xf32>
    %add3A = arith.addf %get3A_3, %get3A_8 : vector<512x128xf32>
    %get3A_9 = arith.constant 0 : index
    %get3A_10 = arith.constant 0 : index
    %get3A_11 = vector.load %arg1[%get3A_9, %get3A_10] : memref<512x128xf32, #tpu.memory_space<vmem>>, vector<512x128xf32>
    %sub3A = arith.subf %add3A, %get3A_11 : vector<512x128xf32>
    %get3A_12 = arith.constant 0 : index
    %get3A_13 = arith.constant 0 : index
    %get3A_14 = vector.load %arg2[%get3A_12, %get3A_13] : memref<512x128xf32, #tpu.memory_space<vmem>>, vector<512x128xf32>
    %neg3A = arith.constant 0.000000e+00 : f32
    %neg3A_15 = vector.broadcast %neg3A : f32 to vector<512x128xf32>
    %neg3A_16 = arith.subf %neg3A_15, %sub3A : vector<512x128xf32>
    %max3A = arith.constant 0.000000e+00 : f32
    %max3A_17 = vector.broadcast %max3A : f32 to vector<512x128xf32>
    %max3A_18 = arith.maximumf %neg3A_16, %max3A_17 : vector<512x128xf32>
    %mul3A = arith.mulf %get3A_14, %max3A_18 : vector<512x128xf32>
    %add3A_19 = arith.addf %sub3A, %mul3A : vector<512x128xf32>
    %abs3A = math.absf %add3A_19 : vector<512x128xf32>
    %reduce_max3A = vector.shape_cast %abs3A : vector<512x128xf32> to vector<1x512x128xf32>
    %reduce_max3A_20 = arith.constant dense<0xFF800000> : vector<1xf32>
    %reduce_max3A_21 = vector.multi_reduction <maximumf>, %reduce_max3A, %reduce_max3A_20 [1, 2] : vector<1x512x128xf32> to vector<1xf32>
    %reduce_max3A_22 = vector.shape_cast %reduce_max3A_21 : vector<1xf32> to vector<1x1x1xf32>
    %reduce_max3A_23 = vector.extract %reduce_max3A_22[0, 0, 0] : f32 from vector<1x1x1xf32>
    %get3A_24 = arith.constant 0 : index
    %get3A_25 = arith.constant 0 : index
    %get3A_26 = vector.load %arg1[%get3A_24, %get3A_25] : memref<512x128xf32, #tpu.memory_space<vmem>>, vector<512x128xf32>
    %abs3A_27 = math.absf %get3A_26 : vector<512x128xf32>
    %reduce_max3A_28 = vector.shape_cast %abs3A_27 : vector<512x128xf32> to vector<1x512x128xf32>
    %reduce_max3A_29 = arith.constant dense<0xFF800000> : vector<1xf32>
    %reduce_max3A_30 = vector.multi_reduction <maximumf>, %reduce_max3A_28, %reduce_max3A_29 [1, 2] : vector<1x512x128xf32> to vector<1xf32>
    %reduce_max3A_31 = vector.shape_cast %reduce_max3A_30 : vector<1xf32> to vector<1x1x1xf32>
    %reduce_max3A_32 = vector.extract %reduce_max3A_31[0, 0, 0] : f32 from vector<1x1x1xf32>
    %add3A_33 = arith.constant 1.000000e+00 : f32
    %add3A_34 = arith.addf %add3A_33, %reduce_max3A_32 : f32
    %div3A = arith.divf %reduce_max3A_23, %add3A_34 : f32
    %swap3A = arith.constant 0 : index
    %swap3A_35 = arith.constant 0 : index
    %swap3A_36 = memref.load %arg3[%swap3A, %swap3A_35] : memref<1x1xf32, #tpu.memory_space<smem>>
    memref.store %div3A, %arg3[%swap3A, %swap3A_35] : memref<1x1xf32, #tpu.memory_space<smem>>
    return
  }
}

</mosaic_0001>

<sc_bundles>
// kernel: kernel.4.cloned.1.call-start
scs
__scs_entry_jumppad:
0x0: {  	(pc) =	sbr.rel $0x88, $3  }
0x1: {  	(tag) =	ssettag $0x0;
	lr =	simm.s32 $0x1  }
0x2: {  	[smem:$0x3F9B] =	sst lr;
	_ =	strace $0xD0000000  }
0x3: {  	_ = 	snop  }
0x4: {  	_ = 	snop  }
0x5: {  	_ = 	snop  }
0x6: {  	_ = 	snop  }
0x7: {  	_ = 	snop  }
__scs_overlays_trampoline_lowered:
0x8: {  	[smem:$0x3FAA] =	sst s0  }
0x9: {  	[smem:$0x3FAB] =	sst s1  }
0xa: {  	[smem:$0x3FAC] =	sst s2  }
0xb: {  	[smem:$0x3FAD] =	sst s3  }
0xc: {  	[smem:$0x3FAE] =	sst s4  }
0xd: {  	[smem:$0x3FAF] =	sst s5  }
0xe: {  	[smem:$0x3FB0] =	sst s6  }
0xf: {  	[smem:$0x3FB1] =	sst s7  }
0x10: {  	[smem:$0x3FB2] =	sst s8  }
0x11: {  	[smem:$0x3FB3] =	sst s9;
	s0 =	simm.s32 @!p0 $0x0  }
0x12: {  	s1 =	sld [smem:$0x3F99];
	s0 =	simm.s32 @p0 $0x1  }
0x13: {  	[smem:$0x3FB4] =	sst s0;
	s0 =	simm.s32 @!p1 $0x0  }
0x14: {  	s2 =	sld [smem:$0x3F98];
	s0 =	simm.s32 @p1 $0x1  }
0x15: {  	[smem:$0x3FB5] =	sst s0;
	s0 =	simm.s32 @!p2 $0x0  }
0x16: {  	s3 =	sld [smem:$0x3FDB];
	s0 =	simm.s32 @p2 $0x1  }
0x17: {  	s4 =	simm.s32 $0x1BF5;
	[smem:$0x3FB7] =	sst s0  }
0x18: {  	s0 =	sld [smem:$0x3F9A];
	_ =	swait.ge [sflag:s4], $0x0  }
0x19: {  	s7 =	sld [smem:$0x3F9B]  }
0x1a: {  	s8 =	sadd.s32 $0xFFFFE003, lr  }
0x1b: {  	s9 =	sadd.s32 $0xFFFFFEF7, lr;
	s5 =	simm.s32 $0xFFFFFFFF;
	p2 =	slt.u32 s8, $0xFFFFF086  }
0x1c: {  	p1 =	slt.u32 s9, $0xF7A;
	s5 =	simm.s32 @!p2 $0x0  }
0x1d: {  	s5 =	simm.s32 @p1 $0x1;
	p0 =	seq.s32 s7, s2  }
0x1e: {  	s7 =	smul.u32 @!p0 $0xF7A, s2;
	p2 =	seq.s32 @!p0 s5, $0x0  }
0x1f: {  	s9 =	smul.u32 $0xF7A, s1;
	s8 =	simm.s32 @!p0 $0x1BF5;
	p2 =	por !p2, p0  }
0x20: {  	[sflag:s8] =	ssyncset.s32 @!p0 $0xFFFFF086;
	s6 =	sadd.s32 @!p0 s3, s7;
	s7 =	simm.s32 @!p0 $0x108  }
0x21: {  	s3 =	sadd.s32 s3, s9;
	s6 =	sadd.s32 @!p0 $0x88, s6;
	s7 =	simm.s32 @p2 $0x1082  }
0x22: {  	[simem:s7], [sflag:s8] =	dma.local @!p0 [hbm:s6], $0xF7A  }
0x23: {  	s9 =	sor.u32 $0xD0000000, s2;
	s6 =	simm.s32 $0x108;
	_ =	swait.ge @!p0 [sflag:s8], $0x0  }
0x24: {  	s3 =	sadd.s32 $0x88, s3;
	s6 =	simm.s32 @!p1 $0x1082;
	[sflag:s4] =	ssyncset.s32 $0xFFFFF086  }
0x25: {  	[simem:s6], [sflag:s4] =	dma.local [hbm:s3], $0xF7A  }
0x26: {  	[smem:$0x3F9B] =	sst s1;
	(tag) =	ssettag s2;
	_ =	strace s9  }
0x27: {  	s1 =	sld [smem:$0x3FAB]  }
0x28: {  	s2 =	sld [smem:$0x3FAC]  }
0x29: {  	s4 =	sld [smem:$0x3FAE]  }
0x2a: {  	p0 =	seq.s32 s5, $0x0;
	s5 =	sld [smem:$0x3FAF]  }
0x2b: {  	s6 =	sld [smem:$0x3FB0]  }
0x2c: {  	s7 =	sld [smem:$0x3FB1]  }
0x2d: {  	s3 =	simm.s32 $0x108;
	s8 =	sld [smem:$0x3FB2]  }
0x2e: {  	s3 =	simm.s32 @!p0 $0x1082;
	s9 =	sld [smem:$0x3FB3]  }
0x2f: {  	lr =	sadd.s32 s0, s3;
	s0 =	sld [smem:$0x3FAA]  }
0x30: {  	s3 =	sld [smem:$0x3FAD]  }
0x31: {  	[smem:$0x3FB6] =	sst s10  }
0x32: {  	s10 =	sld [smem:$0x3FB4];
	_ =	sdelay $0x3  }
0x33: {  	p0 =	seq.s32 s10, $0x1;
	s10 =	sld [smem:$0x3FB6];
	_ =	sdelay $0x3  }
0x34: {  	[smem:$0x3FB6] =	sst s10  }
0x35: {  	s10 =	sld [smem:$0x3FB5];
	_ =	sdelay $0x3  }
0x36: {  	p1 =	seq.s32 s10, $0x1;
	s10 =	sld [smem:$0x3FB6];
	_ =	sdelay $0x3  }
0x37: {  	[smem:$0x3FB6] =	sst s10  }
0x38: {  	s10 =	sld [smem:$0x3FB7]  }
0x39: {  	_ = 	snop;
	(pc) =	sbr.ind lr, $3  }
0x3a: {  	_ = 	snop  }
0x3b: {  	_ = 	snop  }
0x3c: {  	p2 =	seq.s32 s10, $0x1;
	s10 =	sld [smem:$0x3FB6]  }
0x3d: {  	_ =	shalt  }
0x3e: {  	_ =	shalt  }
0x3f: {  	_ =	shalt  }
0x40: {  	_ =	shalt  }
0x41: {  	_ =	shalt  }
0x42: {  	_ =	shalt  }
0x43: {  	_ =	shalt  }
0x44: {  	_ =	shalt  }
0x45: {  	_ =	shalt  }
0x46: {  	_ =	shalt  }
0x47: {  	_ =	shalt  }
0x48: {  	_ =	shalt  }
0x49: {  	_ =	shalt  }
0x4a: {  	_ =	shalt  }
0x4b: {  	_ =	shalt  }
0x4c: {  	_ =	shalt  }
0x4d: {  	_ =	shalt  }
0x4e: {  	_ =	shalt  }
0x4f: {  	_ =	shalt  }
0x50: {  	_ =	shalt  }
0x51: {  	_ =	shalt  }
0x52: {  	_ =	shalt  }
0x53: {  	_ =	shalt  }
0x54: {  	_ =	shalt  }
0x55: {  	_ =	shalt  }
0x56: {  	_ =	shalt  }
0x57: {  	_ =	shalt  }
0x58: {  	_ =	shalt  }
0x59: {  	_ =	shalt  }
0x5a: {  	_ =	shalt  }
0x5b: {  	_ =	shalt  }
0x5c: {  	_ =	shalt  }
0x5d: {  	_ =	shalt  }
0x5e: {  	_ =	shalt  }
0x5f: {  	_ =	shalt  }
0x60: {  	_ =	shalt  }
0x61: {  	_ =	shalt  }
0x62: {  	_ =	shalt  }
0x63: {  	_ =	shalt  }
0x64: {  	_ =	shalt  }
0x65: {  	_ =	shalt  }
0x66: {  	_ =	shalt  }
0x67: {  	_ =	shalt  }
0x68: {  	_ =	shalt  }
0x69: {  	_ =	shalt  }
0x6a: {  	_ =	shalt  }
0x6b: {  	_ =	shalt  }
0x6c: {  	_ =	shalt  }
0x6d: {  	_ =	shalt  }
0x6e: {  	_ =	shalt  }
0x6f: {  	_ =	shalt  }
0x70: {  	_ =	shalt  }
0x71: {  	_ =	shalt  }
0x72: {  	_ =	shalt  }
0x73: {  	_ =	shalt  }
0x74: {  	_ =	shalt  }
0x75: {  	_ =	shalt  }
0x76: {  	_ =	shalt  }
0x77: {  	_ =	shalt  }
0x78: {  	_ =	shalt  }
0x79: {  	_ =	shalt  }
0x7a: {  	_ =	shalt  }
0x7b: {  	_ =	shalt  }
0x7c: {  	_ =	shalt  }
0x7d: {  	_ =	shalt  }
0x7e: {  	_ =	shalt  }
0x7f: {  	_ =	shalt  }
0x80: {  	_ =	shalt  }
0x81: {  	_ =	shalt  }
0x82: {  	_ =	shalt  }
0x83: {  	_ =	shalt  }
0x84: {  	_ =	shalt  }
0x85: {  	_ =	shalt  }
0x86: {  	_ =	shalt  }
0x87: {  	_ =	shalt  }
.Lfunc_end0:
.L_simem_size_0:
called_computation_lowered:
.L_overlay_start_0:
0x88: {  	s2 =	sld [smem:$0x3FD9]  }
0x89: {  	s3 =	sld [smem:$0x3FFE];
	_ =	sdelay $0x1  }
0x8a: {  	s1 =	srdreg.scid  }
0x8b: {  	s0 =	sand.u32 $0x1, s1  }
0x8c: {  	s17 =	sshll.u32 s0, $0xA;
	s2 =	sadd.s32 s3, s2  }
0x8d: {  	s2 =	sadd.s32 s2, s17  }
0x8e: {  	[smem:$0x3FC2] =	sst s2  }
0x8f: {  	_ = 	snop  }
0x90: {  	s2 =	sld [smem:$0x3FC9]  }
0x91: {  	s18 =	sld [smem:$0x3FC8]  }
0x92: {  	s4 =	sld [smem:$0x3FC7]  }
0x93: {  	s5 =	sld [smem:$0x3FC5];
	(tm) =	ssettm $0x1  }
0x94: {  	s6 =	sld [smem:$0x3FFB];
	_ =	sdelay $0x3  }
0x95: {  	_ =	strace s6  }
0x96: {  	s6 =	sld [smem:$0x3FFC];
	_ =	sdelay $0x3  }
0x97: {  	_ =	strace s6  }
0x98: {  	s6 =	sld [smem:$0x3FFD];
	_ =	sdelay $0x3  }
0x99: {  	_ =	strace s6  }
0x9a: {  	_ =	strace $0x8FFFFFFF  }
0x9b: {  	s19 =	sld [smem:$0x3FDB];
	_ =	sdelay $0x1  }
0x9c: {  	s7 =	simm.s32 $_scs_section_size  }
0x9d: {  	s8 =	simm.s32 $_size__tile_overlayer_lowered;
	s9 =	simm.s32 $_tile_overlayer_lowered  }
0x9e: {  	s22 =	simm.s32 $0x1BFF;
	s21 =	sshll.u32 s9, $0x1;
	s6 =	sadd.s32 s7, s19  }
0x9f: {  	s10 =	simm.s32 $0x0;
	s20 =	sshll.u32 s8, $0x1;
	s8 =	sadd.s32 s21, s6  }
0xa0: {  	[timem:s10], [sflag:s22] =	dma.local [hbm:s8], s20  }
0xa1: {  	_ =	swait.ge [sflag:s22], s20  }
0xa2: {  	s7 =	ssub.s32 $0x0, s20;
	[sflag:s22] =	ssyncset.done $0x0  }
0xa3: {  	[sflag:s22] =	ssyncadd.s32 s7;
	_ =	sdelay $0x1  }
0xa4: {  	s23 =	simm.s32 $0x1B8B  }
0xa5: {  	_ =	swait.ge [sflag:s23], $0x1  }
0xa6: {  	[sflag:s23] =	ssyncset.done $0x0  }
0xa7: {  	s25 =	simm.s32 $0x1B8E;
	s24 =	sld [smem:$0x3FFE];
	[sflag:s23] =	ssyncadd.s32 $0xFFFFFFFF  }
0xa8: {  	s26 =	simm.s32 $execute0_lowered;
	[smem:$0x3FD2] =	sst s25  }
0xa9: {  	s8 =	sshll.u32 s26, $0x1;
	_ =	strace $0x80000046;
	[dreg:$0x1] =	wrdreg $0xFFFFFFFF  }
0xaa: {  	s28 =	simm.s32 $_size_execute0_lowered;
	s6 =	sadd.s32 s6, s8;
	[dreg:$0x0] =	wrdreg $0x0  }
0xab: {  	s8 =	sshll.u32 s28, $0x1;
	[dreg:$0x2] =	wrdreg s6  }
0xac: {  	[dreg:$0x3] =	wrdreg s8  }
0xad: {  	[dreg:$0x4] =	wrdreg $0xC0  }
0xae: {  	_ =	task [dreg:s10], $0x5FFFF  }
0xaf: {  	[dreg:$0x1] =	wrdreg $0xFFFFFFFF  }
0xb0: {  	[dreg:$0x0] =	wrdreg $0x60  }
0xb1: {  	[dreg:$0x2] =	wrdreg s2  }
0xb2: {  	[dreg:$0x3] =	wrdreg s18  }
0xb3: {  	[dreg:$0x4] =	wrdreg s4  }
0xb4: {  	[dreg:$0x5] =	wrdreg s5  }
0xb5: {  	[dreg:$0x6] =	wrdreg s24  }
0xb6: {  	[dreg:$0x7] =	wrdreg $0x1EA000  }
0xb7: {  	[dreg:$0x8] =	wrdreg $0x9  }
0xb8: {  	_ =	task.clear_ibuf [dreg:s10], $0x9FFFF;
	_ =	strace $0x90000046  }
0xb9: {  	s29 =	simm.s32 $0x9;
	_ =	strace $0x80000048  }
0xba: {  	_ =	swait.ge [sflag:s29], $0x1  }
0xbb: {  	[sflag:s29] =	ssyncadd.s32 $0xFFFFFFFF  }
0xbc: {  	_ =	strace $0x90000048  }
0xbd: {  	_ =	sfence  }
0xbe: {  	s30 =	sld [smem:$0x0];
	_ =	sdelay $0x2  }
0xbf: {  	s31 =	sshll.u32 s1, $0xD;
	s1 =	sshrl.u32 s1, $0x2  }
0xc0: {  	s3 =	sand.u32 $0x4000, s31;
	s1 =	sadd.s32 s1, s30  }
0xc1: {  	s0 =	sor.u32 s3, s0;
	s1 =	sshll.u32 s1, $0x11  }
0xc2: {  	s0 =	sor.u32 s1, s0  }
0xc3: {  	s0 =	sadd.s32 $0x8F2B, s0  }
0xc4: {  	[sflag:s0] =	ssyncadd.remote.s32 $0x1  }
0xc5: {  	_ =	sfence.sel $0xFFFF  }
0xc6: {  	[dreg:$0x0] =	wrdreg $0xFFFFFFFF;
	(pc) =	sbr.abs _section_cstart, $3  }
0xc7: {  	[dreg:$0x1] =	wrdreg $0xFFFFFFFF  }
0xc8: {  	_ =	task.clear_ibuf [dreg:s10], $0x2FFFF;
	_ =	strace $0x9FFFFFFF  }
0xc9: {  	(tm) =	ssettm $0x7FFFFFFF  }
tec
execute0_lowered:
.L_overlay_start_1:
0x0: {  	(tag) =	ssettag $0x1  }
0x1: {  	s5 =	rddreg [dreg:$0x0]  }
0x2: {  	s6 =	rddreg [dreg:$0x1]  }
0x3: {  	s8 =	rddreg [dreg:$0x2]  }
0x4: {  	s0 =	rddreg [dreg:$0x4]  }
0x5: {  	s9 =	rddreg [dreg:$0x5];
	s1 =	srdreg.scid  }
0x6: {  	s7 =	simm.s32 $0x0;
	s10 =	stileid.u32;
	s29 =	simm.s32 $0x15800  }
0x7: {  	s1 =	sand.u32 $0x1, s1;
	[smem:$0x7FF] =	sst s7;
	s2 =	sshll.u32 s10, $0x12  }
0x8: {  	s25 =	sshll.u32 s10, $0xC;
	s26 =	sshll.u32 s10, $0xA;
	s3 =	sshll.u32 s1, $0x11  }
0x9: {  	_ =	strace $0x80000047;
	s4 =	ssub.s32 $0x2, s1;
	s1 =	sshll.u32 s1, $0x4  }
0xa: {  	s17 =	sadd.s32 s25, s9;
	s11 =	sor.u32 s3, s2;
	s23 =	sshrl.u32 s4, $0x1  }
0xb: {  	s0 =	sadd.s32 s1, s0;
	[dreg:$0xb] =	wrdreg s17;
	s3 =	sshrl.u32 s11, $0x3  }
0xc: {  	s0 =	sadd.s32 s26, s0;
	s18 =	sor.u32 $0x2000, s11;
	[dreg:$0x7] =	wrdreg s11  }
0xd: {  	s24 =	ssub.s32 s4, s23;
	s0 =	sadd.s32 $0x800, s0;
	[dreg:$0x12] =	wrdreg s18  }
0xe: {  	s16 =	sor.u32 $0x3000, s11;
	s1 =	smax.u32 s24, $0x1;
	[dreg:$0x13] =	wrdreg s0  }
0xf: {  	s21 =	sor.u32 $0x2800, s11;
	s12 =	sadd.s32 s3, s6;
	[dreg:$0x14] =	wrdreg s1  }
0x10: {  	s4 =	simm.s32 $0x9;
	s13 =	sadd.s32 s3, s8;
	[dreg:$0x8] =	wrdreg s12  }
0x11: {  	s14 =	sadd.s32 s3, s5;
	s28 =	sor.u32 $0x100, s3;
	[dreg:$0x9] =	wrdreg s13  }
0x12: {  	s3 =	sor.u32 $0x200, s3;
	s30 =	sadd.s32 s6, s28;
	[dreg:$0xa] =	wrdreg s14  }
0x13: {  	s19 =	sshrl.u32 s16, $0x3;
	s31 =	sadd.s32 s8, s28;
	[dreg:$0xc] =	wrdreg s30  }
0x14: {  	s22 =	sshrl.u32 s21, $0x3;
	s2 =	sadd.s32 s5, s28;
	[dreg:$0xd] =	wrdreg s31  }
0x15: {  	s23 =	sshrl.u32 s18, $0x3;
	s9 =	sadd.s32 s6, s3;
	[dreg:$0xe] =	wrdreg s2  }
0x16: {  	s16 =	simm.s32 $0x17000;
	s10 =	sadd.s32 s8, s3;
	[dreg:$0xf] =	wrdreg s9  }
0x17: {  	s21 =	simm.s32 $0x2;
	s15 =	sadd.s32 s5, s3;
	[dreg:$0x10] =	wrdreg s10  }
0x18: {  	s18 =	simm.s32 $0xB;
	s20 =	sadd.s32 s19, s5;
	[dreg:$0x11] =	wrdreg s15  }
0x19: {  	s0 =	sadd.s32 s19, s6;
	s1 =	sadd.s32 s22, s8;
	[dreg:$0x15] =	wrdreg s20  }
0x1a: {  	s24 =	sadd.s32 s23, s5;
	s25 =	sadd.s32 s23, s8;
	[dreg:$0x17] =	wrdreg s0  }
0x1b: {  	s26 =	sadd.s32 s23, s6;
	s28 =	sadd.s32 $0x300, s13;
	[dreg:$0x1e] =	wrdreg s1  }
0x1c: {  	s13 =	simm.s32 $0x14000;
	s3 =	simm.s32 $0xC;
	[smem:$0x7FB] =	sst s24  }
0x1d: {  	s2 =	sadd.s32 s19, s8;
	s30 =	sadd.s32 s22, s5;
	[smem:$0x7FC] =	sst s25  }
0x1e: {  	s0 =	sadd.s32 s22, s6;
	[smem:$0x7FD] =	sst s26;
	s9 =	sadd.s32 $0x3FFE, s14  }
0x1f: {  	s25 =	sadd.s32 $0x300, s12;
	[dreg:$0x1b] =	wrdreg s28;
	s31 =	sadd.s32 $0x300, s14  }
0x20: {  	v0 =	vlaneseq.u32;
	s15 =	simm.s32 $0x1E000;
	s14 =	simm.s32 $0x1;
	[dreg:$0x16] =	wrdreg s2  }
.Ltmp0:
0x21: {  	v1 =	vmul.u32 $0x8, v0;
	s20 =	simm.s32 $0x10;
	[dreg:$0x1f] =	wrdreg s0;
	(pc) =	sbr.rel .LBB2_1-.Ltmp0, $4  }
0x22: {  	s12 =	simm.s32 $0x3;
	s8 =	simm.s32 $0xA;
	[dreg:$0x1c] =	wrdreg s31  }
0x23: {  	v2 =	vimm.f32 $0.0e+00;
	v3 =	vand.u32 $0x7, v0;
	v4 =	vor.u32 $0x1, v1;
	s19 =	simm.s32 $0x4;
	s10 =	simm.s32 $0x5;
	[dreg:$0x18] =	wrdreg s30  }
0x24: {  	v5 =	vor.u32 $0x2, v1;
	v6 =	vor.u32 $0x3, v1;
	v7 =	vor.u32 $0x4, v1;
	s1 =	simm.s32 $0x6;
	s26 =	simm.s32 $0xD;
	[dreg:$0x19] =	wrdreg s9  }
0x25: {  	v8 =	vor.u32 $0x5, v1;
	v9 =	vor.u32 $0x6, v1;
	v10 =	vor.u32 $0x7, v1;
	s2 =	simm.s32 $0x7;
	s0 =	simm.s32 $0x0;
	[dreg:$0x1a] =	wrdreg s25  }
.LBB2_33:
0x26: {  	s5 =	stileid.u32  }
0x27: {  	[bflag:$0x0] =	sbarrier.arrive $0xFFFF;
	s20 =	simm.s32 $0x1;
	s22 =	simm.s32 $0x10  }
0x28: {  	s0 =	simm.s32 $0x20;
	s5 =	sshll.u32 s5, $0x6;
	s17 =	rddreg [dreg:$0xb]  }
0x29: {  	s14 =	rddreg [dreg:$0x13];
	s5 =	sor.u32 $0x1C12, s5;
	s11 =	sshrl.u32 s17, $0x3  }
0x2a: {  	[hbm:s14@s0], [sflag:s5] =	dma.strided [spmem:s11@s22], $0x200, s20, $0x10   }
0x2b: {  	_ =	swait.ge [sflag:s6], $0x200  }
0x2c: {  	s30 =	rddreg [dreg:$0x1d]  }
0x2d: {  	s31 =	rddreg [dreg:$0x14];
	s0 =	sadd.s32 $0x1, s30  }
0x2e: {  	p0 =	sne.s32 s0, s31  }
.Ltmp1:
0x2f: {  	_ = 	snop;
	(pc) =	sbr.rel @!p0 .LBB2_34-.Ltmp1, $3  }
0x30: {  	_ =	sdelay $0x1  }
0x31: {  	s20 =	simm.s32 $0x10;
	[sflag:s6] =	ssyncset.done $0x0  }
0x32: {  	s14 =	simm.s32 $0x1;
	s9 =	rddreg [dreg:$0x19];
	[sflag:s6] =	ssyncadd.s32 $0xFFFFFE00  }
.LBB2_1:
0x33: {  	s5 =	rddreg [dreg:$0x3]  }
0x34: {  	[tilespmem:s7], [sflag:$0x1] =	stream.linear.gather [hbm4b:s5+s7], $0x10000, $0x38;
	[tilespmem:$0x1FA00] =	vst v63  }
0x35: {  	s24 =	rddreg [dreg:$0x8];
	s6 =	simm.s32 $0x10000  }
0x36: {  	[tilespmem:s6], [sflag:$0x2] =	stream.linear.gather [hbm4b:s24+s7], $0x800, $0x38;
	[tilespmem:$0x1FA00] =	vst v63  }
0x37: {  	s25 =	rddreg [dreg:$0x9];
	s28 =	simm.s32 $0x12000  }
0x38: {  	[tilespmem:s28], [sflag:$0x3] =	stream.linear.gather [hbm4b:s25+s7], $0x800, $0x38;
	[tilespmem:$0x1FA00] =	vst v63  }
0x39: {  	s30 =	rddreg [dreg:$0xa]  }
0x3a: {  	[tilespmem:s13], [sflag:$0xA] =	stream.linear.gather [hbm4b:s30+s7], $0x800, $0x38;
	[tilespmem:$0x1FA00] =	vst v63  }
0x3b: {  	[dreg:$0x1d] =	wrdreg s0  }
0x3c: {  	[tilespmem:s15], [sflag:$0x10] =	stream.linear.gather [hbm4b:s30+s7], $0x10, $0x38;
	[tilespmem:$0x1FA00] =	vst v63  }
0x3d: {  	s31 =	simm.s32 $0x1E010;
	s11 =	simm.s32 $0x0;
	s5 =	simm.s32 $0x40  }
0x3e: {  	[tilespmem:s31], [sflag:$0x11] =	stream.linear.gather [hbm4b:s9+s7], $0x10, $0x38;
	[tilespmem:$0x1FA00] =	vst v63  }
.LBB2_2:
0x3f: {  	p0 =	sne.s32 s5, $0x3FC0;
	[tilespmem:s11+$0x17000] =	vst v2;
	s11 =	smov.u32 s5;
	s5 =	sadd.s32 $0x40, s5  }
.Ltmp2:
0x40: {  	(pc) =	sbr.rel @p0 .LBB2_2-.Ltmp2, $2  }
0x41: {  	_ =	sdelay $0x2  }
0x42: {  	s11 =	sshra.s32 s11, $0x2  }
0x43: {  	[tilespmem:s11+$0x17000] =	vst v2;
	s6 =	simm.s32 $0x12  }
0x44: {  	[spmem:s17] =	stream.linear.scatter [tilespmem:s16], [sflag:$0x12], $0x1000, $0x38;
	[tilespmem:$0x1FA00] =	vst v63  }
0x45: {  	_ =	swait.ge [sflag:s6], $0x1000  }
0x46: {  	[sflag:s6] =	ssyncset.done $0x0  }
0x47: {  	[sflag:s6] =	ssyncadd.s32 $0xFFFFF000  }
0x48: {  	_ =	swait.ge [sflag:s14], $0x10000  }
0x49: {  	[sflag:s14] =	ssyncset.done $0x0  }
0x4a: {  	[sflag:s14] =	ssyncadd.s32 $0xFFFF0000  }
0x4b: {  	_ =	swait.ge [sflag:s20], $0x10  }
0x4c: {  	[sflag:s20] =	ssyncset.done $0x0  }
0x4d: {  	s5 =	simm.s32 $0x11;
	[sflag:s20] =	ssyncadd.s32 $0xFFFFFFF0  }
0x4e: {  	_ =	swait.ge [sflag:s5], $0x10  }
0x4f: {  	[sflag:s5] =	ssyncset.done $0x0  }
0x50: {  	[sflag:s5] =	ssyncadd.s32 $0xFFFFFFF0  }
0x51: {  	v11 =	vld [tilespmem:$0x1E000]  }
0x52: {  	v12 =	vld [tilespmem:$0x1E010];
	_ =	sdelay $0x3  }
0x53: {  	v11 =	vxor.u32 $0x80000000, v11  }
0x54: {  	(xrf0) =	vmin.scan.msk.u32 $0xffff, v11;
	v11 =	vxor.u32 $0x80000000, v12  }
0x55: {  	(xrf0) =	vmax.scan.msk.u32 $0xffff, v11;
	_ =	sdelay $0x4  }
0x56: {  	v11, _, _ =	vpop (xrf0)  }
0x57: {  	(v2sf) =	vpush v11, $0xF;
	v11, _, _ =	vpop (xrf0)  }
0x58: {  	(v2sf) =	vpush v11, $0xF;
	_ =	sdelay $0xd  }
0x59: {  	s25 =	spop (v2sf)  }
0x5a: {  	s28 =	spop (v2sf)  }
0x5b: {  	s0 =	sxor.u32 $0x80000000, s25;
	s31 =	sxor.u32 $0x80000000, s28  }
0x5c: {  	s30 =	ssub.s32 s31, s0  }
0x5d: {  	[smem:$0x7F9] =	sst s0;
	s0 =	sadd.s32 $0x1, s30  }
0x5e: {  	p0 =	sgt.s32 s0, $0xE00  }
.Ltmp3:
0x5f: {  	_ = 	snop;
	(pc) =	sbr.rel @p0 .LBB2_13-.Ltmp3, $3  }
0x60: {  	_ = 	snop  }
0x61: {  	[smem:$0x7FA] =	sst s0  }
0x62: {  	[bflag:$0x0] =	sbarrier.arrive $0xFFFF;
	_ =	sdelay $0x1  }
0x63: {  	s5 =	sadd.s32 $0x200, s30;
	s11 =	sand.u32 $0x1FF, s30  }
0x64: {  	s14 =	sshra.s32 s5, $0x1F;
	p0 =	slt.s32 s5, $0x1;
	p1 =	sne.s32 s11, $0x0  }
0x65: {  	s20 =	rddreg [dreg:$0x15];
	s31 =	sshrl.u32 s14, $0x17;
	p0 =	por !p0, !p1  }
0x66: {  	s11 =	simm.s32 $0x1;
	s5 =	sadd.s32 s31, s5;
	p0 =	por !p0, !p0  }
0x67: {  	s22 =	rddreg [dreg:$0x16];
	s5 =	sshra.s32 s5, $0x9;
	s11 =	simm.s32 @!p0 $0x0  }
0x68: {  	s23 =	rddreg [dreg:$0x17];
	s0 =	ssub.s32 s5, s11  }
0x69: {  	s24 =	rddreg [dreg:$0x18];
	p0 =	slt.s32 s0, $0x1  }
.Ltmp4:
0x6a: {  	s6 =	rddreg [dreg:$0x1a];
	(pc) =	sbr.rel @p0 .LBB2_7-.Ltmp4, $4  }
0x6b: {  	s13 =	rddreg [dreg:$0x1b]  }
0x6c: {  	s15 =	rddreg [dreg:$0x1c]  }
0x6d: {  	[smem:$0x7F8] =	sst s0  }
0x6e: {  	s17 =	simm.s32 $0x11800;
	s0 =	sld [smem:$0x7F9]  }
0x6f: {  	s1 =	sld [smem:$0x7F8];
	_ =	sdelay $0x2  }
0x70: {  	s11 =	sshll.u32 s1, $0x8  }
0x71: {  	p0 =	sne.s32 s11, $0x1  }
.Ltmp5:
0x72: {  	_ = 	snop;
	(pc) =	sbr.rel @!p0 .LBB2_7-.Ltmp5, $3  }
0x73: {  	_ =	sdelay $0x1  }
0x74: {  	s5 =	simm.s32 $0x17000  }
0x75: {  	[tilespmem:s5+$0x0] =	vst v2;
	s11 =	sadd.s32 $0xFFFFFFFF, s11  }
.LBB2_6:
0x76: {  	p0 =	sne.s32 s11, $0x1  }
.Ltmp6:
0x77: {  	_ = 	snop;
	(pc) =	sbr.rel @p0 .LBB2_6-.Ltmp6, $3  }
0x78: {  	_ =	sdelay $0x1  }
0x79: {  	s11 =	sadd.s32 $0xFFFFFFFF, s11;
	s5 =	sadd.s32 $0x10, s5  }
0x7a: {  	[tilespmem:s5+$0x0] =	vst v2  }
.LBB2_7:
0x7b: {  	[smem:$0x7F7] =	sst s30  }
0x7c: {  	s11 =	rddreg [dreg:$0xc]  }
0x7d: {  	s8 =	rddreg [dreg:$0xd]  }
0x7e: {  	s10 =	rddreg [dreg:$0xe]  }
0x7f: {  	s19 =	rddreg [dreg:$0x10]  }
0x80: {  	s5 =	simm.s32 $0x0;
	s14 =	simm.s32 $0x10800;
	s25 =	rddreg [dreg:$0x11]  }
0x81: {  	s9 =	simm.s32 $0x12800;
	s12 =	simm.s32 $0x14800;
	s30 =	sld [smem:$0x7FB]  }
0x82: {  	s18 =	simm.s32 $0x11000;
	s21 =	simm.s32 $0x13000;
	s29 =	rddreg [dreg:$0x1e]  }
0x83: {  	[tilespmem:s14], [sflag:$0x4] =	stream.linear.gather [hbm4b:s11+s5], $0x800, $0x38;
	[tilespmem:$0x1FA00] =	vst v63  }
0x84: {  	s26 =	simm.s32 $0x15000;
	s3 =	simm.s32 $0x7;
	s31 =	rddreg [dreg:$0x1f]  }
0x85: {  	[tilespmem:s9], [sflag:$0x5] =	stream.linear.gather [hbm4b:s8+s5], $0x800, $0x38;
	[tilespmem:$0x1FA00] =	vst v63  }
0x86: {  	s2 =	simm.s32 $0x6;
	s1 =	simm.s32 $0xB;
	s14 =	rddreg [dreg:$0xf]  }
0x87: {  	[tilespmem:s12], [sflag:$0xB] =	stream.linear.gather [hbm4b:s10+s5], $0x800, $0x38;
	[tilespmem:$0x1FA00] =	vst v63  }
0x88: {  	s28 =	simm.s32 $0xD;
	s4 =	simm.s32 $0x8;
	v11 =	vmov s0;
	s0 =	sld [smem:$0x7FC]  }
0x89: {  	[tilespmem:s18], [sflag:$0x6] =	stream.linear.gather [hbm4b:s14+s5], $0x800, $0x38;
	[tilespmem:$0x1FA00] =	vst v63  }
0x8a: {  	s8 =	simm.s32 $0x3;
	s9 =	sld [smem:$0x7FD];
	s10 =	simm.s32 $0x4  }
0x8b: {  	[tilespmem:s21], [sflag:$0x7] =	stream.linear.gather [hbm4b:s19+s5], $0x800, $0x38;
	[tilespmem:$0x1FA00] =	vst v63  }
0x8c: {  	s12 =	simm.s32 $0x2;
	s18 =	simm.s32 $0x5;
	s21 =	simm.s32 $0x13800  }
0x8d: {  	[tilespmem:s26], [sflag:$0xC] =	stream.linear.gather [hbm4b:s25+s5], $0x800, $0x38;
	[tilespmem:$0x1FA00] =	vst v63  }
0x8e: {  	s19 =	simm.s32 $0xA;
	s25 =	simm.s32 $0xC;
	s26 =	simm.s32 $0x9  }
.LBB2_8:
0x8f: {  	s11 =	sadd.s32 s5, s6  }
0x90: {  	[tilespmem:s17], [sflag:$0x8] =	stream.linear.gather [hbm4b:s11+s7], $0x800, $0x38;
	[tilespmem:$0x1FA00] =	vst v63  }
0x91: {  	s14 =	sadd.s32 s5, s13  }
0x92: {  	[tilespmem:s21], [sflag:$0x9] =	stream.linear.gather [hbm4b:s14+s7], $0x800, $0x38;
	[tilespmem:$0x1FA00] =	vst v63  }
0x93: {  	s17 =	sadd.s32 s5, s15;
	s14 =	simm.s32 $0x15800  }
0x94: {  	[tilespmem:s14], [sflag:$0xD] =	stream.linear.gather [hbm4b:s17+s7], $0x800, $0x38;
	[tilespmem:$0x1FA00] =	vst v63  }
0x95: {  	_ =	swait.ge [sflag:s12], $0x800  }
0x96: {  	[sflag:s12] =	ssyncset.done $0x0  }
0x97: {  	[sflag:s12] =	ssyncadd.s32 $0xFFFFF800  }
0x98: {  	_ =	swait.ge [sflag:s8], $0x800  }
0x99: {  	[sflag:s8] =	ssyncset.done $0x0  }
0x9a: {  	[sflag:s8] =	ssyncadd.s32 $0xFFFFF800  }
0x9b: {  	_ =	swait.ge [sflag:s19], $0x800  }
0x9c: {  	[sflag:s19] =	ssyncset.done $0x0  }
0x9d: {  	[sflag:s19] =	ssyncadd.s32 $0xFFFFF800  }
0x9e: {  	v12 =	vld [tilespmem:$0x14000];
	_ =	sdelay $0x2  }
0x9f: {  	v13 =	vld [tilespmem:$0x10000];
	_ =	sdelay $0x1  }
0xa0: {  	v14 =	vld [tilespmem:$0x12000];
	v12 =	vsub.s32 v12, v11  }
0xa1: {  	v12 =	vshll.u32 v12, $0x3  }
0xa2: {  	v12 =	vor.u32 v3, v12  }
0xa3: {  	v13 =	vcvt.s32.f32 v13;
	_ =	sdelay $0x1  }
0xa4: {  	v13 =	vmul.f32 v13, v14  }
0xa5: {  	p0 =	seq.s32 s5, $0x3C00  }
0xa6: {  	s11 =	sadd.s32 @!p0 s5, s9;
	s14 =	simm.s32 @!p0 $0x0;
	s17 =	simm.s32 @!p0 $0x10000;
	[tilespmem:v12+s16+$0x0] =	vst.idx.add.f32.msk $0xffff, v13  }
0xa7: {  	[tilespmem:s17], [sflag:$0x2] =	stream.linear.gather @!p0 [hbm4b:s11+s14], $0x800, $0x38;
	[tilespmem:$0x1FA00] =	vst v63  }
0xa8: {  	s11 =	sadd.s32 @!p0 s5, s0;
	s17 =	simm.s32 @!p0 $0x12000  }
0xa9: {  	[tilespmem:s17], [sflag:$0x3] =	stream.linear.gather @!p0 [hbm4b:s11+s14], $0x800, $0x38;
	[tilespmem:$0x1FA00] =	vst v63  }
0xaa: {  	s11 =	sadd.s32 @!p0 s5, s30;
	s17 =	simm.s32 @!p0 $0x14000  }
0xab: {  	[tilespmem:s17], [sflag:$0xA] =	stream.linear.gather @!p0 [hbm4b:s11+s14], $0x800, $0x38;
	[tilespmem:$0x1FA00] =	vst v63  }
0xac: {  	_ =	swait.ge [sflag:s10], $0x800  }
0xad: {  	[sflag:s10] =	ssyncset.done $0x0  }
0xae: {  	[sflag:s10] =	ssyncadd.s32 $0xFFFFF800  }
0xaf: {  	_ =	swait.ge [sflag:s18], $0x800  }
0xb0: {  	[sflag:s18] =	ssyncset.done $0x0  }
0xb1: {  	[sflag:s18] =	ssyncadd.s32 $0xFFFFF800  }
0xb2: {  	_ =	swait.ge [sflag:s1], $0x800  }
0xb3: {  	[sflag:s1] =	ssyncset.done $0x0  }
0xb4: {  	[sflag:s1] =	ssyncadd.s32 $0xFFFFF800  }
0xb5: {  	v55 =	vld [tilespmem:$0x14800];
	_ =	sdelay $0x2  }
0xb6: {  	v56 =	vld [tilespmem:$0x10800];
	_ =	sdelay $0x1  }
0xb7: {  	v57 =	vld [tilespmem:$0x12800];
	v12 =	vsub.s32 v55, v11  }
0xb8: {  	v12 =	vshll.u32 v12, $0x3  }
0xb9: {  	v12 =	vor.u32 v3, v12  }
0xba: {  	v13 =	vcvt.s32.f32 v56;
	_ =	sdelay $0x1  }
0xbb: {  	v13 =	vmul.f32 v13, v57;
	_ =	sdelay $0x1  }
0xbc: {  	s11 =	sadd.s32 @!p0 s5, s31;
	s17 =	simm.s32 @!p0 $0x10800;
	[tilespmem:v12+s16+$0x0] =	vst.idx.add.f32.msk $0xffff, v13  }
0xbd: {  	[tilespmem:s17], [sflag:$0x4] =	stream.linear.gather @!p0 [hbm4b:s11+s14], $0x800, $0x38;
	[tilespmem:$0x1FA00] =	vst v63  }
0xbe: {  	s11 =	sadd.s32 @!p0 s5, s29;
	s17 =	simm.s32 @!p0 $0x12800  }
0xbf: {  	[tilespmem:s17], [sflag:$0x5] =	stream.linear.gather @!p0 [hbm4b:s11+s14], $0x800, $0x38;
	[tilespmem:$0x1FA00] =	vst v63  }
0xc0: {  	s11 =	sadd.s32 @!p0 s5, s24;
	s17 =	simm.s32 @!p0 $0x14800  }
0xc1: {  	[tilespmem:s17], [sflag:$0xB] =	stream.linear.gather @!p0 [hbm4b:s11+s14], $0x800, $0x38;
	[tilespmem:$0x1FA00] =	vst v63  }
0xc2: {  	_ =	swait.ge [sflag:s2], $0x800  }
0xc3: {  	[sflag:s2] =	ssyncset.done $0x0  }
0xc4: {  	[sflag:s2] =	ssyncadd.s32 $0xFFFFF800  }
0xc5: {  	_ =	swait.ge [sflag:s3], $0x800  }
0xc6: {  	[sflag:s3] =	ssyncset.done $0x0  }
0xc7: {  	[sflag:s3] =	ssyncadd.s32 $0xFFFFF800  }
0xc8: {  	_ =	swait.ge [sflag:s25], $0x800  }
0xc9: {  	[sflag:s25] =	ssyncset.done $0x0  }
0xca: {  	[sflag:s25] =	ssyncadd.s32 $0xFFFFF800  }
0xcb: {  	v58 =	vld [tilespmem:$0x15000];
	_ =	sdelay $0x2  }
0xcc: {  	v59 =	vld [tilespmem:$0x11000];
	_ =	sdelay $0x1  }
0xcd: {  	v60 =	vld [tilespmem:$0x13000];
	v12 =	vsub.s32 v58, v11  }
0xce: {  	v12 =	vshll.u32 v12, $0x3  }
0xcf: {  	v12 =	vor.u32 v3, v12  }
0xd0: {  	v13 =	vcvt.s32.f32 v59;
	_ =	sdelay $0x1  }
0xd1: {  	v13 =	vmul.f32 v13, v60;
	_ =	sdelay $0x1  }
0xd2: {  	s11 =	sadd.s32 @!p0 s5, s23;
	s17 =	simm.s32 @!p0 $0x11000;
	[tilespmem:v12+s16+$0x0] =	vst.idx.add.f32.msk $0xffff, v13  }
0xd3: {  	[tilespmem:s17], [sflag:$0x6] =	stream.linear.gather @!p0 [hbm4b:s11+s14], $0x800, $0x38;
	[tilespmem:$0x1FA00] =	vst v63  }
0xd4: {  	s11 =	sadd.s32 @!p0 s5, s22;
	s17 =	simm.s32 @!p0 $0x13000  }
0xd5: {  	[tilespmem:s17], [sflag:$0x7] =	stream.linear.gather @!p0 [hbm4b:s11+s14], $0x800, $0x38;
	[tilespmem:$0x1FA00] =	vst v63  }
0xd6: {  	s11 =	sadd.s32 @!p0 s5, s20;
	s17 =	simm.s32 @!p0 $0x15000  }
0xd7: {  	[tilespmem:s17], [sflag:$0xC] =	stream.linear.gather @!p0 [hbm4b:s11+s14], $0x800, $0x38;
	[tilespmem:$0x1FA00] =	vst v63  }
0xd8: {  	_ =	swait.ge [sflag:s4], $0x800  }
0xd9: {  	[sflag:s4] =	ssyncset.done $0x0  }
0xda: {  	[sflag:s4] =	ssyncadd.s32 $0xFFFFF800  }
0xdb: {  	_ =	swait.ge [sflag:s26], $0x800  }
0xdc: {  	[sflag:s26] =	ssyncset.done $0x0  }
0xdd: {  	[sflag:s26] =	ssyncadd.s32 $0xFFFFF800  }
0xde: {  	_ =	swait.ge [sflag:s28], $0x800  }
0xdf: {  	[sflag:s28] =	ssyncset.done $0x0  }
0xe0: {  	[sflag:s28] =	ssyncadd.s32 $0xFFFFF800  }
0xe1: {  	v61 =	vld [tilespmem:$0x15800];
	_ =	sdelay $0x2  }
0xe2: {  	v62 =	vld [tilespmem:$0x11800];
	_ =	sdelay $0x1  }
0xe3: {  	v63 =	vld [tilespmem:$0x13800];
	v12 =	vsub.s32 v61, v11  }
0xe4: {  	s5 =	sadd.s32 $0x400, s5;
	v12 =	vshll.u32 v12, $0x3  }
0xe5: {  	p0 =	seq.s32 s5, $0x4000;
	v12 =	vor.u32 v3, v12  }
.Ltmp7:
0xe6: {  	v13 =	vcvt.s32.f32 v62;
	(pc) =	sbr.rel @!p0 .LBB2_8-.Ltmp7, $3  }
0xe7: {  	_ = 	snop  }
0xe8: {  	v13 =	vmul.f32 v13, v63;
	_ =	sdelay $0x1  }
0xe9: {  	s17 =	simm.s32 $0x11800;
	[tilespmem:v12+s16+$0x0] =	vst.idx.add.f32.msk $0xffff, v13  }
0xea: {  	s0 =	sld [smem:$0x7F8]  }
0xeb: {  	s11 =	simm.s32 $0x0;
	s20 =	sld [smem:$0x7F9]  }
0xec: {  	s5 =	simm.s32 $0x0;
	s13 =	simm.s32 $0x14000;
	s15 =	simm.s32 $0x1E000  }
0xed: {  	s6 =	simm.s32 $0x12;
	s29 =	simm.s32 $0x15800;
	p0 =	sgt.s32 s0, $0x0  }
.Ltmp8:
0xee: {  	s21 =	simm.s32 $0x2;
	s12 =	simm.s32 $0x3;
	(pc) =	sbr.rel @!p0 .LBB2_13-.Ltmp8, $4  }
0xef: {  	s8 =	simm.s32 $0xA;
	s19 =	simm.s32 $0x4;
	s10 =	simm.s32 $0x5  }
0xf0: {  	s18 =	simm.s32 $0xB;
	s1 =	simm.s32 $0x6;
	s2 =	simm.s32 $0x7  }
0xf1: {  	s3 =	simm.s32 $0xC;
	s4 =	simm.s32 $0x9;
	s26 =	simm.s32 $0xD  }
0xf2: {  	s31 =	simm.s32 $0x200;
	s28 =	simm.s32 $0x1E800;
	s30 =	sld [smem:$0x7F7]  }
.LBB2_10:
0xf3: {  	v11 =	vor.u32 s11, v1  }
0xf4: {  	v12 =	vadd.s32 s20, v0;
	v13 =	vor.u32 s11, v4  }
0xf5: {  	vm0 =	vlt.s32 v12, $0xFFFF  }
0xf6: {  	s14 =	simm.s32 $0x0;
	v14 =	vor.u32 s11, v5;
	v12 =	vnsel vm0, $0xFFFF, v12  }
0xf7: {  	[tilespmem:s14+$0x1E800] =	vst v12  }
0xf8: {  	v12 =	vor.u32 s11, v6;
	v11 =	vld.idx.msk [tilespmem:v11+s16+$0x0], $0xffff  }
0xf9: {  	v13 =	vld.idx.msk [tilespmem:v13+s16+$0x0], $0xffff  }
0xfa: {  	v15 =	vor.u32 s11, v7  }
0xfb: {  	v14 =	vld.idx.msk [tilespmem:v14+s16+$0x0], $0xffff  }
0xfc: {  	v16 =	vor.u32 s11, v8  }
0xfd: {  	v12 =	vld.idx.msk [tilespmem:v12+s16+$0x0], $0xffff  }
0xfe: {  	v17 =	vor.u32 s11, v9;
	v11 =	vadd.f32 v13, v11  }
0xff: {  	v13 =	vld.idx.msk [tilespmem:v15+s16+$0x0], $0xffff  }
0x100: {  	v15 =	vor.u32 s11, v10;
	v11 =	vadd.f32 v14, v11  }
0x101: {  	v14 =	vld.idx.msk [tilespmem:v16+s16+$0x0], $0xffff  }
0x102: {  	v11 =	vadd.f32 v12, v11  }
0x103: {  	v12 =	vld.idx.msk [tilespmem:v17+s16+$0x0], $0xffff  }
0x104: {  	v11 =	vadd.f32 v13, v11  }
0x105: {  	v15 =	vld.idx.msk [tilespmem:v15+s16+$0x0], $0xffff  }
0x106: {  	v11 =	vadd.f32 v14, v11  }
0x107: {  	s22 =	sadd.s32 $0x10, s20;
	s17 =	sadd.s32 $0x80, s11  }
0x108: {  	v13 =	vadd.s32 s22, v0;
	v16 =	vadd.f32 v12, v11;
	v12 =	vor.u32 s17, v1  }
0x109: {  	vm15 =	vlt.s32 v13, $0xFFFF;
	v11 =	vor.u32 s17, v4  }
0x10a: {  	s23 =	simm.s32 $0x80;
	s24 =	simm.s32 $0x10;
	v14 =	vnsel vm15, $0xFFFF, v13;
	v13 =	vor.u32 s17, v5;
	v15 =	vadd.f32 v15, v16  }
.LBB2_11:
0x10b: {  	p0 =	sne.s32 s23, $0x7C0;
	[tilespmem:s24+$0x1E800] =	vst v14;
	s25 =	smov.u32 s23;
	s23 =	sadd.s32 $0x40, s23  }
0x10c: {  	v14 =	vor.u32 s17, v6;
	[tilespmem:s14+$0x16000] =	vst v15;
	s14 =	smov.u32 s24  }
0x10d: {  	v12 =	vld.idx.msk [tilespmem:v12+s16+$0x0], $0xffff  }
0x10e: {  	v15 =	vor.u32 s17, v7;
	v11 =	vld.idx.msk [tilespmem:v11+s16+$0x0], $0xffff  }
0x10f: {  	v13 =	vld.idx.msk [tilespmem:v13+s16+$0x0], $0xffff  }
0x110: {  	v16 =	vor.u32 s17, v8  }
0x111: {  	v14 =	vld.idx.msk [tilespmem:v14+s16+$0x0], $0xffff  }
0x112: {  	v17 =	vor.u32 s17, v9  }
0x113: {  	v15 =	vld.idx.msk [tilespmem:v15+s16+$0x0], $0xffff  }
0x114: {  	v11 =	vadd.f32 v11, v12;
	v12 =	vor.u32 s17, v10  }
0x115: {  	v16 =	vld.idx.msk [tilespmem:v16+s16+$0x0], $0xffff  }
0x116: {  	v11 =	vadd.f32 v13, v11  }
0x117: {  	v13 =	vld.idx.msk [tilespmem:v17+s16+$0x0], $0xffff  }
0x118: {  	v11 =	vadd.f32 v14, v11  }
0x119: {  	v17 =	vld.idx.msk [tilespmem:v12+s16+$0x0], $0xffff  }
0x11a: {  	v11 =	vadd.f32 v15, v11;
	_ =	sdelay $0x1  }
.Ltmp9:
0x11b: {  	s22 =	sadd.s32 $0x10, s22;
	v14 =	vadd.f32 v16, v11;
	(pc) =	sbr.rel @p0 .LBB2_11-.Ltmp9, $4  }
0x11c: {  	s17 =	sadd.s32 $0x80, s17;
	v15 =	vadd.s32 s22, v0  }
0x11d: {  	v12 =	vor.u32 s17, v1;
	v11 =	vor.u32 s17, v4;
	v16 =	vadd.f32 v13, v14  }
0x11e: {  	vm0 =	vlt.s32 v15, $0xFFFF  }
0x11f: {  	s24 =	sshra.s32 s25, $0x2;
	v14 =	vnsel vm0, $0xFFFF, v15;
	v13 =	vor.u32 s17, v5;
	v15 =	vadd.f32 v17, v16  }
0x120: {  	_ =	sdelay $0x1  }
0x121: {  	[tilespmem:s24+$0x1E800] =	vst v14  }
0x122: {  	[tilespmem:s14+$0x16000] =	vst v15  }
0x123: {  	v57 =	vor.u32 s17, v6;
	v12 =	vld.idx.msk [tilespmem:v12+s16+$0x0], $0xffff  }
0x124: {  	v11 =	vld.idx.msk [tilespmem:v11+s16+$0x0], $0xffff  }
0x125: {  	v58 =	vor.u32 s17, v7  }
0x126: {  	v13 =	vld.idx.msk [tilespmem:v13+s16+$0x0], $0xffff  }
0x127: {  	v16 =	vor.u32 s17, v8  }
0x128: {  	v14 =	vld.idx.msk [tilespmem:v57+s16+$0x0], $0xffff  }
0x129: {  	v17 =	vor.u32 s17, v9;
	v11 =	vadd.f32 v11, v12  }
0x12a: {  	v59 =	vld.idx.msk [tilespmem:v58+s16+$0x0], $0xffff  }
0x12b: {  	v60 =	vor.u32 s17, v10;
	v11 =	vadd.f32 v13, v11  }
0x12c: {  	v61 =	vld.idx.msk [tilespmem:v16+s16+$0x0], $0xffff  }
0x12d: {  	v11 =	vadd.f32 v14, v11  }
0x12e: {  	v62 =	vld.idx.msk [tilespmem:v17+s16+$0x0], $0xffff  }
0x12f: {  	v11 =	vadd.f32 v59, v11  }
0x130: {  	v63 =	vld.idx.msk [tilespmem:v60+s16+$0x0], $0xffff  }
0x131: {  	v11 =	vadd.f32 v61, v11;
	_ =	sdelay $0x1  }
0x132: {  	v11 =	vadd.f32 v62, v11;
	_ =	sdelay $0x1  }
0x133: {  	s5 =	sadd.s32 $0x1, s5;
	v11 =	vadd.f32 v63, v11  }
0x134: {  	p0 =	sne.s32 s5, s0  }
.Ltmp10:
0x135: {  	s25 =	simm.s32 $0x16000;
	[tilespmem:s24+$0x16000] =	vst v11;
	s24 =	rddreg [dreg:$0x5];
	(pc) =	sbr.rel @p0 .LBB2_10-.Ltmp10, $4  }
0x136: {  	[spmem:s24] =	stream.indirect.scatter.add.f32 [tilespmem:s25], [sflag:$0x12], $0x1, s28, s31, $0xb8;
	[tilespmem:$0x1FA00] =	vst v63  }
0x137: {  	_ =	swait.ge [sflag:s6], $0x200  }
0x138: {  	[sflag:s6] =	ssyncset.done $0x0  }
0x139: {  	s11 =	sadd.s32 $0x1000, s11;
	s20 =	sadd.s32 $0x200, s20;
	[sflag:s6] =	ssyncadd.s32 $0xFFFFFE00  }
.LBB2_13:
0x13a: {  	_ =	sdelay $0x1  }
0x13b: {  	s5 =	sadd.s32 $0xFFFFF200, s30  }
0x13c: {  	p0 =	sgt.u32 s5, $0x61FF  }
.Ltmp11:
0x13d: {  	s31 =	rddreg [dreg:$0x0];
	(pc) =	sbr.rel @p0 .LBB2_22-.Ltmp11, $4  }
0x13e: {  	s23 =	rddreg [dreg:$0x1]  }
0x13f: {  	s24 =	rddreg [dreg:$0x1f]  }
0x140: {  	s14 =	sld [smem:$0x7F9]  }
0x141: {  	s28 =	simm.s32 $0x16000;
	s0 =	simm.s32 $0x800;
	s5 =	rddreg [dreg:$0x1e]  }
0x142: {  	s0 =	smov.u32 s30  }
0x143: {  	s26 =	sadd.s32 $0x800, s0  }
0x144: {  	s4 =	sld [smem:$0x7FD];
	s0 =	sshrl.u32 s26, $0xB  }
0x145: {  	s31 =	sld [smem:$0x7FC];
	s11 =	sshll.u32 s0, $0x7  }
0x146: {  	s30 =	sld [smem:$0x7FB];
	p0 =	sne.s32 s11, $0x1  }
.Ltmp12:
0x147: {  	s6 =	rddreg [dreg:$0x1a];
	(pc) =	sbr.rel @!p0 .LBB2_16-.Ltmp12, $4  }
0x148: {  	s13 =	rddreg [dreg:$0x1b]  }
0x149: {  	s29 =	smov.u32 s24;
	s28 =	smov.u32 s5;
	s15 =	rddreg [dreg:$0x1c]  }
0x14a: {  	s5 =	simm.s32 $0x17000;
	s9 =	simm.s32 $0x13800;
	s26 =	rddreg [dreg:$0x18]  }
0x14b: {  	[tilespmem:s5+$0x0] =	vst v2;
	[smem:$0x7F6] =	sst s0;
	s0 =	simm.s32 $0x11800;
	s11 =	sadd.s32 $0xFFFFFFFF, s11  }
.LBB2_15:
0x14c: {  	p0 =	sne.s32 s11, $0x1  }
.Ltmp13:
0x14d: {  	_ = 	snop;
	(pc) =	sbr.rel @p0 .LBB2_15-.Ltmp13, $3  }
0x14e: {  	_ =	sdelay $0x1  }
0x14f: {  	s11 =	sadd.s32 $0xFFFFFFFF, s11;
	s5 =	sadd.s32 $0x10, s5  }
0x150: {  	[tilespmem:s5+$0x0] =	vst v2  }
.LBB2_16:
0x151: {  	s1 =	simm.s32 $0x0;
	s11 =	rddreg [dreg:$0xc];
	s5 =	simm.s32 $0x10800  }
0x152: {  	[tilespmem:s5], [sflag:$0x4] =	stream.linear.gather [hbm4b:s11+s1], $0x800, $0x38;
	[tilespmem:$0x1FA00] =	vst v63  }
0x153: {  	s24 =	rddreg [dreg:$0xd];
	s25 =	simm.s32 $0x12800  }
0x154: {  	[tilespmem:s25], [sflag:$0x5] =	stream.linear.gather [hbm4b:s24+s1], $0x800, $0x38;
	[tilespmem:$0x1FA00] =	vst v63  }
0x155: {  	s2 =	rddreg [dreg:$0xe];
	s3 =	simm.s32 $0x14800  }
0x156: {  	[tilespmem:s3], [sflag:$0xB] =	stream.linear.gather [hbm4b:s2+s1], $0x800, $0x38;
	[tilespmem:$0x1FA00] =	vst v63  }
0x157: {  	s8 =	simm.s32 $0x11000;
	s5 =	rddreg [dreg:$0xf]  }
0x158: {  	[tilespmem:s8], [sflag:$0x6] =	stream.linear.gather [hbm4b:s5+s1], $0x800, $0x38;
	[tilespmem:$0x1FA00] =	vst v63  }
0x159: {  	s10 =	rddreg [dreg:$0x10];
	s12 =	simm.s32 $0x13000  }
0x15a: {  	[tilespmem:s12], [sflag:$0x7] =	stream.linear.gather [hbm4b:s10+s1], $0x800, $0x38;
	[tilespmem:$0x1FA00] =	vst v63  }
0x15b: {  	s17 =	rddreg [dreg:$0x11];
	s18 =	simm.s32 $0x15000  }
0x15c: {  	[tilespmem:s18], [sflag:$0xC] =	stream.linear.gather [hbm4b:s17+s1], $0x800, $0x38;
	[tilespmem:$0x1FA00] =	vst v63  }
0x15d: {  	s19 =	sadd.s32 $0x0, s6  }
0x15e: {  	[tilespmem:s0], [sflag:$0x8] =	stream.linear.gather [hbm4b:s19+s7], $0x800, $0x38;
	[tilespmem:$0x1FA00] =	vst v63  }
0x15f: {  	s20 =	sadd.s32 $0x0, s13  }
0x160: {  	[tilespmem:s9], [sflag:$0x9] =	stream.linear.gather [hbm4b:s20+s7], $0x800, $0x38;
	[tilespmem:$0x1FA00] =	vst v63  }
0x161: {  	s21 =	sadd.s32 $0x0, s15;
	s22 =	simm.s32 $0x15800;
	s12 =	simm.s32 $0x2  }
0x162: {  	[tilespmem:s22], [sflag:$0xD] =	stream.linear.gather [hbm4b:s21+s7], $0x800, $0x38;
	[tilespmem:$0x1FA00] =	vst v63  }
0x163: {  	_ =	swait.ge [sflag:s12], $0x800  }
0x164: {  	[sflag:s12] =	ssyncset.done $0x0  }
0x165: {  	s8 =	simm.s32 $0x3;
	[sflag:s12] =	ssyncadd.s32 $0xFFFFF800  }
0x166: {  	_ =	swait.ge [sflag:s8], $0x800  }
0x167: {  	[sflag:s8] =	ssyncset.done $0x0  }
0x168: {  	s19 =	simm.s32 $0xA;
	[sflag:s8] =	ssyncadd.s32 $0xFFFFF800  }
0x169: {  	_ =	swait.ge [sflag:s19], $0x800  }
0x16a: {  	[sflag:s19] =	ssyncset.done $0x0  }
0x16b: {  	[sflag:s19] =	ssyncadd.s32 $0xFFFFF800  }
0x16c: {  	v12 =	vld [tilespmem:$0x14000]  }
0x16d: {  	v13 =	vld [tilespmem:$0x10000];
	_ =	sdelay $0x1  }
0x16e: {  	v14 =	vld [tilespmem:$0x12000]  }
0x16f: {  	v11 =	vmov s14  }
0x170: {  	v12 =	vsub.s32 v12, v11  }
0x171: {  	v13 =	vcvt.s32.f32 v13;
	_ =	sdelay $0x1  }
0x172: {  	v13 =	vmul.f32 v13, v14  }
0x173: {  	p0 =	por $0x0, $0x0  }
0x174: {  	s11 =	sadd.s32 @!p0 $0x0, s4;
	s14 =	simm.s32 @!p0 $0x0;
	s17 =	simm.s32 @!p0 $0x10000;
	[tilespmem:v12+s16+$0x0] =	vst.idx.add.f32.msk $0xffff, v13  }
0x175: {  	[tilespmem:s17], [sflag:$0x2] =	stream.linear.gather @!p0 [hbm4b:s11+s14], $0x800, $0x38;
	[tilespmem:$0x1FA00] =	vst v63  }
0x176: {  	s11 =	sadd.s32 @!p0 $0x0, s31;
	s17 =	simm.s32 @!p0 $0x12000  }
0x177: {  	[tilespmem:s17], [sflag:$0x3] =	stream.linear.gather @!p0 [hbm4b:s11+s14], $0x800, $0x38;
	[tilespmem:$0x1FA00] =	vst v63  }
0x178: {  	s10 =	simm.s32 $0x4;
	s11 =	sadd.s32 @!p0 $0x0, s30;
	s17 =	simm.s32 @!p0 $0x14000  }
0x179: {  	[tilespmem:s17], [sflag:$0xA] =	stream.linear.gather @!p0 [hbm4b:s11+s14], $0x800, $0x38;
	[tilespmem:$0x1FA00] =	vst v63  }
0x17a: {  	_ =	swait.ge [sflag:s10], $0x800  }
0x17b: {  	[sflag:s10] =	ssyncset.done $0x0  }
0x17c: {  	s18 =	simm.s32 $0x5;
	[sflag:s10] =	ssyncadd.s32 $0xFFFFF800  }
0x17d: {  	_ =	swait.ge [sflag:s18], $0x800  }
0x17e: {  	[sflag:s18] =	ssyncset.done $0x0  }
0x17f: {  	s1 =	simm.s32 $0xB;
	[sflag:s18] =	ssyncadd.s32 $0xFFFFF800  }
0x180: {  	_ =	swait.ge [sflag:s1], $0x800  }
0x181: {  	[sflag:s1] =	ssyncset.done $0x0  }
0x182: {  	[sflag:s1] =	ssyncadd.s32 $0xFFFFF800  }
0x183: {  	v12 =	vld [tilespmem:$0x14800]  }
0x184: {  	v13 =	vld [tilespmem:$0x10800];
	_ =	sdelay $0x1  }
0x185: {  	v14 =	vld [tilespmem:$0x12800];
	_ =	sdelay $0x1  }
0x186: {  	v12 =	vsub.s32 v12, v11  }
0x187: {  	v13 =	vcvt.s32.f32 v13;
	_ =	sdelay $0x1  }
0x188: {  	v13 =	vmul.f32 v13, v14;
	_ =	sdelay $0x1  }
0x189: {  	s11 =	sadd.s32 @!p0 $0x0, s29;
	s17 =	simm.s32 @!p0 $0x10800;
	[tilespmem:v12+s16+$0x0] =	vst.idx.add.f32.msk $0xffff, v13  }
0x18a: {  	[tilespmem:s17], [sflag:$0x4] =	stream.linear.gather @!p0 [hbm4b:s11+s14], $0x800, $0x38;
	[tilespmem:$0x1FA00] =	vst v63  }
0x18b: {  	s11 =	sadd.s32 @!p0 $0x0, s28;
	s17 =	simm.s32 @!p0 $0x12800  }
0x18c: {  	[tilespmem:s17], [sflag:$0x5] =	stream.linear.gather @!p0 [hbm4b:s11+s14], $0x800, $0x38;
	[tilespmem:$0x1FA00] =	vst v63  }
0x18d: {  	s2 =	simm.s32 $0x6;
	s11 =	sadd.s32 @!p0 $0x0, s26;
	s17 =	simm.s32 @!p0 $0x14800  }
0x18e: {  	[tilespmem:s17], [sflag:$0xB] =	stream.linear.gather @!p0 [hbm4b:s11+s14], $0x800, $0x38;
	[tilespmem:$0x1FA00] =	vst v63  }
0x18f: {  	_ =	swait.ge [sflag:s2], $0x800  }
0x190: {  	[sflag:s2] =	ssyncset.done $0x0  }
0x191: {  	s3 =	simm.s32 $0x7;
	[sflag:s2] =	ssyncadd.s32 $0xFFFFF800  }
0x192: {  	_ =	swait.ge [sflag:s3], $0x800  }
0x193: {  	[sflag:s3] =	ssyncset.done $0x0  }
0x194: {  	s21 =	simm.s32 $0xC;
	[sflag:s3] =	ssyncadd.s32 $0xFFFFF800  }
0x195: {  	_ =	swait.ge [sflag:s21], $0x800  }
0x196: {  	[sflag:s21] =	ssyncset.done $0x0  }
0x197: {  	[sflag:s21] =	ssyncadd.s32 $0xFFFFF800  }
0x198: {  	v12 =	vld [tilespmem:$0x15000]  }
0x199: {  	v13 =	vld [tilespmem:$0x11000];
	_ =	sdelay $0x1  }
0x19a: {  	v14 =	vld [tilespmem:$0x13000];
	_ =	sdelay $0x1  }
0x19b: {  	v12 =	vsub.s32 v12, v11  }
0x19c: {  	v13 =	vcvt.s32.f32 v13;
	_ =	sdelay $0x1  }
0x19d: {  	v13 =	vmul.f32 v13, v14  }
0x19e: {  	s25 =	rddreg [dreg:$0x17]  }
0x19f: {  	s17 =	simm.s32 @!p0 $0x11000;
	s24 =	rddreg [dreg:$0x16];
	s11 =	sadd.s32 @!p0 $0x0, s25;
	[tilespmem:v12+s16+$0x0] =	vst.idx.add.f32.msk $0xffff, v13  }
0x1a0: {  	[tilespmem:s17], [sflag:$0x6] =	stream.linear.gather @!p0 [hbm4b:s11+s14], $0x800, $0x38;
	[tilespmem:$0x1FA00] =	vst v63  }
0x1a1: {  	s5 =	rddreg [dreg:$0x15];
	s11 =	sadd.s32 @!p0 $0x0, s24;
	s17 =	simm.s32 @!p0 $0x13000  }
0x1a2: {  	[tilespmem:s17], [sflag:$0x7] =	stream.linear.gather @!p0 [hbm4b:s11+s14], $0x800, $0x38;
	[tilespmem:$0x1FA00] =	vst v63  }
0x1a3: {  	s23 =	simm.s32 $0x8;
	s11 =	sadd.s32 @!p0 $0x0, s5;
	s17 =	simm.s32 @!p0 $0x15000  }
0x1a4: {  	[tilespmem:s17], [sflag:$0xC] =	stream.linear.gather @!p0 [hbm4b:s11+s14], $0x800, $0x38;
	[tilespmem:$0x1FA00] =	vst v63  }
0x1a5: {  	_ =	swait.ge [sflag:s23], $0x800  }
0x1a6: {  	[sflag:s23] =	ssyncset.done $0x0  }
0x1a7: {  	s9 =	simm.s32 $0x9;
	[sflag:s23] =	ssyncadd.s32 $0xFFFFF800  }
0x1a8: {  	_ =	swait.ge [sflag:s9], $0x800  }
0x1a9: {  	[sflag:s9] =	ssyncset.done $0x0  }
0x1aa: {  	s0 =	simm.s32 $0xD;
	[sflag:s9] =	ssyncadd.s32 $0xFFFFF800  }
0x1ab: {  	_ =	swait.ge [sflag:s0], $0x800  }
0x1ac: {  	[sflag:s0] =	ssyncset.done $0x0  }
0x1ad: {  	[sflag:s0] =	ssyncadd.s32 $0xFFFFF800  }
0x1ae: {  	v12 =	vld [tilespmem:$0x11800]  }
0x1af: {  	v13 =	vld [tilespmem:$0x15800];
	_ =	sdelay $0x2  }
0x1b0: {  	v14 =	vld [tilespmem:$0x13800];
	_ =	sdelay $0x1  }
0x1b1: {  	v15 =	vcvt.s32.f32 v12;
	v12 =	vsub.s32 v13, v11;
	_ =	sdelay $0x2  }
0x1b2: {  	s20 =	simm.s32 $0x800;
	s17 =	simm.s32 $0x400;
	v13 =	vmul.f32 v15, v14  }
.LBB2_17:
0x1b3: {  	s14 =	sadd.s32 s17, s6  }
0x1b4: {  	s11 =	smov.u32 s20;
	s20 =	sadd.s32 $0x400, s20;
	s22 =	simm.s32 $0x11800;
	[tilespmem:v12+s16+$0x0] =	vst.idx.add.f32.msk $0xffff, v13  }
0x1b5: {  	[tilespmem:s22], [sflag:$0x8] =	stream.linear.gather [hbm4b:s14+s7], $0x800, $0x38;
	[tilespmem:$0x1FA00] =	vst v63  }
0x1b6: {  	p0 =	sne.s32 s20, $0x4000;
	s14 =	sadd.s32 s17, s13;
	s22 =	simm.s32 $0x13800  }
0x1b7: {  	[tilespmem:s22], [sflag:$0x9] =	stream.linear.gather [hbm4b:s14+s7], $0x800, $0x38;
	[tilespmem:$0x1FA00] =	vst v63  }
0x1b8: {  	s14 =	sadd.s32 s17, s15;
	s22 =	simm.s32 $0x15800  }
0x1b9: {  	[tilespmem:s22], [sflag:$0xD] =	stream.linear.gather [hbm4b:s14+s7], $0x800, $0x38;
	[tilespmem:$0x1FA00] =	vst v63  }
0x1ba: {  	_ =	swait.ge [sflag:s12], $0x800  }
0x1bb: {  	[sflag:s12] =	ssyncset.done $0x0  }
0x1bc: {  	[sflag:s12] =	ssyncadd.s32 $0xFFFFF800  }
0x1bd: {  	_ =	swait.ge [sflag:s8], $0x800  }
0x1be: {  	[sflag:s8] =	ssyncset.done $0x0  }
0x1bf: {  	[sflag:s8] =	ssyncadd.s32 $0xFFFFF800  }
0x1c0: {  	_ =	swait.ge [sflag:s19], $0x800  }
0x1c1: {  	[sflag:s19] =	ssyncset.done $0x0  }
0x1c2: {  	[sflag:s19] =	ssyncadd.s32 $0xFFFFF800  }
0x1c3: {  	v12 =	vld [tilespmem:$0x14000]  }
0x1c4: {  	v13 =	vld [tilespmem:$0x10000];
	_ =	sdelay $0x1  }
0x1c5: {  	v14 =	vld [tilespmem:$0x12000];
	_ =	sdelay $0x1  }
0x1c6: {  	v12 =	vsub.s32 v12, v11  }
0x1c7: {  	v13 =	vcvt.s32.f32 v13;
	_ =	sdelay $0x1  }
0x1c8: {  	v13 =	vmul.f32 v13, v14  }
0x1c9: {  	p1 =	seq.s32 s17, $0x3C00  }
0x1ca: {  	s23 =	simm.s32 @!p1 $0x10000;
	s22 =	sadd.s32 @!p1 s17, s4;
	s14 =	simm.s32 @!p1 $0x0;
	[tilespmem:v12+s16+$0x0] =	vst.idx.add.f32.msk $0xffff, v13  }
0x1cb: {  	[tilespmem:s23], [sflag:$0x2] =	stream.linear.gather @!p1 [hbm4b:s22+s14], $0x800, $0x38;
	[tilespmem:$0x1FA00] =	vst v63  }
0x1cc: {  	s22 =	sadd.s32 @!p1 s17, s31;
	s23 =	simm.s32 @!p1 $0x12000  }
0x1cd: {  	[tilespmem:s23], [sflag:$0x3] =	stream.linear.gather @!p1 [hbm4b:s22+s14], $0x800, $0x38;
	[tilespmem:$0x1FA00] =	vst v63  }
0x1ce: {  	s22 =	sadd.s32 @!p1 s17, s30;
	s23 =	simm.s32 @!p1 $0x14000  }
0x1cf: {  	[tilespmem:s23], [sflag:$0xA] =	stream.linear.gather @!p1 [hbm4b:s22+s14], $0x800, $0x38;
	[tilespmem:$0x1FA00] =	vst v63  }
0x1d0: {  	_ =	swait.ge [sflag:s10], $0x800  }
0x1d1: {  	[sflag:s10] =	ssyncset.done $0x0  }
0x1d2: {  	[sflag:s10] =	ssyncadd.s32 $0xFFFFF800  }
0x1d3: {  	_ =	swait.ge [sflag:s18], $0x800  }
0x1d4: {  	[sflag:s18] =	ssyncset.done $0x0  }
0x1d5: {  	[sflag:s18] =	ssyncadd.s32 $0xFFFFF800  }
0x1d6: {  	_ =	swait.ge [sflag:s1], $0x800  }
0x1d7: {  	[sflag:s1] =	ssyncset.done $0x0  }
0x1d8: {  	[sflag:s1] =	ssyncadd.s32 $0xFFFFF800  }
0x1d9: {  	v12 =	vld [tilespmem:$0x14800]  }
0x1da: {  	v13 =	vld [tilespmem:$0x10800];
	_ =	sdelay $0x1  }
0x1db: {  	v14 =	vld [tilespmem:$0x12800];
	_ =	sdelay $0x1  }
0x1dc: {  	v12 =	vsub.s32 v12, v11  }
0x1dd: {  	v13 =	vcvt.s32.f32 v13;
	_ =	sdelay $0x1  }
0x1de: {  	v13 =	vmul.f32 v13, v14;
	_ =	sdelay $0x1  }
0x1df: {  	s22 =	sadd.s32 @!p1 s17, s29;
	s23 =	simm.s32 @!p1 $0x10800;
	[tilespmem:v12+s16+$0x0] =	vst.idx.add.f32.msk $0xffff, v13  }
0x1e0: {  	[tilespmem:s23], [sflag:$0x4] =	stream.linear.gather @!p1 [hbm4b:s22+s14], $0x800, $0x38;
	[tilespmem:$0x1FA00] =	vst v63  }
0x1e1: {  	s22 =	sadd.s32 @!p1 s17, s28;
	s23 =	simm.s32 @!p1 $0x12800  }
0x1e2: {  	[tilespmem:s23], [sflag:$0x5] =	stream.linear.gather @!p1 [hbm4b:s22+s14], $0x800, $0x38;
	[tilespmem:$0x1FA00] =	vst v63  }
0x1e3: {  	s22 =	sadd.s32 @!p1 s17, s26;
	s23 =	simm.s32 @!p1 $0x14800  }
0x1e4: {  	[tilespmem:s23], [sflag:$0xB] =	stream.linear.gather @!p1 [hbm4b:s22+s14], $0x800, $0x38;
	[tilespmem:$0x1FA00] =	vst v63  }
0x1e5: {  	_ =	swait.ge [sflag:s2], $0x800  }
0x1e6: {  	[sflag:s2] =	ssyncset.done $0x0  }
0x1e7: {  	[sflag:s2] =	ssyncadd.s32 $0xFFFFF800  }
0x1e8: {  	_ =	swait.ge [sflag:s3], $0x800  }
0x1e9: {  	[sflag:s3] =	ssyncset.done $0x0  }
0x1ea: {  	[sflag:s3] =	ssyncadd.s32 $0xFFFFF800  }
0x1eb: {  	_ =	swait.ge [sflag:s21], $0x800  }
0x1ec: {  	[sflag:s21] =	ssyncset.done $0x0  }
0x1ed: {  	[sflag:s21] =	ssyncadd.s32 $0xFFFFF800  }
0x1ee: {  	v12 =	vld [tilespmem:$0x15000]  }
0x1ef: {  	v13 =	vld [tilespmem:$0x11000];
	_ =	sdelay $0x1  }
0x1f0: {  	v14 =	vld [tilespmem:$0x13000];
	_ =	sdelay $0x1  }
0x1f1: {  	v12 =	vsub.s32 v12, v11  }
0x1f2: {  	v13 =	vcvt.s32.f32 v13;
	_ =	sdelay $0x1  }
0x1f3: {  	v13 =	vmul.f32 v13, v14;
	_ =	sdelay $0x1  }
0x1f4: {  	s22 =	sadd.s32 @!p1 s17, s25;
	s23 =	simm.s32 @!p1 $0x11000;
	[tilespmem:v12+s16+$0x0] =	vst.idx.add.f32.msk $0xffff, v13  }
0x1f5: {  	[tilespmem:s23], [sflag:$0x6] =	stream.linear.gather @!p1 [hbm4b:s22+s14], $0x800, $0x38;
	[tilespmem:$0x1FA00] =	vst v63  }
0x1f6: {  	s22 =	sadd.s32 @!p1 s17, s24;
	s23 =	simm.s32 @!p1 $0x13000  }
0x1f7: {  	[tilespmem:s23], [sflag:$0x7] =	stream.linear.gather @!p1 [hbm4b:s22+s14], $0x800, $0x38;
	[tilespmem:$0x1FA00] =	vst v63  }
0x1f8: {  	s22 =	sadd.s32 @!p1 s17, s5;
	s23 =	simm.s32 @!p1 $0x15000;
	s17 =	smov.u32 s11  }
0x1f9: {  	[tilespmem:s23], [sflag:$0xC] =	stream.linear.gather @!p1 [hbm4b:s22+s14], $0x800, $0x38;
	[tilespmem:$0x1FA00] =	vst v63  }
0x1fa: {  	s22 =	simm.s32 $0x8  }
0x1fb: {  	_ =	swait.ge [sflag:s22], $0x800  }
0x1fc: {  	[sflag:s22] =	ssyncset.done $0x0  }
0x1fd: {  	[sflag:s22] =	ssyncadd.s32 $0xFFFFF800  }
0x1fe: {  	_ =	swait.ge [sflag:s9], $0x800  }
0x1ff: {  	[sflag:s9] =	ssyncset.done $0x0  }
0x200: {  	[sflag:s9] =	ssyncadd.s32 $0xFFFFF800  }
0x201: {  	_ =	swait.ge [sflag:s0], $0x800  }
0x202: {  	[sflag:s0] =	ssyncset.done $0x0  }
0x203: {  	[sflag:s0] =	ssyncadd.s32 $0xFFFFF800  }
0x204: {  	v12 =	vld [tilespmem:$0x15800]  }
0x205: {  	v13 =	vld [tilespmem:$0x11800]  }
0x206: {  	v14 =	vld [tilespmem:$0x13800];
	_ =	sdelay $0x1  }
.Ltmp14:
0x207: {  	(pc) =	sbr.rel @p0 .LBB2_17-.Ltmp14, $3  }
0x208: {  	v12 =	vsub.s32 v12, v11  }
0x209: {  	v13 =	vcvt.s32.f32 v13;
	_ =	sdelay $0x1  }
0x20a: {  	v13 =	vmul.f32 v13, v14  }
0x20b: {  	_ =	sdelay $0x3  }
0x20c: {  	s11 =	sadd.s32 s17, s6;
	s23 =	simm.s32 $0x11800;
	[tilespmem:v12+s16+$0x0] =	vst.idx.add.f32.msk $0xffff, v13  }
0x20d: {  	[tilespmem:s23], [sflag:$0x8] =	stream.linear.gather [hbm4b:s11+s7], $0x800, $0x38;
	[tilespmem:$0x1FA00] =	vst v63  }
0x20e: {  	s13 =	sadd.s32 s17, s13;
	s14 =	simm.s32 $0x13800  }
0x20f: {  	[tilespmem:s14], [sflag:$0x9] =	stream.linear.gather [hbm4b:s13+s7], $0x800, $0x38;
	[tilespmem:$0x1FA00] =	vst v63  }
0x210: {  	s20 =	sadd.s32 s17, s15;
	s23 =	simm.s32 $0x15800  }
0x211: {  	[tilespmem:s23], [sflag:$0xD] =	stream.linear.gather [hbm4b:s20+s7], $0x800, $0x38;
	[tilespmem:$0x1FA00] =	vst v63  }
0x212: {  	_ =	swait.ge [sflag:s12], $0x800  }
0x213: {  	[sflag:s12] =	ssyncset.done $0x0  }
0x214: {  	[sflag:s12] =	ssyncadd.s32 $0xFFFFF800  }
0x215: {  	_ =	swait.ge [sflag:s8], $0x800  }
0x216: {  	[sflag:s8] =	ssyncset.done $0x0  }
0x217: {  	[sflag:s8] =	ssyncadd.s32 $0xFFFFF800  }
0x218: {  	_ =	swait.ge [sflag:s19], $0x800  }
0x219: {  	[sflag:s19] =	ssyncset.done $0x0  }
0x21a: {  	[sflag:s19] =	ssyncadd.s32 $0xFFFFF800  }
0x21b: {  	v52 =	vld [tilespmem:$0x14000]  }
0x21c: {  	v53 =	vld [tilespmem:$0x10000];
	_ =	sdelay $0x1  }
0x21d: {  	v14 =	vld [tilespmem:$0x12000];
	_ =	sdelay $0x1  }
0x21e: {  	v12 =	vsub.s32 v52, v11  }
0x21f: {  	v13 =	vcvt.s32.f32 v53;
	_ =	sdelay $0x1  }
0x220: {  	v13 =	vmul.f32 v13, v14  }
0x221: {  	p0 =	seq.s32 s17, $0x3C00  }
0x222: {  	s11 =	sadd.s32 @!p0 s17, s4;
	s14 =	simm.s32 @!p0 $0x0;
	s20 =	simm.s32 @!p0 $0x10000;
	[tilespmem:v12+s16+$0x0] =	vst.idx.add.f32.msk $0xffff, v13  }
0x223: {  	[tilespmem:s20], [sflag:$0x2] =	stream.linear.gather @!p0 [hbm4b:s11+s14], $0x800, $0x38;
	[tilespmem:$0x1FA00] =	vst v63  }
0x224: {  	s11 =	sadd.s32 @!p0 s17, s31;
	s20 =	simm.s32 @!p0 $0x12000  }
0x225: {  	[tilespmem:s20], [sflag:$0x3] =	stream.linear.gather @!p0 [hbm4b:s11+s14], $0x800, $0x38;
	[tilespmem:$0x1FA00] =	vst v63  }
0x226: {  	s11 =	sadd.s32 @!p0 s17, s30;
	s20 =	simm.s32 @!p0 $0x14000  }
0x227: {  	[tilespmem:s20], [sflag:$0xA] =	stream.linear.gather @!p0 [hbm4b:s11+s14], $0x800, $0x38;
	[tilespmem:$0x1FA00] =	vst v63  }
0x228: {  	_ =	swait.ge [sflag:s10], $0x800  }
0x229: {  	[sflag:s10] =	ssyncset.done $0x0  }
0x22a: {  	[sflag:s10] =	ssyncadd.s32 $0xFFFFF800  }
0x22b: {  	_ =	swait.ge [sflag:s18], $0x800  }
0x22c: {  	[sflag:s18] =	ssyncset.done $0x0  }
0x22d: {  	[sflag:s18] =	ssyncadd.s32 $0xFFFFF800  }
0x22e: {  	_ =	swait.ge [sflag:s1], $0x800  }
0x22f: {  	[sflag:s1] =	ssyncset.done $0x0  }
0x230: {  	[sflag:s1] =	ssyncadd.s32 $0xFFFFF800  }
0x231: {  	v54 =	vld [tilespmem:$0x14800]  }
0x232: {  	v55 =	vld [tilespmem:$0x10800];
	_ =	sdelay $0x1  }
0x233: {  	v56 =	vld [tilespmem:$0x12800];
	_ =	sdelay $0x1  }
0x234: {  	v12 =	vsub.s32 v54, v11  }
0x235: {  	v13 =	vcvt.s32.f32 v55;
	_ =	sdelay $0x1  }
0x236: {  	v13 =	vmul.f32 v13, v56;
	_ =	sdelay $0x1  }
0x237: {  	s11 =	sadd.s32 @!p0 s17, s29;
	s20 =	simm.s32 @!p0 $0x10800;
	[tilespmem:v12+s16+$0x0] =	vst.idx.add.f32.msk $0xffff, v13  }
0x238: {  	[tilespmem:s20], [sflag:$0x4] =	stream.linear.gather @!p0 [hbm4b:s11+s14], $0x800, $0x38;
	[tilespmem:$0x1FA00] =	vst v63  }
0x239: {  	s11 =	sadd.s32 @!p0 s17, s28;
	s20 =	simm.s32 @!p0 $0x12800  }
0x23a: {  	[tilespmem:s20], [sflag:$0x5] =	stream.linear.gather @!p0 [hbm4b:s11+s14], $0x800, $0x38;
	[tilespmem:$0x1FA00] =	vst v63  }
0x23b: {  	s11 =	sadd.s32 @!p0 s17, s26;
	s20 =	simm.s32 @!p0 $0x14800  }
0x23c: {  	[tilespmem:s20], [sflag:$0xB] =	stream.linear.gather @!p0 [hbm4b:s11+s14], $0x800, $0x38;
	[tilespmem:$0x1FA00] =	vst v63  }
0x23d: {  	_ =	swait.ge [sflag:s2], $0x800  }
0x23e: {  	[sflag:s2] =	ssyncset.done $0x0  }
0x23f: {  	[sflag:s2] =	ssyncadd.s32 $0xFFFFF800  }
0x240: {  	_ =	swait.ge [sflag:s3], $0x800  }
0x241: {  	[sflag:s3] =	ssyncset.done $0x0  }
0x242: {  	[sflag:s3] =	ssyncadd.s32 $0xFFFFF800  }
0x243: {  	_ =	swait.ge [sflag:s21], $0x800  }
0x244: {  	[sflag:s21] =	ssyncset.done $0x0  }
0x245: {  	[sflag:s21] =	ssyncadd.s32 $0xFFFFF800  }
0x246: {  	v57 =	vld [tilespmem:$0x15000]  }
0x247: {  	v58 =	vld [tilespmem:$0x11000];
	_ =	sdelay $0x1  }
0x248: {  	v59 =	vld [tilespmem:$0x13000];
	_ =	sdelay $0x1  }
0x249: {  	v12 =	vsub.s32 v57, v11  }
0x24a: {  	v13 =	vcvt.s32.f32 v58;
	_ =	sdelay $0x1  }
0x24b: {  	v13 =	vmul.f32 v13, v59;
	_ =	sdelay $0x1  }
0x24c: {  	s11 =	sadd.s32 @!p0 s17, s25;
	s20 =	simm.s32 @!p0 $0x11000;
	[tilespmem:v12+s16+$0x0] =	vst.idx.add.f32.msk $0xffff, v13  }
0x24d: {  	[tilespmem:s20], [sflag:$0x6] =	stream.linear.gather @!p0 [hbm4b:s11+s14], $0x800, $0x38;
	[tilespmem:$0x1FA00] =	vst v63  }
0x24e: {  	s11 =	sadd.s32 @!p0 s17, s24;
	s20 =	simm.s32 @!p0 $0x13000  }
0x24f: {  	[tilespmem:s20], [sflag:$0x7] =	stream.linear.gather @!p0 [hbm4b:s11+s14], $0x800, $0x38;
	[tilespmem:$0x1FA00] =	vst v63  }
0x250: {  	s11 =	sadd.s32 @!p0 s17, s5;
	s17 =	simm.s32 @!p0 $0x15000  }
0x251: {  	[tilespmem:s17], [sflag:$0xC] =	stream.linear.gather @!p0 [hbm4b:s11+s14], $0x800, $0x38;
	[tilespmem:$0x1FA00] =	vst v63  }
0x252: {  	_ =	swait.ge [sflag:s22], $0x800  }
0x253: {  	[sflag:s22] =	ssyncset.done $0x0  }
0x254: {  	[sflag:s22] =	ssyncadd.s32 $0xFFFFF800  }
0x255: {  	_ =	swait.ge [sflag:s9], $0x800  }
0x256: {  	[sflag:s9] =	ssyncset.done $0x0  }
0x257: {  	[sflag:s9] =	ssyncadd.s32 $0xFFFFF800  }
0x258: {  	_ =	swait.ge [sflag:s0], $0x800  }
0x259: {  	[sflag:s0] =	ssyncset.done $0x0  }
0x25a: {  	[sflag:s0] =	ssyncadd.s32 $0xFFFFF800  }
0x25b: {  	v60 =	vld [tilespmem:$0x15800]  }
0x25c: {  	v61 =	vld [tilespmem:$0x11800];
	_ =	sdelay $0x1  }
0x25d: {  	s15 =	simm.s32 $0x1E000;
	s6 =	simm.s32 $0x12;
	v62 =	vld [tilespmem:$0x13800]  }
0x25e: {  	s4 =	simm.s32 $0x9;
	s13 =	simm.s32 $0x14000;
	s12 =	simm.s32 $0x3  }
0x25f: {  	s8 =	simm.s32 $0xA;
	s19 =	simm.s32 $0x4;
	s29 =	simm.s32 $0x15800;
	v11 =	vsub.s32 v60, v11  }
0x260: {  	s10 =	simm.s32 $0x5;
	s18 =	simm.s32 $0xB;
	s25 =	sld [smem:$0x7F9];
	v63 =	vcvt.s32.f32 v61  }
0x261: {  	s1 =	simm.s32 $0x6;
	s28 =	simm.s32 $0x16000;
	s30 =	sld [smem:$0x7F6]  }
0x262: {  	s26 =	simm.s32 $0xD;
	s2 =	simm.s32 $0x7;
	s23 =	rddreg [dreg:$0x1];
	v12 =	vmul.f32 v63, v62  }
0x263: {  	s3 =	simm.s32 $0xC;
	s21 =	simm.s32 $0x2;
	s22 =	rddreg [dreg:$0x5]  }
0x264: {  	s11 =	simm.s32 $0x0;
	s0 =	simm.s32 $0x800;
	s31 =	rddreg [dreg:$0x0];
	[tilespmem:v11+s16+$0x0] =	vst.idx.add.f32.msk $0xffff, v12  }
.LBB2_19:
0x265: {  	v11 =	vadd.s32 s25, v0  }
0x266: {  	s9 =	smov.u32 s11;
	s11 =	sshll.u32 s11, $0xB;
	vm0 =	vlt.s32 v11, $0xFFFF  }
0x267: {  	s14 =	simm.s32 $0x40;
	s20 =	simm.s32 $0x0;
	s17 =	smov.u32 s25;
	v11 =	vnsel vm0, $0xFFFF, v11  }
.LBB2_20:
0x268: {  	p0 =	sne.s32 s14, $0x1FC0  }
0x269: {  	[tilespmem:s20+$0x1E000] =	vst v11;
	s17 =	sadd.s32 $0x10, s17;
	s20 =	smov.u32 s14;
	s14 =	sadd.s32 $0x40, s14  }
.Ltmp15:
0x26a: {  	(pc) =	sbr.rel @p0 .LBB2_20-.Ltmp15, $4  }
0x26b: {  	_ = 	snop  }
0x26c: {  	v11 =	vadd.s32 s17, v0  }
0x26d: {  	vm0 =	vlt.s32 v11, $0xFFFF  }
0x26e: {  	s20 =	sshra.s32 s20, $0x2;
	v11 =	vnsel vm0, $0xFFFF, v11  }
0x26f: {  	[tilespmem:s20+$0x1E000] =	vst v11;
	s11 =	sadd.s32 $0x17000, s11  }
0x270: {  	[spmem:s22] =	stream.indirect.scatter.add.f32 [tilespmem:s11], [sflag:$0x12], $0x1, s15, s0, $0xb8;
	[tilespmem:$0x1FA00] =	vst v63  }
0x271: {  	s11 =	sadd.s32 $0x1, s9  }
0x272: {  	p0 =	sne.s32 s11, s30  }
.Ltmp16:
0x273: {  	_ = 	snop;
	(pc) =	sbr.rel @p0 .LBB2_19-.Ltmp16, $4  }
0x274: {  	_ = 	snop  }
0x275: {  	_ =	swait.ge [sflag:s6], $0x800  }
0x276: {  	[sflag:s6] =	ssyncset.done $0x0  }
0x277: {  	s25 =	sadd.s32 $0x800, s25;
	[sflag:s6] =	ssyncadd.s32 $0xFFFFF800  }
.LBB2_22:
0x278: {  	s5 =	sld [smem:$0x7FA];
	_ =	sdelay $0x2  }
0x279: {  	p0 =	slt.s32 s5, $0x7001  }
.Ltmp17:
0x27a: {  	_ = 	snop;
	(pc) =	sbr.rel @p0 .LBB2_33-.Ltmp17, $2  }
0x27b: {  	_ =	sdelay $0x2  }
0x27c: {  	s5 =	simm.s32 $0x0  }
.LBB2_23:
0x27d: {  	s9 =	sshll.u32 s5, $0xD;
	s11 =	rddreg [dreg:$0x7]  }
0x27e: {  	s11 =	sor.u32 s9, s11  }
0x27f: {  	s17 =	sshrl.u32 s11, $0x3  }
0x280: {  	s11 =	sor.u32 $0x100, s17  }
0x281: {  	s20 =	simm.s32 $0x10800;
	s25 =	rddreg [dreg:$0x2];
	s14 =	sadd.s32 s23, s11  }
0x282: {  	[tilespmem:s20], [sflag:$0x4] =	stream.linear.gather [hbm4b:s14+s7], $0x800, $0x38;
	[tilespmem:$0x1FA00] =	vst v63  }
0x283: {  	s30 =	simm.s32 $0x12800;
	s14 =	sadd.s32 s25, s11  }
0x284: {  	[tilespmem:s30], [sflag:$0x5] =	stream.linear.gather [hbm4b:s14+s7], $0x800, $0x38;
	[tilespmem:$0x1FA00] =	vst v63  }
0x285: {  	s22 =	simm.s32 $0x14800;
	s11 =	sadd.s32 s31, s11  }
0x286: {  	[tilespmem:s22], [sflag:$0xB] =	stream.linear.gather [hbm4b:s11+s7], $0x800, $0x38;
	[tilespmem:$0x1FA00] =	vst v63  }
0x287: {  	_ =	swait.ge [sflag:s21], $0x800  }
0x288: {  	[sflag:s21] =	ssyncset.done $0x0  }
0x289: {  	[sflag:s21] =	ssyncadd.s32 $0xFFFFF800  }
0x28a: {  	_ =	swait.ge [sflag:s12], $0x800  }
0x28b: {  	[sflag:s12] =	ssyncset.done $0x0  }
0x28c: {  	[sflag:s12] =	ssyncadd.s32 $0xFFFFF800  }
0x28d: {  	_ =	swait.ge [sflag:s8], $0x800  }
0x28e: {  	p0 =	seq.s32 s5, $0x0;
	[sflag:s8] =	ssyncset.done $0x0  }
0x28f: {  	s11 =	simm.s32 @!p0 $0xE;
	[sflag:s8] =	ssyncadd.s32 $0xFFFFF800  }
0x290: {  	_ =	swait.ge @!p0 [sflag:s11], $0x800  }
0x291: {  	[sflag:s11] =	ssyncset.done @!p0 $0x0  }
0x292: {  	s24 =	simm.s32 $0x10020;
	[sflag:s11] =	ssyncadd.s32 @!p0 $0xFFFFF800  }
0x293: {  	v11 =	vld [tilespmem:s24+$0x10]  }
0x294: {  	v12 =	vld [tilespmem:s24+$0xFFFFFFF0]  }
0x295: {  	v13 =	vld [tilespmem:s24+$0xFFFFFFE0]  }
0x296: {  	s25 =	simm.s32 $0x12020;
	v14 =	vld [tilespmem:s24+$0x0]  }
0x297: {  	s30 =	simm.s32 $0x10060;
	v17 =	vld [tilespmem:s25+$0x10]  }
0x298: {  	v15 =	vld [tilespmem:s30+$0x10]  }
0x299: {  	v20 =	vld [tilespmem:s30+$0xFFFFFFF0]  }
0x29a: {  	v21 =	vld [tilespmem:s30+$0xFFFFFFE0]  }
0x29b: {  	v22 =	vld [tilespmem:s25+$0xFFFFFFE0]  }
0x29c: {  	v23 =	vld [tilespmem:s25+$0xFFFFFFF0]  }
0x29d: {  	v16 =	vld [tilespmem:s25+$0x0]  }
0x29e: {  	v11 =	vld.idx.msk [tilespmem:v11+s7+$0x0], $0xffff  }
0x29f: {  	v19 =	vld.idx.msk [tilespmem:v12+s7+$0x0], $0xffff  }
0x2a0: {  	v18 =	vld.idx.msk [tilespmem:v13+s7+$0x0], $0xffff  }
0x2a1: {  	v12 =	vld [tilespmem:s30+$0x0]  }
0x2a2: {  	v13 =	vld.idx.msk [tilespmem:v14+s7+$0x0], $0xffff  }
0x2a3: {  	s14 =	simm.s32 $0x12060;
	v15 =	vld.idx.msk [tilespmem:v15+s7+$0x0], $0xffff  }
0x2a4: {  	v11 =	vmul.f32 v11, v17;
	v17 =	vld [tilespmem:s14+$0x10]  }
0x2a5: {  	s11 =	simm.s32 $0x16020;
	v14 =	vld.idx.msk [tilespmem:v20+s7+$0x0], $0xffff;
	v18 =	vmul.f32 v18, v22  }
0x2a6: {  	s20 =	simm.s32 $0x4;
	s22 =	simm.s32 $0x100A0;
	v19 =	vmul.f32 v19, v23;
	[tilespmem:s11+$0x10] =	vst v11;
	v11 =	vld.idx.msk [tilespmem:v21+s7+$0x0], $0xffff  }
.LBB2_24:
0x2a7: {  	v20 =	vld [tilespmem:s22+$0x10];
	s20 =	sadd.s32 $0x4, s20;
	[tilespmem:s11+$0xFFFFFFE0] =	vst v18;
	v13 =	vmul.f32 v13, v16  }
0x2a8: {  	v18 =	vld [tilespmem:s22+$0xFFFFFFF0];
	p1 =	slt.u32 s20, $0x7C;
	[tilespmem:s11+$0xFFFFFFF0] =	vst v19  }
0x2a9: {  	v19 =	vld [tilespmem:s22+$0x0];
	v15 =	vmul.f32 v15, v17;
	[tilespmem:s11+$0x0] =	vst v13  }
0x2aa: {  	s11 =	sadd.s32 $0x40, s11;
	v21 =	vld [tilespmem:s22+$0xFFFFFFE0]  }
0x2ab: {  	v22 =	vmov v14;
	v13 =	vld.idx.msk [tilespmem:v12+s7+$0x0], $0xffff;
	[tilespmem:s11+$0x10] =	vst v15  }
0x2ac: {  	v23 =	vld [tilespmem:s14+$0xFFFFFFE0]  }
0x2ad: {  	v24 =	vld [tilespmem:s14+$0xFFFFFFF0]  }
.Ltmp18:
0x2ae: {  	v16 =	vld [tilespmem:s14+$0x0];
	v12 =	vmov v19;
	(pc) =	sbr.rel @p1 .LBB2_24-.Ltmp18, $4  }
0x2af: {  	s14 =	sadd.s32 $0x40, s14;
	v15 =	vld.idx.msk [tilespmem:v20+s7+$0x0], $0xffff  }
0x2b0: {  	v17 =	vld [tilespmem:s14+$0x10]  }
0x2b1: {  	v14 =	vld.idx.msk [tilespmem:v18+s7+$0x0], $0xffff;
	v18 =	vmul.f32 v11, v23  }
0x2b2: {  	s22 =	sadd.s32 $0x40, s22;
	v11 =	vld.idx.msk [tilespmem:v21+s7+$0x0], $0xffff;
	v19 =	vmul.f32 v22, v24  }
0x2b3: {  	_ =	sdelay $0x3  }
0x2b4: {  	v12 =	vld.idx.msk [tilespmem:v12+s7+$0x0], $0xffff  }
0x2b5: {  	v20 =	vld [tilespmem:s14+$0xFFFFFFE0]  }
0x2b6: {  	v21 =	vld [tilespmem:s14+$0xFFFFFFF0]  }
0x2b7: {  	v22 =	vld [tilespmem:s14+$0x0]  }
0x2b8: {  	[tilespmem:s11+$0xFFFFFFE0] =	vst v18;
	v13 =	vmul.f32 v13, v16  }
0x2b9: {  	[tilespmem:s11+$0xFFFFFFF0] =	vst v19;
	v15 =	vmul.f32 v15, v17  }
0x2ba: {  	s14 =	sadd.s32 $0x40, s11;
	[tilespmem:s11+$0x0] =	vst v13;
	v11 =	vmul.f32 v11, v20  }
0x2bb: {  	[tilespmem:s14+$0x10] =	vst v15;
	v13 =	vmul.f32 v14, v21  }
0x2bc: {  	[tilespmem:s14+$0xFFFFFFE0] =	vst v11;
	v11 =	vmul.f32 v12, v22  }
0x2bd: {  	[tilespmem:s14+$0xFFFFFFF0] =	vst v13  }
0x2be: {  	s20 =	rddreg [dreg:$0x5];
	s22 =	sor.u32 $0x200, s17;
	[tilespmem:s14+$0x0] =	vst v11  }
0x2bf: {  	[spmem:s20] =	stream.indirect.scatter.add.f32 [tilespmem:s28], [sflag:$0xE], $0x1, s13, s0, $0xb8;
	[tilespmem:$0x1FA00] =	vst v63  }
0x2c0: {  	s25 =	rddreg [dreg:$0x2];
	s24 =	sadd.s32 s23, s22;
	s20 =	simm.s32 $0x11000  }
0x2c1: {  	[tilespmem:s20], [sflag:$0x6] =	stream.linear.gather [hbm4b:s24+s7], $0x800, $0x38;
	[tilespmem:$0x1FA00] =	vst v63  }
0x2c2: {  	s30 =	simm.s32 $0x13000;
	s14 =	sadd.s32 s25, s22  }
0x2c3: {  	[tilespmem:s30], [sflag:$0x7] =	stream.linear.gather [hbm4b:s14+s7], $0x800, $0x38;
	[tilespmem:$0x1FA00] =	vst v63  }
0x2c4: {  	s11 =	sadd.s32 s31, s22;
	s22 =	simm.s32 $0x15000  }
0x2c5: {  	[tilespmem:s22], [sflag:$0xC] =	stream.linear.gather [hbm4b:s11+s7], $0x800, $0x38;
	[tilespmem:$0x1FA00] =	vst v63  }
0x2c6: {  	_ =	swait.ge [sflag:s19], $0x800  }
0x2c7: {  	[sflag:s19] =	ssyncset.done $0x0  }
0x2c8: {  	[sflag:s19] =	ssyncadd.s32 $0xFFFFF800  }
0x2c9: {  	_ =	swait.ge [sflag:s10], $0x800  }
0x2ca: {  	[sflag:s10] =	ssyncset.done $0x0  }
0x2cb: {  	[sflag:s10] =	ssyncadd.s32 $0xFFFFF800  }
0x2cc: {  	_ =	swait.ge [sflag:s18], $0x800  }
0x2cd: {  	[sflag:s18] =	ssyncset.done $0x0  }
0x2ce: {  	s11 =	simm.s32 @!p0 $0xF;
	[sflag:s18] =	ssyncadd.s32 $0xFFFFF800  }
0x2cf: {  	_ =	swait.ge @!p0 [sflag:s11], $0x800  }
0x2d0: {  	[sflag:s11] =	ssyncset.done @!p0 $0x0  }
0x2d1: {  	s24 =	simm.s32 $0x10820;
	[sflag:s11] =	ssyncadd.s32 @!p0 $0xFFFFF800  }
0x2d2: {  	v11 =	vld [tilespmem:s24+$0x10]  }
0x2d3: {  	v12 =	vld [tilespmem:s24+$0xFFFFFFF0]  }
0x2d4: {  	v13 =	vld [tilespmem:s24+$0xFFFFFFE0]  }
0x2d5: {  	s25 =	simm.s32 $0x12820;
	v14 =	vld [tilespmem:s24+$0x0]  }
0x2d6: {  	s30 =	simm.s32 $0x10860;
	v17 =	vld [tilespmem:s25+$0x10]  }
0x2d7: {  	v15 =	vld [tilespmem:s30+$0x10]  }
0x2d8: {  	v20 =	vld [tilespmem:s30+$0xFFFFFFF0]  }
0x2d9: {  	v62 =	vld [tilespmem:s30+$0xFFFFFFE0]  }
0x2da: {  	v63 =	vld [tilespmem:s25+$0xFFFFFFE0]  }
0x2db: {  	v23 =	vld [tilespmem:s25+$0xFFFFFFF0]  }
0x2dc: {  	v16 =	vld [tilespmem:s25+$0x0]  }
0x2dd: {  	v11 =	vld.idx.msk [tilespmem:v11+s7+$0x0], $0xffff  }
0x2de: {  	v19 =	vld.idx.msk [tilespmem:v12+s7+$0x0], $0xffff  }
0x2df: {  	v18 =	vld.idx.msk [tilespmem:v13+s7+$0x0], $0xffff  }
0x2e0: {  	v12 =	vld [tilespmem:s30+$0x0]  }
0x2e1: {  	v13 =	vld.idx.msk [tilespmem:v14+s7+$0x0], $0xffff  }
0x2e2: {  	s14 =	simm.s32 $0x12860;
	v15 =	vld.idx.msk [tilespmem:v15+s7+$0x0], $0xffff  }
0x2e3: {  	v11 =	vmul.f32 v11, v17;
	v17 =	vld [tilespmem:s14+$0x10]  }
0x2e4: {  	s11 =	simm.s32 $0x16820;
	v14 =	vld.idx.msk [tilespmem:v20+s7+$0x0], $0xffff;
	v18 =	vmul.f32 v18, v63  }
0x2e5: {  	s20 =	simm.s32 $0x4;
	s22 =	simm.s32 $0x108A0;
	v19 =	vmul.f32 v19, v23;
	[tilespmem:s11+$0x10] =	vst v11;
	v11 =	vld.idx.msk [tilespmem:v62+s7+$0x0], $0xffff  }
.LBB2_26:
0x2e6: {  	v20 =	vld [tilespmem:s22+$0x10];
	s20 =	sadd.s32 $0x4, s20;
	[tilespmem:s11+$0xFFFFFFE0] =	vst v18;
	v13 =	vmul.f32 v13, v16  }
0x2e7: {  	v18 =	vld [tilespmem:s22+$0xFFFFFFF0];
	p0 =	slt.u32 s20, $0x7C;
	[tilespmem:s11+$0xFFFFFFF0] =	vst v19  }
0x2e8: {  	v19 =	vld [tilespmem:s22+$0x0];
	v15 =	vmul.f32 v15, v17;
	[tilespmem:s11+$0x0] =	vst v13  }
0x2e9: {  	s11 =	sadd.s32 $0x40, s11;
	v21 =	vld [tilespmem:s22+$0xFFFFFFE0]  }
0x2ea: {  	v22 =	vmov v14;
	v13 =	vld.idx.msk [tilespmem:v12+s7+$0x0], $0xffff;
	[tilespmem:s11+$0x10] =	vst v15  }
0x2eb: {  	v23 =	vld [tilespmem:s14+$0xFFFFFFE0]  }
0x2ec: {  	v24 =	vld [tilespmem:s14+$0xFFFFFFF0]  }
.Ltmp19:
0x2ed: {  	v16 =	vld [tilespmem:s14+$0x0];
	v12 =	vmov v19;
	(pc) =	sbr.rel @p0 .LBB2_26-.Ltmp19, $4  }
0x2ee: {  	s14 =	sadd.s32 $0x40, s14;
	v15 =	vld.idx.msk [tilespmem:v20+s7+$0x0], $0xffff  }
0x2ef: {  	v17 =	vld [tilespmem:s14+$0x10]  }
0x2f0: {  	v14 =	vld.idx.msk [tilespmem:v18+s7+$0x0], $0xffff;
	v18 =	vmul.f32 v11, v23  }
0x2f1: {  	s22 =	sadd.s32 $0x40, s22;
	v11 =	vld.idx.msk [tilespmem:v21+s7+$0x0], $0xffff;
	v19 =	vmul.f32 v22, v24  }
0x2f2: {  	_ =	sdelay $0x3  }
0x2f3: {  	v12 =	vld.idx.msk [tilespmem:v12+s7+$0x0], $0xffff  }
0x2f4: {  	v20 =	vld [tilespmem:s14+$0xFFFFFFE0]  }
0x2f5: {  	v21 =	vld [tilespmem:s14+$0xFFFFFFF0]  }
0x2f6: {  	v22 =	vld [tilespmem:s14+$0x0]  }
0x2f7: {  	[tilespmem:s11+$0xFFFFFFE0] =	vst v18;
	v13 =	vmul.f32 v13, v16  }
0x2f8: {  	[tilespmem:s11+$0xFFFFFFF0] =	vst v19;
	v15 =	vmul.f32 v15, v17  }
0x2f9: {  	s24 =	sadd.s32 $0x40, s11;
	[tilespmem:s11+$0x0] =	vst v13;
	v11 =	vmul.f32 v11, v20  }
0x2fa: {  	[tilespmem:s24+$0x10] =	vst v15;
	v13 =	vmul.f32 v14, v21  }
0x2fb: {  	[tilespmem:s24+$0xFFFFFFE0] =	vst v11;
	v11 =	vmul.f32 v12, v22  }
0x2fc: {  	s22 =	rddreg [dreg:$0x5];
	[tilespmem:s24+$0xFFFFFFF0] =	vst v13  }
0x2fd: {  	s25 =	simm.s32 $0x14800;
	s30 =	simm.s32 $0x16800;
	s11 =	sor.u32 $0x300, s17;
	[tilespmem:s24+$0x0] =	vst v11  }
0x2fe: {  	[spmem:s22] =	stream.indirect.scatter.add.f32 [tilespmem:s30], [sflag:$0xF], $0x1, s25, s0, $0xb8;
	[tilespmem:$0x1FA00] =	vst v63  }
0x2ff: {  	s20 =	rddreg [dreg:$0x2];
	s17 =	simm.s32 $0x11800;
	s0 =	sadd.s32 s23, s11  }
0x300: {  	[tilespmem:s17], [sflag:$0x8] =	stream.linear.gather [hbm4b:s0+s7], $0x800, $0x38;
	[tilespmem:$0x1FA00] =	vst v63  }
0x301: {  	s25 =	sadd.s32 s20, s11;
	s30 =	simm.s32 $0x13800  }
0x302: {  	[tilespmem:s30], [sflag:$0x9] =	stream.linear.gather [hbm4b:s25+s7], $0x800, $0x38;
	[tilespmem:$0x1FA00] =	vst v63  }
0x303: {  	s11 =	sadd.s32 s31, s11  }
0x304: {  	[tilespmem:s29], [sflag:$0xD] =	stream.linear.gather [hbm4b:s11+s7], $0x800, $0x38;
	[tilespmem:$0x1FA00] =	vst v63  }
0x305: {  	_ =	swait.ge [sflag:s1], $0x800  }
0x306: {  	[sflag:s1] =	ssyncset.done $0x0  }
0x307: {  	[sflag:s1] =	ssyncadd.s32 $0xFFFFF800  }
0x308: {  	_ =	swait.ge [sflag:s2], $0x800  }
0x309: {  	[sflag:s2] =	ssyncset.done $0x0  }
0x30a: {  	[sflag:s2] =	ssyncadd.s32 $0xFFFFF800  }
0x30b: {  	_ =	swait.ge [sflag:s3], $0x800  }
0x30c: {  	[sflag:s3] =	ssyncset.done $0x0  }
0x30d: {  	s17 =	simm.s32 $0xE;
	[sflag:s3] =	ssyncadd.s32 $0xFFFFF800  }
0x30e: {  	_ =	swait.ge [sflag:s17], $0x800  }
0x30f: {  	[sflag:s17] =	ssyncset.done $0x0  }
0x310: {  	s20 =	simm.s32 $0x11020;
	[sflag:s17] =	ssyncadd.s32 $0xFFFFF800  }
0x311: {  	v11 =	vld [tilespmem:s20+$0x10]  }
0x312: {  	v12 =	vld [tilespmem:s20+$0xFFFFFFF0]  }
0x313: {  	v13 =	vld [tilespmem:s20+$0xFFFFFFE0]  }
0x314: {  	s25 =	simm.s32 $0x13020;
	v14 =	vld [tilespmem:s20+$0x0]  }
0x315: {  	s30 =	simm.s32 $0x11060;
	v17 =	vld [tilespmem:s25+$0x10]  }
0x316: {  	v15 =	vld [tilespmem:s30+$0x10]  }
0x317: {  	v20 =	vld [tilespmem:s30+$0xFFFFFFF0]  }
0x318: {  	v62 =	vld [tilespmem:s30+$0xFFFFFFE0]  }
0x319: {  	v63 =	vld [tilespmem:s25+$0xFFFFFFE0]  }
0x31a: {  	v23 =	vld [tilespmem:s25+$0xFFFFFFF0]  }
0x31b: {  	v16 =	vld [tilespmem:s25+$0x0]  }
0x31c: {  	v11 =	vld.idx.msk [tilespmem:v11+s7+$0x0], $0xffff  }
0x31d: {  	v19 =	vld.idx.msk [tilespmem:v12+s7+$0x0], $0xffff  }
0x31e: {  	v18 =	vld.idx.msk [tilespmem:v13+s7+$0x0], $0xffff  }
0x31f: {  	v12 =	vld [tilespmem:s30+$0x0]  }
0x320: {  	v13 =	vld.idx.msk [tilespmem:v14+s7+$0x0], $0xffff  }
0x321: {  	s14 =	simm.s32 $0x13060;
	v15 =	vld.idx.msk [tilespmem:v15+s7+$0x0], $0xffff  }
0x322: {  	v11 =	vmul.f32 v11, v17;
	v17 =	vld [tilespmem:s14+$0x10]  }
0x323: {  	s11 =	simm.s32 $0x16020;
	v14 =	vld.idx.msk [tilespmem:v20+s7+$0x0], $0xffff;
	v18 =	vmul.f32 v18, v63  }
0x324: {  	s24 =	simm.s32 $0x800;
	s17 =	simm.s32 $0x4;
	s20 =	simm.s32 $0x110A0;
	v19 =	vmul.f32 v19, v23;
	[tilespmem:s11+$0x10] =	vst v11;
	v11 =	vld.idx.msk [tilespmem:v62+s7+$0x0], $0xffff  }
.LBB2_28:
0x325: {  	v20 =	vld [tilespmem:s20+$0x10];
	s17 =	sadd.s32 $0x4, s17;
	[tilespmem:s11+$0xFFFFFFE0] =	vst v18;
	v13 =	vmul.f32 v13, v16  }
0x326: {  	v18 =	vld [tilespmem:s20+$0xFFFFFFF0];
	p0 =	slt.u32 s17, $0x7C;
	[tilespmem:s11+$0xFFFFFFF0] =	vst v19  }
0x327: {  	v19 =	vld [tilespmem:s20+$0x0];
	v15 =	vmul.f32 v15, v17;
	[tilespmem:s11+$0x0] =	vst v13  }
0x328: {  	s11 =	sadd.s32 $0x40, s11;
	v21 =	vld [tilespmem:s20+$0xFFFFFFE0]  }
0x329: {  	v22 =	vmov v14;
	v13 =	vld.idx.msk [tilespmem:v12+s7+$0x0], $0xffff;
	[tilespmem:s11+$0x10] =	vst v15  }
0x32a: {  	v23 =	vld [tilespmem:s14+$0xFFFFFFE0]  }
0x32b: {  	v24 =	vld [tilespmem:s14+$0xFFFFFFF0]  }
.Ltmp20:
0x32c: {  	v16 =	vld [tilespmem:s14+$0x0];
	v12 =	vmov v19;
	(pc) =	sbr.rel @p0 .LBB2_28-.Ltmp20, $4  }
0x32d: {  	s14 =	sadd.s32 $0x40, s14;
	v15 =	vld.idx.msk [tilespmem:v20+s7+$0x0], $0xffff  }
0x32e: {  	v17 =	vld [tilespmem:s14+$0x10]  }
0x32f: {  	v14 =	vld.idx.msk [tilespmem:v18+s7+$0x0], $0xffff;
	v18 =	vmul.f32 v11, v23  }
0x330: {  	s20 =	sadd.s32 $0x40, s20;
	v11 =	vld.idx.msk [tilespmem:v21+s7+$0x0], $0xffff;
	v19 =	vmul.f32 v22, v24  }
0x331: {  	_ =	sdelay $0x3  }
0x332: {  	v12 =	vld.idx.msk [tilespmem:v12+s7+$0x0], $0xffff  }
0x333: {  	v20 =	vld [tilespmem:s14+$0xFFFFFFE0]  }
0x334: {  	v21 =	vld [tilespmem:s14+$0xFFFFFFF0]  }
0x335: {  	v22 =	vld [tilespmem:s14+$0x0]  }
0x336: {  	[tilespmem:s11+$0xFFFFFFE0] =	vst v18;
	v13 =	vmul.f32 v13, v16  }
0x337: {  	[tilespmem:s11+$0xFFFFFFF0] =	vst v19;
	v15 =	vmul.f32 v15, v17  }
0x338: {  	s0 =	sadd.s32 $0x40, s11;
	[tilespmem:s11+$0x0] =	vst v13;
	v11 =	vmul.f32 v11, v20  }
0x339: {  	[tilespmem:s0+$0x10] =	vst v15;
	v13 =	vmul.f32 v14, v21  }
0x33a: {  	[tilespmem:s0+$0xFFFFFFE0] =	vst v11;
	v11 =	vmul.f32 v12, v22  }
0x33b: {  	[tilespmem:s0+$0xFFFFFFF0] =	vst v13  }
0x33c: {  	s14 =	simm.s32 $0x15000;
	[tilespmem:s0+$0x0] =	vst v11  }
0x33d: {  	[spmem:s22] =	stream.indirect.scatter.add.f32 [tilespmem:s28], [sflag:$0xE], $0x1, s14, s24, $0xb8;
	[tilespmem:$0x1FA00] =	vst v63  }
0x33e: {  	p0 =	seq.s32 s5, $0xF;
	s11 =	rddreg [dreg:$0x12]  }
0x33f: {  	s11 =	sadd.s32 @!p0 s9, s11  }
0x340: {  	s17 =	simm.s32 @!p0 $0x0;
	s11 =	sshrl.u32 @!p0 s11, $0x3  }
0x341: {  	s20 =	simm.s32 @!p0 $0x10000;
	s0 =	rddreg [dreg:$0x2];
	s14 =	sadd.s32 @!p0 s23, s11  }
0x342: {  	[tilespmem:s20], [sflag:$0x2] =	stream.linear.gather @!p0 [hbm4b:s14+s17], $0x800, $0x38;
	[tilespmem:$0x1FA00] =	vst v63  }
0x343: {  	s14 =	sadd.s32 @!p0 s0, s11;
	s20 =	simm.s32 @!p0 $0x12000  }
0x344: {  	[tilespmem:s20], [sflag:$0x3] =	stream.linear.gather @!p0 [hbm4b:s14+s17], $0x800, $0x38;
	[tilespmem:$0x1FA00] =	vst v63  }
0x345: {  	s11 =	sadd.s32 @!p0 s31, s11;
	s14 =	simm.s32 @!p0 $0x14000  }
0x346: {  	[tilespmem:s14], [sflag:$0xA] =	stream.linear.gather @!p0 [hbm4b:s11+s17], $0x800, $0x38;
	[tilespmem:$0x1FA00] =	vst v63  }
0x347: {  	s17 =	simm.s32 $0x8  }
0x348: {  	_ =	swait.ge [sflag:s17], $0x800  }
0x349: {  	[sflag:s17] =	ssyncset.done $0x0  }
0x34a: {  	[sflag:s17] =	ssyncadd.s32 $0xFFFFF800  }
0x34b: {  	_ =	swait.ge [sflag:s4], $0x800  }
0x34c: {  	[sflag:s4] =	ssyncset.done $0x0  }
0x34d: {  	[sflag:s4] =	ssyncadd.s32 $0xFFFFF800  }
0x34e: {  	_ =	swait.ge [sflag:s26], $0x800  }
0x34f: {  	[sflag:s26] =	ssyncset.done $0x0  }
0x350: {  	s20 =	simm.s32 $0xF;
	[sflag:s26] =	ssyncadd.s32 $0xFFFFF800  }
0x351: {  	_ =	swait.ge [sflag:s20], $0x800  }
0x352: {  	[sflag:s20] =	ssyncset.done $0x0  }
0x353: {  	s24 =	simm.s32 $0x11820;
	[sflag:s20] =	ssyncadd.s32 $0xFFFFF800  }
0x354: {  	v11 =	vld [tilespmem:s24+$0x10]  }
0x355: {  	v12 =	vld [tilespmem:s24+$0xFFFFFFF0]  }
0x356: {  	v13 =	vld [tilespmem:s24+$0xFFFFFFE0]  }
0x357: {  	s25 =	simm.s32 $0x13820;
	v14 =	vld [tilespmem:s24+$0x0]  }
0x358: {  	s30 =	simm.s32 $0x11860;
	v17 =	vld [tilespmem:s25+$0x10]  }
0x359: {  	v15 =	vld [tilespmem:s30+$0x10]  }
0x35a: {  	v20 =	vld [tilespmem:s30+$0xFFFFFFF0]  }
0x35b: {  	v62 =	vld [tilespmem:s30+$0xFFFFFFE0]  }
0x35c: {  	v63 =	vld [tilespmem:s25+$0xFFFFFFE0]  }
0x35d: {  	v23 =	vld [tilespmem:s25+$0xFFFFFFF0]  }
0x35e: {  	v16 =	vld [tilespmem:s25+$0x0]  }
0x35f: {  	v11 =	vld.idx.msk [tilespmem:v11+s7+$0x0], $0xffff  }
0x360: {  	v19 =	vld.idx.msk [tilespmem:v12+s7+$0x0], $0xffff  }
0x361: {  	v18 =	vld.idx.msk [tilespmem:v13+s7+$0x0], $0xffff  }
0x362: {  	v12 =	vld [tilespmem:s30+$0x0]  }
0x363: {  	v13 =	vld.idx.msk [tilespmem:v14+s7+$0x0], $0xffff  }
0x364: {  	s14 =	simm.s32 $0x13860;
	v15 =	vld.idx.msk [tilespmem:v15+s7+$0x0], $0xffff  }
0x365: {  	v11 =	vmul.f32 v11, v17;
	v17 =	vld [tilespmem:s14+$0x10]  }
0x366: {  	s11 =	simm.s32 $0x16820;
	v14 =	vld.idx.msk [tilespmem:v20+s7+$0x0], $0xffff;
	v18 =	vmul.f32 v18, v63  }
0x367: {  	s17 =	simm.s32 $0x4;
	s20 =	simm.s32 $0x118A0;
	v19 =	vmul.f32 v19, v23;
	[tilespmem:s11+$0x10] =	vst v11;
	v11 =	vld.idx.msk [tilespmem:v62+s7+$0x0], $0xffff  }
.LBB2_30:
0x368: {  	v20 =	vld [tilespmem:s20+$0x10];
	s17 =	sadd.s32 $0x4, s17;
	[tilespmem:s11+$0xFFFFFFE0] =	vst v18;
	v13 =	vmul.f32 v13, v16  }
0x369: {  	v18 =	vld [tilespmem:s20+$0xFFFFFFF0];
	p0 =	slt.u32 s17, $0x7C;
	[tilespmem:s11+$0xFFFFFFF0] =	vst v19  }
0x36a: {  	v19 =	vld [tilespmem:s20+$0x0];
	v15 =	vmul.f32 v15, v17;
	[tilespmem:s11+$0x0] =	vst v13  }
0x36b: {  	s11 =	sadd.s32 $0x40, s11;
	v21 =	vld [tilespmem:s20+$0xFFFFFFE0]  }
0x36c: {  	v22 =	vmov v14;
	v13 =	vld.idx.msk [tilespmem:v12+s7+$0x0], $0xffff;
	[tilespmem:s11+$0x10] =	vst v15  }
0x36d: {  	v23 =	vld [tilespmem:s14+$0xFFFFFFE0]  }
0x36e: {  	v24 =	vld [tilespmem:s14+$0xFFFFFFF0]  }
.Ltmp21:
0x36f: {  	v16 =	vld [tilespmem:s14+$0x0];
	v12 =	vmov v19;
	(pc) =	sbr.rel @p0 .LBB2_30-.Ltmp21, $4  }
0x370: {  	s14 =	sadd.s32 $0x40, s14;
	v15 =	vld.idx.msk [tilespmem:v20+s7+$0x0], $0xffff  }
0x371: {  	v17 =	vld [tilespmem:s14+$0x10]  }
0x372: {  	v14 =	vld.idx.msk [tilespmem:v18+s7+$0x0], $0xffff;
	v18 =	vmul.f32 v11, v23  }
0x373: {  	s20 =	sadd.s32 $0x40, s20;
	v11 =	vld.idx.msk [tilespmem:v21+s7+$0x0], $0xffff;
	v19 =	vmul.f32 v22, v24  }
0x374: {  	_ =	sdelay $0x3  }
0x375: {  	v12 =	vld.idx.msk [tilespmem:v12+s7+$0x0], $0xffff  }
0x376: {  	v20 =	vld [tilespmem:s14+$0xFFFFFFE0]  }
0x377: {  	v21 =	vld [tilespmem:s14+$0xFFFFFFF0]  }
0x378: {  	v22 =	vld [tilespmem:s14+$0x0]  }
0x379: {  	[tilespmem:s11+$0xFFFFFFE0] =	vst v18;
	v13 =	vmul.f32 v13, v16  }
0x37a: {  	s5 =	sadd.s32 $0x1, s5;
	[tilespmem:s11+$0xFFFFFFF0] =	vst v19;
	v15 =	vmul.f32 v15, v17  }
0x37b: {  	s25 =	sadd.s32 $0x40, s11;
	p0 =	sne.s32 s5, $0x10;
	[tilespmem:s11+$0x0] =	vst v13;
	v11 =	vmul.f32 v11, v20  }
.Ltmp22:
0x37c: {  	[tilespmem:s25+$0x10] =	vst v15;
	v63 =	vmul.f32 v14, v21;
	(pc) =	sbr.rel @p0 .LBB2_23-.Ltmp22, $4  }
0x37d: {  	[tilespmem:s25+$0xFFFFFFE0] =	vst v11;
	v11 =	vmul.f32 v12, v22  }
0x37e: {  	[tilespmem:s25+$0xFFFFFFF0] =	vst v63  }
0x37f: {  	s0 =	simm.s32 $0x800;
	s30 =	simm.s32 $0x16800;
	[tilespmem:s25+$0x0] =	vst v11  }
0x380: {  	[spmem:s22] =	stream.indirect.scatter.add.f32 [tilespmem:s30], [sflag:$0xF], $0x1, s29, s0, $0xb8;
	[tilespmem:$0x1FA00] =	vst v63  }
0x381: {  	s0 =	simm.s32 $0xE  }
0x382: {  	_ =	swait.ge [sflag:s0], $0x800  }
.Ltmp23:
0x383: {  	[sflag:s0] =	ssyncset.done $0x0;
	(pc) =	sbr.rel .LBB2_33-.Ltmp23, $4  }
0x384: {  	s31 =	simm.s32 $0xF;
	[sflag:s0] =	ssyncadd.s32 $0xFFFFF800  }
0x385: {  	_ =	swait.ge [sflag:s31], $0x800  }
0x386: {  	[sflag:s31] =	ssyncset.done $0x0  }
0x387: {  	[sflag:s31] =	ssyncadd.s32 $0xFFFFF800  }
.LBB2_34:
0x388: {  	_ =	sfence.sel $0x180000  }
0x389: {  	[bflag:$0x0] =	sbarrier.arrive $0xFFFF  }
0x38a: {  	_ =	strace $0x90000047  }
0x38b: {  	s0 =	stileid.u32;
	[bflag:$0x2] =	sbarrier.arrive $0xFFFF  }
0x38c: {  	p0 =	sne.s32 s0, $0x0;
	s0 =	rddreg [dreg:$0x6]  }
0x38d: {  	s0 =	sadd.s32 @!p0 $0x100000, s0  }
0x38e: {  	[sflag:s0] =	ssyncadd.tile.s32 @!p0 $0x1;
	_ =	shalt  }
.Lfunc_end2:
_tile_overlayer_lowered:
.L_overlay_start_2:
0x38f: {  	(tag) =	ssettag $0x2  }
0x390: {  	s0 =	rddreg [dreg:$0x0];
	s2 =	stileid.u32  }
0x391: {  	s1 =	rddreg [dreg:$0x1];
	p0 =	sne.s32 s2, $0x0  }
0x392: {  	s3 =	rddreg [dreg:$0x2];
	[bflag:$0x3] =	sbarrier.arrive $0xFFFF;
	s2 =	simm.s32 @!p0 $0x1C12  }
0x393: {  	[timem:s3], [sflag:s2] =	dma.local @!p0 [hbm:s0], s1  }
0x394: {  	s0 =	simm.s32 @!p0 $0x12  }
0x395: {  	_ =	swait.ge @!p0 [sflag:s0], s1  }
0x396: {  	s1 =	ssub.s32 @!p0 $0x0, s1;
	[sflag:s0] =	ssyncset.done @!p0 $0x0  }
0x397: {  	[sflag:s0] =	ssyncadd.s32 @!p0 s1  }
0x398: {  	[bflag:$0x3] =	sbarrier.arrive $0xFFFF  }
0x399: {  	_ =	shalt  }

</sc_bundles>
